<compile_context>
chip_gen: v7x
topology: tpu7x:2x2x1
jax: 0.10.2.dev20260603
libtpu: 0.0.44.dev20260713+nightly
codegen_flags: <defaults>
</compile_context>

<pallas_src>
import jax
import jax.numpy as jnp
from jax import lax
from jax.experimental import pallas as pl
from jax.experimental.pallas import tpu as pltpu
from jax.experimental.pallas import tpu_sc as plsc

EMB = 1024
PAD = 1
L = 16
NC, NS = 2, 16
NW = NC * NS
BSZ, SEQ = 4, 4096
ROWS = BSZ * SEQ
RPW = ROWS // NW
WPB = NW // BSZ
CPW = SEQ // WPB
CH = 16
NG = RPW // CH
NB = 6


def _body(tok_hbm, w_hbm, out_hbm, tok_v,
          b0, b1, b2, b3, b4, b5,
          g0, g1, g2, g3, g4, g5,
          w0, w1, w2, w3, w4, w5):
    wid = lax.axis_index("s") * NC + lax.axis_index("c")
    b = wid // WPB
    c = wid % WPB
    pltpu.sync_copy(tok_hbm.at[b], tok_v)

    def pre(i, acc):
        q0 = tok_v[pl.ds(i * 4 * L, L)]
        q1 = tok_v[pl.ds(i * 4 * L + L, L)]
        q2 = tok_v[pl.ds(i * 4 * L + 2 * L, L)]
        q3 = tok_v[pl.ds(i * 4 * L + 3 * L, L)]
        acc = acc + jnp.where(q0 == PAD, 0, 1) + jnp.where(q1 == PAD, 0, 1)
        return acc + jnp.where(q2 == PAD, 0, 1) + jnp.where(q3 == PAD, 0, 1)

    acc = lax.fori_loop(0, c * (CPW // (4 * L)), pre,
                        jnp.zeros((L,), jnp.int32))
    carry0 = jnp.sum(acc)

    def pos_chunk(g, carry):
        grp = tok_v[pl.ds(c * CPW + g * CH, L)]
        m = jnp.where(grp == PAD, 0, 1)
        cs = plsc.cumsum(m)
        pos = (carry + cs) * m + PAD
        return carry + jnp.sum(m), pos

    base = wid * RPW
    bufs = (b0, b1, b2, b3, b4, b5)[:NB]
    gsems = (g0, g1, g2, g3, g4, g5)[:NB]
    wsems = (w0, w1, w2, w3, w4, w5)[:NB]
    P = NB - 1

    def start(g, pos):
        return pltpu.async_copy(w_hbm.at[pos], bufs[g % NB], gsems[g % NB])

    carry = carry0
    gh = [None] * NG
    wh = [None] * NG
    for g in range(P):
        carry, pos = pos_chunk(g, carry)
        gh[g] = start(g, pos)
    for g in range(NG):
        p = g % NB
        if g + P < NG:
            carry, pos = pos_chunk(g + P, carry)
            if g - 1 >= 0:
                wh[g - 1].wait()
            gh[g + P] = start(g + P, pos)
        gh[g].wait()
        wh[g] = pltpu.async_copy(bufs[p],
                                 out_hbm.at[pl.ds(base + g * CH, CH)],
                                 wsems[p])
    for k in range(NB):
        wh[NG - NB + k].wait()


@jax.jit
def _sc_embed(tokens, weights):
    mesh = plsc.VectorSubcoreMesh(core_axis_name="c", subcore_axis_name="s",
                                  num_cores=NC, num_subcores=NS)
    return pl.kernel(
        _body,
        out_type=jax.ShapeDtypeStruct((ROWS, EMB), jnp.float32),
        mesh=mesh,
        compiler_params=pltpu.CompilerParams(needs_layout_passes=False,
                                             skip_device_barrier=True),
        scratch_types=(
            [pltpu.VMEM((SEQ,), jnp.int32)]
            + [pltpu.VMEM((CH, EMB), jnp.float32)] * NB
            + [pltpu.SemaphoreType.DMA] * (2 * NB)
        ),
    )(tokens, weights)


def kernel(input, weights):
    bsz, seq_len = input.shape
    out = _sc_embed(input, weights)
    return lax.stop_gradient(out.reshape(bsz, seq_len, -1))

# --- scband reference (transcript-rebuilt; emitter-appended) ---
"""Pipeline reference for scband-sinusoidal-positional-embedding-18537078850085 (READ-ONLY COPY).

The authoritative reference and input builder live on the scoring server;
editing this copy changes nothing except your own understanding.
"""

import jax, jax.numpy as jnp
import numpy as np
import math

EMB_DIM = 1024
PADDING_IDX = 1
INIT_SIZE = 8192
BSZ = 4
SEQ_LEN = 4096
VOCAB = 32000


def get_embedding(num_embeddings, embedding_dim, padding_idx=None):
    half_dim = embedding_dim // 2
    emb = math.log(10000) / (half_dim - 1)
    emb = jnp.exp(jnp.arange(half_dim, dtype=jnp.float32) * -emb)
    emb = jnp.arange(num_embeddings, dtype=jnp.float32)[:, None] * emb[None, :]
    emb = jnp.concatenate([jnp.sin(emb), jnp.cos(emb)], axis=1).reshape(num_embeddings, -1)
    if embedding_dim % 2 == 1:
        emb = jnp.concatenate([emb, jnp.zeros((num_embeddings, 1), dtype=jnp.float32)], axis=1)
    if padding_idx is not None:
        emb = emb.at[padding_idx, :].set(0.0)
    return emb


def make_positions(tokens, padding_idx):
    # fairseq utils.make_positions: position numbers begin at padding_idx+1,
    # padding symbols are ignored (kept at padding_idx).
    mask = (tokens != padding_idx).astype(jnp.int32)
    positions = jnp.cumsum(mask, axis=1) * mask + padding_idx
    return positions


def setup_inputs(seed: int = 0) -> dict:
    key = jax.random.key(seed)
    k1, k2 = jax.random.split(key)
    input_ids = jax.random.randint(k1, (BSZ, SEQ_LEN), 0, VOCAB, dtype=jnp.int32)
    # Learned/buffer parameter: sinusoidal embedding table sized per init_kwargs.
    weights = get_embedding(INIT_SIZE, EMB_DIM, PADDING_IDX)
    return {"input": input_ids, "weights": weights}


def reference(input, weights):
    bsz, seq_len = input.shape
    positions = make_positions(input, PADDING_IDX)
    flat = jnp.take(weights, positions.reshape(-1), axis=0)
    emb = flat.reshape(bsz, seq_len, -1)
    return jax.lax.stop_gradient(emb)

if __name__ == "__main__":
    import jax
    _d = setup_inputs()
    print(jax.jit(kernel)(*tuple(_d.values())))

</pallas_src>

<mosaic_0001>
#map = affine_map<(d0, d1) -> (0, 0)>
module attributes {stable_mosaic.version = 14 : i64} {
  func.func @_body(%arg0: i32, %arg1: i32, %arg2: memref<4x4096xi32, #tpu.memory_space<hbm>>, %arg3: memref<8192x1024xf32, #tpu.memory_space<hbm>>, %arg4: memref<16384x1024xf32, #tpu.memory_space<hbm>>, %arg5: memref<4096xi32, #tpu.memory_space<vmem>>, %arg6: memref<16x1024xf32, #tpu.memory_space<vmem>>, %arg7: memref<16x1024xf32, #tpu.memory_space<vmem>>, %arg8: memref<16x1024xf32, #tpu.memory_space<vmem>>, %arg9: memref<16x1024xf32, #tpu.memory_space<vmem>>, %arg10: memref<16x1024xf32, #tpu.memory_space<vmem>>, %arg11: memref<16x1024xf32, #tpu.memory_space<vmem>>, %arg12: memref<!tpu.dma_semaphore, #tpu.memory_space<semaphore_mem>>, %arg13: memref<!tpu.dma_semaphore, #tpu.memory_space<semaphore_mem>>, %arg14: memref<!tpu.dma_semaphore, #tpu.memory_space<semaphore_mem>>, %arg15: memref<!tpu.dma_semaphore, #tpu.memory_space<semaphore_mem>>, %arg16: memref<!tpu.dma_semaphore, #tpu.memory_space<semaphore_mem>>, %arg17: memref<!tpu.dma_semaphore, #tpu.memory_space<semaphore_mem>>, %arg18: memref<!tpu.dma_semaphore, #tpu.memory_space<semaphore_mem>>, %arg19: memref<!tpu.dma_semaphore, #tpu.memory_space<semaphore_mem>>, %arg20: memref<!tpu.dma_semaphore, #tpu.memory_space<semaphore_mem>>, %arg21: memref<!tpu.dma_semaphore, #tpu.memory_space<semaphore_mem>>, %arg22: memref<!tpu.dma_semaphore, #tpu.memory_space<semaphore_mem>>, %arg23: memref<!tpu.dma_semaphore, #tpu.memory_space<semaphore_mem>>) attributes {dimension_semantics = [#tpu.dimension_semantics<core_parallel>, #tpu.dimension_semantics<subcore_parallel>], iteration_bounds = array<i64: 2, 16>, scalar_prefetch = 0 : i64, scratch_operands = 19 : i64, tpu.core_type = #tpu.core_type<sc_vector_subcore>, window_params = [{transform_indices = #map}, {transform_indices = #map}, {transform_indices = #map}]} {
    %mul3A = arith.constant 2 : i32
    %mul3A_0 = arith.muli %arg1, %mul3A : i32
    %add3A = arith.addi %mul3A_0, %arg0 : i32
    %jit3A = arith.constant 8 : i32
    %div3A = arith.divsi %add3A, %jit3A : i32
    %sign3A = arith.constant 0 : i32
    %sign3A_1 = arith.cmpi sgt, %add3A, %sign3A : i32
    %sign3A_2 = arith.extui %sign3A_1 : i1 to i32
    %sign3A_3 = arith.constant 0 : i32
    %sign3A_4 = arith.cmpi slt, %add3A, %sign3A_3 : i32
    %sign3A_5 = arith.extui %sign3A_4 : i1 to i32
    %sign3A_6 = arith.subi %sign3A_2, %sign3A_5 : i32
    %sign3A_7 = arith.constant 0 : i32
    %sign3A_8 = arith.cmpi sgt, %jit3A, %sign3A_7 : i32
    %sign3A_9 = arith.extui %sign3A_8 : i1 to i32
    %sign3A_10 = arith.constant 0 : i32
    %sign3A_11 = arith.cmpi slt, %jit3A, %sign3A_10 : i32
    %sign3A_12 = arith.extui %sign3A_11 : i1 to i32
    %sign3A_13 = arith.subi %sign3A_9, %sign3A_12 : i32
    %ne3A = arith.cmpi ne, %sign3A_6, %sign3A_13 : i32
    %rem3A = arith.remsi %add3A, %jit3A : i32
    %ne3A_14 = arith.constant 0 : i32
    %ne3A_15 = arith.cmpi ne, %rem3A, %ne3A_14 : i32
    %and3A = arith.andi %ne3A, %ne3A_15 : i1
    %sub3A = arith.constant 1 : i32
    %sub3A_16 = arith.subi %div3A, %sub3A : i32
    %select_n3A = arith.select %and3A, %sub3A_16, %div3A : i32
    %jit3A_17 = arith.constant 8 : i32
    %eq3A = arith.constant 0 : i32
    %eq3A_18 = arith.cmpi eq, %jit3A_17, %eq3A : i32
    %jit3A_19 = arith.constant 1 : i32
    %select_n3A_20 = arith.select %eq3A_18, %jit3A_19, %jit3A_17 : i32
    %rem3A_21 = arith.remsi %add3A, %select_n3A_20 : i32
    %ne3A_22 = arith.constant 0 : i32
    %ne3A_23 = arith.cmpi ne, %rem3A_21, %ne3A_22 : i32
    %lt3A = arith.constant 0 : i32
    %lt3A_24 = arith.cmpi slt, %rem3A_21, %lt3A : i32
    %lt3A_25 = arith.constant 0 : i32
    %lt3A_26 = arith.cmpi slt, %select_n3A_20, %lt3A_25 : i32
    %ne3A_27 = arith.xori %lt3A_24, %lt3A_26 : i1
    %and3A_28 = arith.andi %ne3A_27, %ne3A_23 : i1
    %add3A_29 = arith.addi %rem3A_21, %select_n3A_20 : i32
    %select_n3A_30 = arith.select %and3A_28, %add3A_29, %rem3A_21 : i32
    "tpu.region"() ({
      %run_scoped3A = tpu.sem_alloc : memref<!tpu.dma_semaphore, #tpu.memory_space<semaphore_mem>>
      %dma_start3A_1453 = arith.constant 0 : i32
      %dma_start3A_1454 = tpu.memref_slice %arg2[%select_n3A, %dma_start3A_1453] : memref<4x4096xi32, #tpu.memory_space<hbm>> -> memref<1x4096xi32, #tpu.memory_space<hbm>>
      %dma_start3A_1455 = tpu.memref_squeeze %dma_start3A_1454 : memref<1x4096xi32, #tpu.memory_space<hbm>> -> memref<4096xi32, #tpu.memory_space<hbm>>
      %dma_start3A_1456 = arith.constant 0 : i32
      %dma_start3A_1457 = tpu.memref_slice %arg2[%select_n3A, %dma_start3A_1456] : memref<4x4096xi32, #tpu.memory_space<hbm>> -> memref<1x4096xi32, #tpu.memory_space<hbm>>
      %dma_start3A_1458 = tpu.memref_squeeze %dma_start3A_1457 : memref<1x4096xi32, #tpu.memory_space<hbm>> -> memref<4096xi32, #tpu.memory_space<hbm>>
      tpu.enqueue_dma source(%dma_start3A_1458 : memref<4096xi32, #tpu.memory_space<hbm>>) target(%arg5 : memref<4096xi32, #tpu.memory_space<vmem>>) target_semaphore(%run_scoped3A : memref<!tpu.dma_semaphore, #tpu.memory_space<semaphore_mem>>)
      %dma_wait3A_1459 = arith.constant 0 : i32
      %dma_wait3A_1460 = tpu.memref_slice %arg2[%select_n3A, %dma_wait3A_1459] : memref<4x4096xi32, #tpu.memory_space<hbm>> -> memref<1x4096xi32, #tpu.memory_space<hbm>>
      %dma_wait3A_1461 = tpu.memref_squeeze %dma_wait3A_1460 : memref<1x4096xi32, #tpu.memory_space<hbm>> -> memref<4096xi32, #tpu.memory_space<hbm>>
      %dma_wait3A_1462 = arith.constant 0 : i32
      %dma_wait3A_1463 = tpu.memref_slice %arg2[%select_n3A, %dma_wait3A_1462] : memref<4x4096xi32, #tpu.memory_space<hbm>> -> memref<1x4096xi32, #tpu.memory_space<hbm>>
      %dma_wait3A_1464 = tpu.memref_squeeze %dma_wait3A_1463 : memref<1x4096xi32, #tpu.memory_space<hbm>> -> memref<4096xi32, #tpu.memory_space<hbm>>
      tpu.wait_dma2 semaphore(%run_scoped3A : memref<!tpu.dma_semaphore, #tpu.memory_space<semaphore_mem>>) src(%dma_wait3A_1464 : memref<4096xi32, #tpu.memory_space<hbm>>) dst(%arg5 : memref<4096xi32, #tpu.memory_space<vmem>>)
      tpu.yield
    }) : () -> ()
    %mul3A_31 = arith.constant 8 : i32
    %mul3A_32 = arith.muli %select_n3A_30, %mul3A_31 : i32
    %broadcast_in_dim3A = arith.constant 0 : i32
    %broadcast_in_dim3A_33 = vector.broadcast %broadcast_in_dim3A : i32 to vector<16xi32>
    %while3A = arith.constant 0 : i32
    %while3A_34 = arith.subi %mul3A_32, %while3A : i32
    %while3A_35 = arith.addi %while3A, %while3A_34 : i32
    %while3A_36 = arith.constant 1 : i32
    %while3A_37 = arith.divsi %while3A_34, %while3A_36 : i32
    %while3A_38 = arith.muli %while3A_37, %while3A_36 : i32
    %while3A_39 = arith.addi %while3A, %while3A_38 : i32
    %while3A_40 = arith.constant 1 : i32
    %while3A_41 = scf.for %while3A_1453 = %while3A to %while3A_39 step %while3A_40 iter_args(%while3A_1454 = %broadcast_in_dim3A_33) -> (vector<16xi32>)  : i32 {
      %mul3A_1455 = arith.constant 4 : i32
      %mul3A_1456 = arith.muli %while3A_1453, %mul3A_1455 : i32
      %mul3A_1457 = arith.constant 16 : i32
      %mul3A_1458 = arith.muli %mul3A_1456, %mul3A_1457 : i32
      %get3A_1459 = arith.index_cast %mul3A_1458 : i32 to index
      %get3A_1460 = tpu.vector_load %arg5[%get3A_1459] {strides = array<i32>} : memref<4096xi32, #tpu.memory_space<vmem>>, vector<16xi32>,
      %mul3A_1461 = arith.constant 4 : i32
      %mul3A_1462 = arith.muli %while3A_1453, %mul3A_1461 : i32
      %mul3A_1463 = arith.constant 16 : i32
      %mul3A_1464 = arith.muli %mul3A_1462, %mul3A_1463 : i32
      %add3A_1465 = arith.constant 16 : i32
      %add3A_1466 = arith.addi %mul3A_1464, %add3A_1465 : i32
      %get3A_1467 = arith.index_cast %add3A_1466 : i32 to index
      %get3A_1468 = tpu.vector_load %arg5[%get3A_1467] {strides = array<i32>} : memref<4096xi32, #tpu.memory_space<vmem>>, vector<16xi32>,
      %mul3A_1469 = arith.constant 4 : i32
      %mul3A_1470 = arith.muli %while3A_1453, %mul3A_1469 : i32
      %mul3A_1471 = arith.constant 16 : i32
      %mul3A_1472 = arith.muli %mul3A_1470, %mul3A_1471 : i32
      %add3A_1473 = arith.constant 32 : i32
      %add3A_1474 = arith.addi %mul3A_1472, %add3A_1473 : i32
      %get3A_1475 = arith.index_cast %add3A_1474 : i32 to index
      %get3A_1476 = tpu.vector_load %arg5[%get3A_1475] {strides = array<i32>} : memref<4096xi32, #tpu.memory_space<vmem>>, vector<16xi32>,
      %mul3A_1477 = arith.constant 4 : i32
      %mul3A_1478 = arith.muli %while3A_1453, %mul3A_1477 : i32
      %mul3A_1479 = arith.constant 16 : i32
      %mul3A_1480 = arith.muli %mul3A_1478, %mul3A_1479 : i32
      %add3A_1481 = arith.constant 48 : i32
      %add3A_1482 = arith.addi %mul3A_1480, %add3A_1481 : i32
      %get3A_1483 = arith.index_cast %add3A_1482 : i32 to index
      %get3A_1484 = tpu.vector_load %arg5[%get3A_1483] {strides = array<i32>} : memref<4096xi32, #tpu.memory_space<vmem>>, vector<16xi32>,
      %eq3A_1485 = arith.constant 1 : i32
      %eq3A_1486 = vector.broadcast %eq3A_1485 : i32 to vector<16xi32>
      %eq3A_1487 = arith.cmpi eq, %get3A_1460, %eq3A_1486 : vector<16xi32>
      %jit3A_1488 = arith.constant 0 : i32
      %jit3A_1489 = arith.constant 1 : i32
      %broadcast_in_dim3A_1490 = vector.broadcast %jit3A_1488 : i32 to vector<16xi32>
      %broadcast_in_dim3A_1491 = vector.broadcast %jit3A_1489 : i32 to vector<16xi32>
      %select_n3A_1492 = arith.select %eq3A_1487, %broadcast_in_dim3A_1490, %broadcast_in_dim3A_1491 : vector<16xi1>, vector<16xi32>
      %add3A_1493 = arith.addi %while3A_1454, %select_n3A_1492 : vector<16xi32>
      %eq3A_1494 = arith.constant 1 : i32
      %eq3A_1495 = vector.broadcast %eq3A_1494 : i32 to vector<16xi32>
      %eq3A_1496 = arith.cmpi eq, %get3A_1468, %eq3A_1495 : vector<16xi32>
      %jit3A_1497 = arith.constant 0 : i32
      %jit3A_1498 = arith.constant 1 : i32
      %broadcast_in_dim3A_1499 = vector.broadcast %jit3A_1497 : i32 to vector<16xi32>
      %broadcast_in_dim3A_1500 = vector.broadcast %jit3A_1498 : i32 to vector<16xi32>
      %select_n3A_1501 = arith.select %eq3A_1496, %broadcast_in_dim3A_1499, %broadcast_in_dim3A_1500 : vector<16xi1>, vector<16xi32>
      %add3A_1502 = arith.addi %add3A_1493, %select_n3A_1501 : vector<16xi32>
      %eq3A_1503 = arith.constant 1 : i32
      %eq3A_1504 = vector.broadcast %eq3A_1503 : i32 to vector<16xi32>
      %eq3A_1505 = arith.cmpi eq, %get3A_1476, %eq3A_1504 : vector<16xi32>
      %jit3A_1506 = arith.constant 0 : i32
      %jit3A_1507 = arith.constant 1 : i32
      %broadcast_in_dim3A_1508 = vector.broadcast %jit3A_1506 : i32 to vector<16xi32>
      %broadcast_in_dim3A_1509 = vector.broadcast %jit3A_1507 : i32 to vector<16xi32>
      %select_n3A_1510 = arith.select %eq3A_1505, %broadcast_in_dim3A_1508, %broadcast_in_dim3A_1509 : vector<16xi1>, vector<16xi32>
      %add3A_1511 = arith.addi %add3A_1502, %select_n3A_1510 : vector<16xi32>
      %eq3A_1512 = arith.constant 1 : i32
      %eq3A_1513 = vector.broadcast %eq3A_1512 : i32 to vector<16xi32>
      %eq3A_1514 = arith.cmpi eq, %get3A_1484, %eq3A_1513 : vector<16xi32>
      %jit3A_1515 = arith.constant 0 : i32
      %jit3A_1516 = arith.constant 1 : i32
      %broadcast_in_dim3A_1517 = vector.broadcast %jit3A_1515 : i32 to vector<16xi32>
      %broadcast_in_dim3A_1518 = vector.broadcast %jit3A_1516 : i32 to vector<16xi32>
      %select_n3A_1519 = arith.select %eq3A_1514, %broadcast_in_dim3A_1517, %broadcast_in_dim3A_1518 : vector<16xi1>, vector<16xi32>
      %add3A_1520 = arith.addi %add3A_1511, %select_n3A_1519 : vector<16xi32>
      scf.yield %add3A_1520 : vector<16xi32>
    }
    %while3A_42 = arith.constant 1 : i32
    %while3A_43 = scf.for %while3A_1453 = %while3A_39 to %while3A_35 step %while3A_42 iter_args(%while3A_1454 = %while3A_41) -> (vector<16xi32>)  : i32 {
      %mul3A_1455 = arith.constant 4 : i32
      %mul3A_1456 = arith.muli %while3A_1453, %mul3A_1455 : i32
      %mul3A_1457 = arith.constant 16 : i32
      %mul3A_1458 = arith.muli %mul3A_1456, %mul3A_1457 : i32
      %get3A_1459 = arith.index_cast %mul3A_1458 : i32 to index
      %get3A_1460 = tpu.vector_load %arg5[%get3A_1459] {strides = array<i32>} : memref<4096xi32, #tpu.memory_space<vmem>>, vector<16xi32>,
      %mul3A_1461 = arith.constant 4 : i32
      %mul3A_1462 = arith.muli %while3A_1453, %mul3A_1461 : i32
      %mul3A_1463 = arith.constant 16 : i32
      %mul3A_1464 = arith.muli %mul3A_1462, %mul3A_1463 : i32
      %add3A_1465 = arith.constant 16 : i32
      %add3A_1466 = arith.addi %mul3A_1464, %add3A_1465 : i32
      %get3A_1467 = arith.index_cast %add3A_1466 : i32 to index
      %get3A_1468 = tpu.vector_load %arg5[%get3A_1467] {strides = array<i32>} : memref<4096xi32, #tpu.memory_space<vmem>>, vector<16xi32>,
      %mul3A_1469 = arith.constant 4 : i32
      %mul3A_1470 = arith.muli %while3A_1453, %mul3A_1469 : i32
      %mul3A_1471 = arith.constant 16 : i32
      %mul3A_1472 = arith.muli %mul3A_1470, %mul3A_1471 : i32
      %add3A_1473 = arith.constant 32 : i32
      %add3A_1474 = arith.addi %mul3A_1472, %add3A_1473 : i32
      %get3A_1475 = arith.index_cast %add3A_1474 : i32 to index
      %get3A_1476 = tpu.vector_load %arg5[%get3A_1475] {strides = array<i32>} : memref<4096xi32, #tpu.memory_space<vmem>>, vector<16xi32>,
      %mul3A_1477 = arith.constant 4 : i32
      %mul3A_1478 = arith.muli %while3A_1453, %mul3A_1477 : i32
      %mul3A_1479 = arith.constant 16 : i32
      %mul3A_1480 = arith.muli %mul3A_1478, %mul3A_1479 : i32
      %add3A_1481 = arith.constant 48 : i32
      %add3A_1482 = arith.addi %mul3A_1480, %add3A_1481 : i32
      %get3A_1483 = arith.index_cast %add3A_1482 : i32 to index
      %get3A_1484 = tpu.vector_load %arg5[%get3A_1483] {strides = array<i32>} : memref<4096xi32, #tpu.memory_space<vmem>>, vector<16xi32>,
      %eq3A_1485 = arith.constant 1 : i32
      %eq3A_1486 = vector.broadcast %eq3A_1485 : i32 to vector<16xi32>
      %eq3A_1487 = arith.cmpi eq, %get3A_1460, %eq3A_1486 : vector<16xi32>
      %jit3A_1488 = arith.constant 0 : i32
      %jit3A_1489 = arith.constant 1 : i32
      %broadcast_in_dim3A_1490 = vector.broadcast %jit3A_1488 : i32 to vector<16xi32>
      %broadcast_in_dim3A_1491 = vector.broadcast %jit3A_1489 : i32 to vector<16xi32>
      %select_n3A_1492 = arith.select %eq3A_1487, %broadcast_in_dim3A_1490, %broadcast_in_dim3A_1491 : vector<16xi1>, vector<16xi32>
      %add3A_1493 = arith.addi %while3A_1454, %select_n3A_1492 : vector<16xi32>
      %eq3A_1494 = arith.constant 1 : i32
      %eq3A_1495 = vector.broadcast %eq3A_1494 : i32 to vector<16xi32>
      %eq3A_1496 = arith.cmpi eq, %get3A_1468, %eq3A_1495 : vector<16xi32>
      %jit3A_1497 = arith.constant 0 : i32
      %jit3A_1498 = arith.constant 1 : i32
      %broadcast_in_dim3A_1499 = vector.broadcast %jit3A_1497 : i32 to vector<16xi32>
      %broadcast_in_dim3A_1500 = vector.broadcast %jit3A_1498 : i32 to vector<16xi32>
      %select_n3A_1501 = arith.select %eq3A_1496, %broadcast_in_dim3A_1499, %broadcast_in_dim3A_1500 : vector<16xi1>, vector<16xi32>
      %add3A_1502 = arith.addi %add3A_1493, %select_n3A_1501 : vector<16xi32>
      %eq3A_1503 = arith.constant 1 : i32
      %eq3A_1504 = vector.broadcast %eq3A_1503 : i32 to vector<16xi32>
      %eq3A_1505 = arith.cmpi eq, %get3A_1476, %eq3A_1504 : vector<16xi32>
      %jit3A_1506 = arith.constant 0 : i32
      %jit3A_1507 = arith.constant 1 : i32
      %broadcast_in_dim3A_1508 = vector.broadcast %jit3A_1506 : i32 to vector<16xi32>
      %broadcast_in_dim3A_1509 = vector.broadcast %jit3A_1507 : i32 to vector<16xi32>
      %select_n3A_1510 = arith.select %eq3A_1505, %broadcast_in_dim3A_1508, %broadcast_in_dim3A_1509 : vector<16xi1>, vector<16xi32>
      %add3A_1511 = arith.addi %add3A_1502, %select_n3A_1510 : vector<16xi32>
      %eq3A_1512 = arith.constant 1 : i32
      %eq3A_1513 = vector.broadcast %eq3A_1512 : i32 to vector<16xi32>
      %eq3A_1514 = arith.cmpi eq, %get3A_1484, %eq3A_1513 : vector<16xi32>
      %jit3A_1515 = arith.constant 0 : i32
      %jit3A_1516 = arith.constant 1 : i32
      %broadcast_in_dim3A_1517 = vector.broadcast %jit3A_1515 : i32 to vector<16xi32>
      %broadcast_in_dim3A_1518 = vector.broadcast %jit3A_1516 : i32 to vector<16xi32>
      %select_n3A_1519 = arith.select %eq3A_1514, %broadcast_in_dim3A_1517, %broadcast_in_dim3A_1518 : vector<16xi1>, vector<16xi32>
      %add3A_1520 = arith.addi %add3A_1511, %select_n3A_1519 : vector<16xi32>
      scf.yield %add3A_1520 : vector<16xi32>
    }
    %reduce_sum3A = arith.constant true
    %reduce_sum3A_44 = vector.broadcast %reduce_sum3A : i1 to vector<16xi1>
    %reduce_sum3A_45 = tpu.scan <sum>, %while3A_43 masked %reduce_sum3A_44 : vector<16xi32>, vector<16xi1> -> vector<16xi32>
    %reduce_sum3A_46 = vector.extract %reduce_sum3A_45[15] : i32 from vector<16xi32>
    %mul3A_47 = arith.constant 512 : i32
    %mul3A_48 = arith.muli %add3A, %mul3A_47 : i32
    %mul3A_49 = arith.constant 512 : i32
    %mul3A_50 = arith.muli %select_n3A_30, %mul3A_49 : i32
    %add3A_51 = arith.constant 0 : i32
    %add3A_52 = arith.addi %mul3A_50, %add3A_51 : i32
    %get3A = arith.index_cast %add3A_52 : i32 to index
    %get3A_53 = tpu.vector_load %arg5[%get3A] {strides = array<i32>} : memref<4096xi32, #tpu.memory_space<vmem>>, vector<16xi32>,
    %eq3A_54 = arith.constant 1 : i32
    %eq3A_55 = vector.broadcast %eq3A_54 : i32 to vector<16xi32>
    %eq3A_56 = arith.cmpi eq, %get3A_53, %eq3A_55 : vector<16xi32>
    %jit3A_57 = arith.constant 0 : i32
    %jit3A_58 = arith.constant 1 : i32
    %broadcast_in_dim3A_59 = vector.broadcast %jit3A_57 : i32 to vector<16xi32>
    %broadcast_in_dim3A_60 = vector.broadcast %jit3A_58 : i32 to vector<16xi32>
    %select_n3A_61 = arith.select %eq3A_56, %broadcast_in_dim3A_59, %broadcast_in_dim3A_60 : vector<16xi1>, vector<16xi32>
    %broadcast_in_dim3A_62 = arith.constant true
    %broadcast_in_dim3A_63 = vector.broadcast %broadcast_in_dim3A_62 : i1 to vector<16xi1>
    %masked_cumsum3A = tpu.scan <sum>, %select_n3A_61 masked %broadcast_in_dim3A_63 : vector<16xi32>, vector<16xi1> -> vector<16xi32>
    %add3A_64 = vector.broadcast %reduce_sum3A_46 : i32 to vector<16xi32>
    %add3A_65 = arith.addi %add3A_64, %masked_cumsum3A : vector<16xi32>
    %mul3A_66 = arith.muli %add3A_65, %select_n3A_61 : vector<16xi32>
    %add3A_67 = arith.constant 1 : i32
    %add3A_68 = vector.broadcast %add3A_67 : i32 to vector<16xi32>
    %add3A_69 = arith.addi %mul3A_66, %add3A_68 : vector<16xi32>
    %reduce_sum3A_70 = arith.constant true
    %reduce_sum3A_71 = vector.broadcast %reduce_sum3A_70 : i1 to vector<16xi1>
    %reduce_sum3A_72 = tpu.scan <sum>, %select_n3A_61 masked %reduce_sum3A_71 : vector<16xi32>, vector<16xi1> -> vector<16xi32>
    %reduce_sum3A_73 = vector.extract %reduce_sum3A_72[15] : i32 from vector<16xi32>
    %add3A_74 = arith.addi %reduce_sum3A_46, %reduce_sum3A_73 : i32
    %dma_start3A = arith.constant 0 : i32
    %dma_start3A_75 = arith.constant 0 : i32
    %dma_start3A_76 = tpu.memref_slice %arg3[%dma_start3A, %dma_start3A_75] : memref<8192x1024xf32, #tpu.memory_space<hbm>> -> memref<8192x1024xf32, #tpu.memory_space<hbm>>
    tpu.enqueue_indirect_dma source(%dma_start3A_76 : memref<8192x1024xf32, #tpu.memory_space<hbm>>) target(%arg6 : memref<16x1024xf32, #tpu.memory_space<vmem>>) offsets(%add3A_69 : vector<16xi32>) semaphore(%arg12 : memref<!tpu.dma_semaphore, #tpu.memory_space<semaphore_mem>>)
    %mul3A_77 = arith.constant 512 : i32
    %mul3A_78 = arith.muli %select_n3A_30, %mul3A_77 : i32
    %add3A_79 = arith.constant 16 : i32
    %add3A_80 = arith.addi %mul3A_78, %add3A_79 : i32
    %get3A_81 = arith.index_cast %add3A_80 : i32 to index
    %get3A_82 = tpu.vector_load %arg5[%get3A_81] {strides = array<i32>} : memref<4096xi32, #tpu.memory_space<vmem>>, vector<16xi32>,
    %eq3A_83 = arith.constant 1 : i32
    %eq3A_84 = vector.broadcast %eq3A_83 : i32 to vector<16xi32>
    %eq3A_85 = arith.cmpi eq, %get3A_82, %eq3A_84 : vector<16xi32>
    %jit3A_86 = arith.constant 0 : i32
    %jit3A_87 = arith.constant 1 : i32
    %broadcast_in_dim3A_88 = vector.broadcast %jit3A_86 : i32 to vector<16xi32>
    %broadcast_in_dim3A_89 = vector.broadcast %jit3A_87 : i32 to vector<16xi32>
    %select_n3A_90 = arith.select %eq3A_85, %broadcast_in_dim3A_88, %broadcast_in_dim3A_89 : vector<16xi1>, vector<16xi32>
    %broadcast_in_dim3A_91 = arith.constant true
    %broadcast_in_dim3A_92 = vector.broadcast %broadcast_in_dim3A_91 : i1 to vector<16xi1>
    %masked_cumsum3A_93 = tpu.scan <sum>, %select_n3A_90 masked %broadcast_in_dim3A_92 : vector<16xi32>, vector<16xi1> -> vector<16xi32>
    %add3A_94 = vector.broadcast %add3A_74 : i32 to vector<16xi32>
    %add3A_95 = arith.addi %add3A_94, %masked_cumsum3A_93 : vector<16xi32>
    %mul3A_96 = arith.muli %add3A_95, %select_n3A_90 : vector<16xi32>
    %add3A_97 = arith.constant 1 : i32
    %add3A_98 = vector.broadcast %add3A_97 : i32 to vector<16xi32>
    %add3A_99 = arith.addi %mul3A_96, %add3A_98 : vector<16xi32>
    %reduce_sum3A_100 = arith.constant true
    %reduce_sum3A_101 = vector.broadcast %reduce_sum3A_100 : i1 to vector<16xi1>
    %reduce_sum3A_102 = tpu.scan <sum>, %select_n3A_90 masked %reduce_sum3A_101 : vector<16xi32>, vector<16xi1> -> vector<16xi32>
    %reduce_sum3A_103 = vector.extract %reduce_sum3A_102[15] : i32 from vector<16xi32>
    %add3A_104 = arith.addi %add3A_74, %reduce_sum3A_103 : i32
    %dma_start3A_105 = arith.constant 0 : i32
    %dma_start3A_106 = arith.constant 0 : i32
    %dma_start3A_107 = tpu.memref_slice %arg3[%dma_start3A_105, %dma_start3A_106] : memref<8192x1024xf32, #tpu.memory_space<hbm>> -> memref<8192x1024xf32, #tpu.memory_space<hbm>>
    tpu.enqueue_indirect_dma source(%dma_start3A_107 : memref<8192x1024xf32, #tpu.memory_space<hbm>>) target(%arg7 : memref<16x1024xf32, #tpu.memory_space<vmem>>) offsets(%add3A_99 : vector<16xi32>) semaphore(%arg13 : memref<!tpu.dma_semaphore, #tpu.memory_space<semaphore_mem>>)
    %mul3A_108 = arith.constant 512 : i32
    %mul3A_109 = arith.muli %select_n3A_30, %mul3A_108 : i32
    %add3A_110 = arith.constant 32 : i32
    %add3A_111 = arith.addi %mul3A_109, %add3A_110 : i32
    %get3A_112 = arith.index_cast %add3A_111 : i32 to index
    %get3A_113 = tpu.vector_load %arg5[%get3A_112] {strides = array<i32>} : memref<4096xi32, #tpu.memory_space<vmem>>, vector<16xi32>,
    %eq3A_114 = arith.constant 1 : i32
    %eq3A_115 = vector.broadcast %eq3A_114 : i32 to vector<16xi32>
    %eq3A_116 = arith.cmpi eq, %get3A_113, %eq3A_115 : vector<16xi32>
    %jit3A_117 = arith.constant 0 : i32
    %jit3A_118 = arith.constant 1 : i32
    %broadcast_in_dim3A_119 = vector.broadcast %jit3A_117 : i32 to vector<16xi32>
    %broadcast_in_dim3A_120 = vector.broadcast %jit3A_118 : i32 to vector<16xi32>
    %select_n3A_121 = arith.select %eq3A_116, %broadcast_in_dim3A_119, %broadcast_in_dim3A_120 : vector<16xi1>, vector<16xi32>
    %broadcast_in_dim3A_122 = arith.constant true
    %broadcast_in_dim3A_123 = vector.broadcast %broadcast_in_dim3A_122 : i1 to vector<16xi1>
    %masked_cumsum3A_124 = tpu.scan <sum>, %select_n3A_121 masked %broadcast_in_dim3A_123 : vector<16xi32>, vector<16xi1> -> vector<16xi32>
    %add3A_125 = vector.broadcast %add3A_104 : i32 to vector<16xi32>
    %add3A_126 = arith.addi %add3A_125, %masked_cumsum3A_124 : vector<16xi32>
    %mul3A_127 = arith.muli %add3A_126, %select_n3A_121 : vector<16xi32>
    %add3A_128 = arith.constant 1 : i32
    %add3A_129 = vector.broadcast %add3A_128 : i32 to vector<16xi32>
    %add3A_130 = arith.addi %mul3A_127, %add3A_129 : vector<16xi32>
    %reduce_sum3A_131 = arith.constant true
    %reduce_sum3A_132 = vector.broadcast %reduce_sum3A_131 : i1 to vector<16xi1>
    %reduce_sum3A_133 = tpu.scan <sum>, %select_n3A_121 masked %reduce_sum3A_132 : vector<16xi32>, vector<16xi1> -> vector<16xi32>
    %reduce_sum3A_134 = vector.extract %reduce_sum3A_133[15] : i32 from vector<16xi32>
    %add3A_135 = arith.addi %add3A_104, %reduce_sum3A_134 : i32
    %dma_start3A_136 = arith.constant 0 : i32
    %dma_start3A_137 = arith.constant 0 : i32
    %dma_start3A_138 = tpu.memref_slice %arg3[%dma_start3A_136, %dma_start3A_137] : memref<8192x1024xf32, #tpu.memory_space<hbm>> -> memref<8192x1024xf32, #tpu.memory_space<hbm>>
    tpu.enqueue_indirect_dma source(%dma_start3A_138 : memref<8192x1024xf32, #tpu.memory_space<hbm>>) target(%arg8 : memref<16x1024xf32, #tpu.memory_space<vmem>>) offsets(%add3A_130 : vector<16xi32>) semaphore(%arg14 : memref<!tpu.dma_semaphore, #tpu.memory_space<semaphore_mem>>)
    %mul3A_139 = arith.constant 512 : i32
    %mul3A_140 = arith.muli %select_n3A_30, %mul3A_139 : i32
    %add3A_141 = arith.constant 48 : i32
    %add3A_142 = arith.addi %mul3A_140, %add3A_141 : i32
    %get3A_143 = arith.index_cast %add3A_142 : i32 to index
    %get3A_144 = tpu.vector_load %arg5[%get3A_143] {strides = array<i32>} : memref<4096xi32, #tpu.memory_space<vmem>>, vector<16xi32>,
    %eq3A_145 = arith.constant 1 : i32
    %eq3A_146 = vector.broadcast %eq3A_145 : i32 to vector<16xi32>
    %eq3A_147 = arith.cmpi eq, %get3A_144, %eq3A_146 : vector<16xi32>
    %jit3A_148 = arith.constant 0 : i32
    %jit3A_149 = arith.constant 1 : i32
    %broadcast_in_dim3A_150 = vector.broadcast %jit3A_148 : i32 to vector<16xi32>
    %broadcast_in_dim3A_151 = vector.broadcast %jit3A_149 : i32 to vector<16xi32>
    %select_n3A_152 = arith.select %eq3A_147, %broadcast_in_dim3A_150, %broadcast_in_dim3A_151 : vector<16xi1>, vector<16xi32>
    %broadcast_in_dim3A_153 = arith.constant true
    %broadcast_in_dim3A_154 = vector.broadcast %broadcast_in_dim3A_153 : i1 to vector<16xi1>
    %masked_cumsum3A_155 = tpu.scan <sum>, %select_n3A_152 masked %broadcast_in_dim3A_154 : vector<16xi32>, vector<16xi1> -> vector<16xi32>
    %add3A_156 = vector.broadcast %add3A_135 : i32 to vector<16xi32>
    %add3A_157 = arith.addi %add3A_156, %masked_cumsum3A_155 : vector<16xi32>
    %mul3A_158 = arith.muli %add3A_157, %select_n3A_152 : vector<16xi32>
    %add3A_159 = arith.constant 1 : i32
    %add3A_160 = vector.broadcast %add3A_159 : i32 to vector<16xi32>
    %add3A_161 = arith.addi %mul3A_158, %add3A_160 : vector<16xi32>
    %reduce_sum3A_162 = arith.constant true
    %reduce_sum3A_163 = vector.broadcast %reduce_sum3A_162 : i1 to vector<16xi1>
    %reduce_sum3A_164 = tpu.scan <sum>, %select_n3A_152 masked %reduce_sum3A_163 : vector<16xi32>, vector<16xi1> -> vector<16xi32>
    %reduce_sum3A_165 = vector.extract %reduce_sum3A_164[15] : i32 from vector<16xi32>
    %add3A_166 = arith.addi %add3A_135, %reduce_sum3A_165 : i32
    %dma_start3A_167 = arith.constant 0 : i32
    %dma_start3A_168 = arith.constant 0 : i32
    %dma_start3A_169 = tpu.memref_slice %arg3[%dma_start3A_167, %dma_start3A_168] : memref<8192x1024xf32, #tpu.memory_space<hbm>> -> memref<8192x1024xf32, #tpu.memory_space<hbm>>
    tpu.enqueue_indirect_dma source(%dma_start3A_169 : memref<8192x1024xf32, #tpu.memory_space<hbm>>) target(%arg9 : memref<16x1024xf32, #tpu.memory_space<vmem>>) offsets(%add3A_161 : vector<16xi32>) semaphore(%arg15 : memref<!tpu.dma_semaphore, #tpu.memory_space<semaphore_mem>>)
    %mul3A_170 = arith.constant 512 : i32
    %mul3A_171 = arith.muli %select_n3A_30, %mul3A_170 : i32
    %add3A_172 = arith.constant 64 : i32
    %add3A_173 = arith.addi %mul3A_171, %add3A_172 : i32
    %get3A_174 = arith.index_cast %add3A_173 : i32 to index
    %get3A_175 = tpu.vector_load %arg5[%get3A_174] {strides = array<i32>} : memref<4096xi32, #tpu.memory_space<vmem>>, vector<16xi32>,
    %eq3A_176 = arith.constant 1 : i32
    %eq3A_177 = vector.broadcast %eq3A_176 : i32 to vector<16xi32>
    %eq3A_178 = arith.cmpi eq, %get3A_175, %eq3A_177 : vector<16xi32>
    %jit3A_179 = arith.constant 0 : i32
    %jit3A_180 = arith.constant 1 : i32
    %broadcast_in_dim3A_181 = vector.broadcast %jit3A_179 : i32 to vector<16xi32>
    %broadcast_in_dim3A_182 = vector.broadcast %jit3A_180 : i32 to vector<16xi32>
    %select_n3A_183 = arith.select %eq3A_178, %broadcast_in_dim3A_181, %broadcast_in_dim3A_182 : vector<16xi1>, vector<16xi32>
    %broadcast_in_dim3A_184 = arith.constant true
    %broadcast_in_dim3A_185 = vector.broadcast %broadcast_in_dim3A_184 : i1 to vector<16xi1>
    %masked_cumsum3A_186 = tpu.scan <sum>, %select_n3A_183 masked %broadcast_in_dim3A_185 : vector<16xi32>, vector<16xi1> -> vector<16xi32>
    %add3A_187 = vector.broadcast %add3A_166 : i32 to vector<16xi32>
    %add3A_188 = arith.addi %add3A_187, %masked_cumsum3A_186 : vector<16xi32>
    %mul3A_189 = arith.muli %add3A_188, %select_n3A_183 : vector<16xi32>
    %add3A_190 = arith.constant 1 : i32
    %add3A_191 = vector.broadcast %add3A_190 : i32 to vector<16xi32>
    %add3A_192 = arith.addi %mul3A_189, %add3A_191 : vector<16xi32>
    %reduce_sum3A_193 = arith.constant true
    %reduce_sum3A_194 = vector.broadcast %reduce_sum3A_193 : i1 to vector<16xi1>
    %reduce_sum3A_195 = tpu.scan <sum>, %select_n3A_183 masked %reduce_sum3A_194 : vector<16xi32>, vector<16xi1> -> vector<16xi32>
    %reduce_sum3A_196 = vector.extract %reduce_sum3A_195[15] : i32 from vector<16xi32>
    %add3A_197 = arith.addi %add3A_166, %reduce_sum3A_196 : i32
    %dma_start3A_198 = arith.constant 0 : i32
    %dma_start3A_199 = arith.constant 0 : i32
    %dma_start3A_200 = tpu.memref_slice %arg3[%dma_start3A_198, %dma_start3A_199] : memref<8192x1024xf32, #tpu.memory_space<hbm>> -> memref<8192x1024xf32, #tpu.memory_space<hbm>>
    tpu.enqueue_indirect_dma source(%dma_start3A_200 : memref<8192x1024xf32, #tpu.memory_space<hbm>>) target(%arg10 : memref<16x1024xf32, #tpu.memory_space<vmem>>) offsets(%add3A_192 : vector<16xi32>) semaphore(%arg16 : memref<!tpu.dma_semaphore, #tpu.memory_space<semaphore_mem>>)
    %mul3A_201 = arith.constant 512 : i32
    %mul3A_202 = arith.muli %select_n3A_30, %mul3A_201 : i32
    %add3A_203 = arith.constant 80 : i32
    %add3A_204 = arith.addi %mul3A_202, %add3A_203 : i32
    %get3A_205 = arith.index_cast %add3A_204 : i32 to index
    %get3A_206 = tpu.vector_load %arg5[%get3A_205] {strides = array<i32>} : memref<4096xi32, #tpu.memory_space<vmem>>, vector<16xi32>,
    %eq3A_207 = arith.constant 1 : i32
    %eq3A_208 = vector.broadcast %eq3A_207 : i32 to vector<16xi32>
    %eq3A_209 = arith.cmpi eq, %get3A_206, %eq3A_208 : vector<16xi32>
    %jit3A_210 = arith.constant 0 : i32
    %jit3A_211 = arith.constant 1 : i32
    %broadcast_in_dim3A_212 = vector.broadcast %jit3A_210 : i32 to vector<16xi32>
    %broadcast_in_dim3A_213 = vector.broadcast %jit3A_211 : i32 to vector<16xi32>
    %select_n3A_214 = arith.select %eq3A_209, %broadcast_in_dim3A_212, %broadcast_in_dim3A_213 : vector<16xi1>, vector<16xi32>
    %broadcast_in_dim3A_215 = arith.constant true
    %broadcast_in_dim3A_216 = vector.broadcast %broadcast_in_dim3A_215 : i1 to vector<16xi1>
    %masked_cumsum3A_217 = tpu.scan <sum>, %select_n3A_214 masked %broadcast_in_dim3A_216 : vector<16xi32>, vector<16xi1> -> vector<16xi32>
    %add3A_218 = vector.broadcast %add3A_197 : i32 to vector<16xi32>
    %add3A_219 = arith.addi %add3A_218, %masked_cumsum3A_217 : vector<16xi32>
    %mul3A_220 = arith.muli %add3A_219, %select_n3A_214 : vector<16xi32>
    %add3A_221 = arith.constant 1 : i32
    %add3A_222 = vector.broadcast %add3A_221 : i32 to vector<16xi32>
    %add3A_223 = arith.addi %mul3A_220, %add3A_222 : vector<16xi32>
    %reduce_sum3A_224 = arith.constant true
    %reduce_sum3A_225 = vector.broadcast %reduce_sum3A_224 : i1 to vector<16xi1>
    %reduce_sum3A_226 = tpu.scan <sum>, %select_n3A_214 masked %reduce_sum3A_225 : vector<16xi32>, vector<16xi1> -> vector<16xi32>
    %reduce_sum3A_227 = vector.extract %reduce_sum3A_226[15] : i32 from vector<16xi32>
    %add3A_228 = arith.addi %add3A_197, %reduce_sum3A_227 : i32
    %dma_start3A_229 = arith.constant 0 : i32
    %dma_start3A_230 = arith.constant 0 : i32
    %dma_start3A_231 = tpu.memref_slice %arg3[%dma_start3A_229, %dma_start3A_230] : memref<8192x1024xf32, #tpu.memory_space<hbm>> -> memref<8192x1024xf32, #tpu.memory_space<hbm>>
    tpu.enqueue_indirect_dma source(%dma_start3A_231 : memref<8192x1024xf32, #tpu.memory_space<hbm>>) target(%arg11 : memref<16x1024xf32, #tpu.memory_space<vmem>>) offsets(%add3A_223 : vector<16xi32>) semaphore(%arg17 : memref<!tpu.dma_semaphore, #tpu.memory_space<semaphore_mem>>)
    %dma_wait3A = arith.constant 0 : i32
    %dma_wait3A_232 = arith.constant 0 : i32
    %dma_wait3A_233 = tpu.memref_slice %arg3[%dma_wait3A, %dma_wait3A_232] : memref<8192x1024xf32, #tpu.memory_space<hbm>> -> memref<8192x1024xf32, #tpu.memory_space<hbm>>
    tpu.wait_indirect_dma semaphore(%arg12 : memref<!tpu.dma_semaphore, #tpu.memory_space<semaphore_mem>>) src(%dma_wait3A_233 : memref<8192x1024xf32, #tpu.memory_space<hbm>>) dst(%arg6 : memref<16x1024xf32, #tpu.memory_space<vmem>>)
    %add3A_234 = arith.constant 0 : i32
    %add3A_235 = arith.addi %mul3A_48, %add3A_234 : i32
    %dma_start3A_236 = arith.constant 0 : i32
    %dma_start3A_237 = tpu.memref_slice %arg4[%add3A_235, %dma_start3A_236] : memref<16384x1024xf32, #tpu.memory_space<hbm>> -> memref<16x1024xf32, #tpu.memory_space<hbm>>
    %dma_start3A_238 = arith.constant 0 : i32
    %dma_start3A_239 = tpu.memref_slice %arg4[%add3A_235, %dma_start3A_238] : memref<16384x1024xf32, #tpu.memory_space<hbm>> -> memref<16x1024xf32, #tpu.memory_space<hbm>>
    tpu.enqueue_dma source(%arg6 : memref<16x1024xf32, #tpu.memory_space<vmem>>) target(%dma_start3A_239 : memref<16x1024xf32, #tpu.memory_space<hbm>>) target_semaphore(%arg18 : memref<!tpu.dma_semaphore, #tpu.memory_space<semaphore_mem>>)
    %mul3A_240 = arith.constant 512 : i32
    %mul3A_241 = arith.muli %select_n3A_30, %mul3A_240 : i32
    %add3A_242 = arith.constant 96 : i32
    %add3A_243 = arith.addi %mul3A_241, %add3A_242 : i32
    %get3A_244 = arith.index_cast %add3A_243 : i32 to index
    %get3A_245 = tpu.vector_load %arg5[%get3A_244] {strides = array<i32>} : memref<4096xi32, #tpu.memory_space<vmem>>, vector<16xi32>,
    %eq3A_246 = arith.constant 1 : i32
    %eq3A_247 = vector.broadcast %eq3A_246 : i32 to vector<16xi32>
    %eq3A_248 = arith.cmpi eq, %get3A_245, %eq3A_247 : vector<16xi32>
    %jit3A_249 = arith.constant 0 : i32
    %jit3A_250 = arith.constant 1 : i32
    %broadcast_in_dim3A_251 = vector.broadcast %jit3A_249 : i32 to vector<16xi32>
    %broadcast_in_dim3A_252 = vector.broadcast %jit3A_250 : i32 to vector<16xi32>
    %select_n3A_253 = arith.select %eq3A_248, %broadcast_in_dim3A_251, %broadcast_in_dim3A_252 : vector<16xi1>, vector<16xi32>
    %broadcast_in_dim3A_254 = arith.constant true
    %broadcast_in_dim3A_255 = vector.broadcast %broadcast_in_dim3A_254 : i1 to vector<16xi1>
    %masked_cumsum3A_256 = tpu.scan <sum>, %select_n3A_253 masked %broadcast_in_dim3A_255 : vector<16xi32>, vector<16xi1> -> vector<16xi32>
    %add3A_257 = vector.broadcast %add3A_228 : i32 to vector<16xi32>
    %add3A_258 = arith.addi %add3A_257, %masked_cumsum3A_256 : vector<16xi32>
    %mul3A_259 = arith.muli %add3A_258, %select_n3A_253 : vector<16xi32>
    %add3A_260 = arith.constant 1 : i32
    %add3A_261 = vector.broadcast %add3A_260 : i32 to vector<16xi32>
    %add3A_262 = arith.addi %mul3A_259, %add3A_261 : vector<16xi32>
    %reduce_sum3A_263 = arith.constant true
    %reduce_sum3A_264 = vector.broadcast %reduce_sum3A_263 : i1 to vector<16xi1>
    %reduce_sum3A_265 = tpu.scan <sum>, %select_n3A_253 masked %reduce_sum3A_264 : vector<16xi32>, vector<16xi1> -> vector<16xi32>
    %reduce_sum3A_266 = vector.extract %reduce_sum3A_265[15] : i32 from vector<16xi32>
    %add3A_267 = arith.addi %add3A_228, %reduce_sum3A_266 : i32
    %dma_wait3A_268 = arith.constant 0 : i32
    %dma_wait3A_269 = tpu.memref_slice %arg4[%add3A_235, %dma_wait3A_268] : memref<16384x1024xf32, #tpu.memory_space<hbm>> -> memref<16x1024xf32, #tpu.memory_space<hbm>>
    %dma_wait3A_270 = arith.constant 0 : i32
    %dma_wait3A_271 = tpu.memref_slice %arg4[%add3A_235, %dma_wait3A_270] : memref<16384x1024xf32, #tpu.memory_space<hbm>> -> memref<16x1024xf32, #tpu.memory_space<hbm>>
    tpu.wait_dma2 semaphore(%arg18 : memref<!tpu.dma_semaphore, #tpu.memory_space<semaphore_mem>>) src(%arg6 : memref<16x1024xf32, #tpu.memory_space<vmem>>) dst(%dma_wait3A_271 : memref<16x1024xf32, #tpu.memory_space<hbm>>)
    %dma_start3A_272 = arith.constant 0 : i32
    %dma_start3A_273 = arith.constant 0 : i32
    %dma_start3A_274 = tpu.memref_slice %arg3[%dma_start3A_272, %dma_start3A_273] : memref<8192x1024xf32, #tpu.memory_space<hbm>> -> memref<8192x1024xf32, #tpu.memory_space<hbm>>
    tpu.enqueue_indirect_dma source(%dma_start3A_274 : memref<8192x1024xf32, #tpu.memory_space<hbm>>) target(%arg6 : memref<16x1024xf32, #tpu.memory_space<vmem>>) offsets(%add3A_262 : vector<16xi32>) semaphore(%arg12 : memref<!tpu.dma_semaphore, #tpu.memory_space<semaphore_mem>>)
    %dma_wait3A_275 = arith.constant 0 : i32
    %dma_wait3A_276 = arith.constant 0 : i32
    %dma_wait3A_277 = tpu.memref_slice %arg3[%dma_wait3A_275, %dma_wait3A_276] : memref<8192x1024xf32, #tpu.memory_space<hbm>> -> memref<8192x1024xf32, #tpu.memory_space<hbm>>
    tpu.wait_indirect_dma semaphore(%arg13 : memref<!tpu.dma_semaphore, #tpu.memory_space<semaphore_mem>>) src(%dma_wait3A_277 : memref<8192x1024xf32, #tpu.memory_space<hbm>>) dst(%arg7 : memref<16x1024xf32, #tpu.memory_space<vmem>>)
    %add3A_278 = arith.constant 16 : i32
    %add3A_279 = arith.addi %mul3A_48, %add3A_278 : i32
    %dma_start3A_280 = arith.constant 0 : i32
    %dma_start3A_281 = tpu.memref_slice %arg4[%add3A_279, %dma_start3A_280] : memref<16384x1024xf32, #tpu.memory_space<hbm>> -> memref<16x1024xf32, #tpu.memory_space<hbm>>
    %dma_start3A_282 = arith.constant 0 : i32
    %dma_start3A_283 = tpu.memref_slice %arg4[%add3A_279, %dma_start3A_282] : memref<16384x1024xf32, #tpu.memory_space<hbm>> -> memref<16x1024xf32, #tpu.memory_space<hbm>>
    tpu.enqueue_dma source(%arg7 : memref<16x1024xf32, #tpu.memory_space<vmem>>) target(%dma_start3A_283 : memref<16x1024xf32, #tpu.memory_space<hbm>>) target_semaphore(%arg19 : memref<!tpu.dma_semaphore, #tpu.memory_space<semaphore_mem>>)
    %mul3A_284 = arith.constant 512 : i32
    %mul3A_285 = arith.muli %select_n3A_30, %mul3A_284 : i32
    %add3A_286 = arith.constant 112 : i32
    %add3A_287 = arith.addi %mul3A_285, %add3A_286 : i32
    %get3A_288 = arith.index_cast %add3A_287 : i32 to index
    %get3A_289 = tpu.vector_load %arg5[%get3A_288] {strides = array<i32>} : memref<4096xi32, #tpu.memory_space<vmem>>, vector<16xi32>,
    %eq3A_290 = arith.constant 1 : i32
    %eq3A_291 = vector.broadcast %eq3A_290 : i32 to vector<16xi32>
    %eq3A_292 = arith.cmpi eq, %get3A_289, %eq3A_291 : vector<16xi32>
    %jit3A_293 = arith.constant 0 : i32
    %jit3A_294 = arith.constant 1 : i32
    %broadcast_in_dim3A_295 = vector.broadcast %jit3A_293 : i32 to vector<16xi32>
    %broadcast_in_dim3A_296 = vector.broadcast %jit3A_294 : i32 to vector<16xi32>
    %select_n3A_297 = arith.select %eq3A_292, %broadcast_in_dim3A_295, %broadcast_in_dim3A_296 : vector<16xi1>, vector<16xi32>
    %broadcast_in_dim3A_298 = arith.constant true
    %broadcast_in_dim3A_299 = vector.broadcast %broadcast_in_dim3A_298 : i1 to vector<16xi1>
    %masked_cumsum3A_300 = tpu.scan <sum>, %select_n3A_297 masked %broadcast_in_dim3A_299 : vector<16xi32>, vector<16xi1> -> vector<16xi32>
    %add3A_301 = vector.broadcast %add3A_267 : i32 to vector<16xi32>
    %add3A_302 = arith.addi %add3A_301, %masked_cumsum3A_300 : vector<16xi32>
    %mul3A_303 = arith.muli %add3A_302, %select_n3A_297 : vector<16xi32>
    %add3A_304 = arith.constant 1 : i32
    %add3A_305 = vector.broadcast %add3A_304 : i32 to vector<16xi32>
    %add3A_306 = arith.addi %mul3A_303, %add3A_305 : vector<16xi32>
    %reduce_sum3A_307 = arith.constant true
    %reduce_sum3A_308 = vector.broadcast %reduce_sum3A_307 : i1 to vector<16xi1>
    %reduce_sum3A_309 = tpu.scan <sum>, %select_n3A_297 masked %reduce_sum3A_308 : vector<16xi32>, vector<16xi1> -> vector<16xi32>
    %reduce_sum3A_310 = vector.extract %reduce_sum3A_309[15] : i32 from vector<16xi32>
    %add3A_311 = arith.addi %add3A_267, %reduce_sum3A_310 : i32
    %dma_wait3A_312 = arith.constant 0 : i32
    %dma_wait3A_313 = tpu.memref_slice %arg4[%add3A_279, %dma_wait3A_312] : memref<16384x1024xf32, #tpu.memory_space<hbm>> -> memref<16x1024xf32, #tpu.memory_space<hbm>>
    %dma_wait3A_314 = arith.constant 0 : i32
    %dma_wait3A_315 = tpu.memref_slice %arg4[%add3A_279, %dma_wait3A_314] : memref<16384x1024xf32, #tpu.memory_space<hbm>> -> memref<16x1024xf32, #tpu.memory_space<hbm>>
    tpu.wait_dma2 semaphore(%arg19 : memref<!tpu.dma_semaphore, #tpu.memory_space<semaphore_mem>>) src(%arg7 : memref<16x1024xf32, #tpu.memory_space<vmem>>) dst(%dma_wait3A_315 : memref<16x1024xf32, #tpu.memory_space<hbm>>)
    %dma_start3A_316 = arith.constant 0 : i32
    %dma_start3A_317 = arith.constant 0 : i32
    %dma_start3A_318 = tpu.memref_slice %arg3[%dma_start3A_316, %dma_start3A_317] : memref<8192x1024xf32, #tpu.memory_space<hbm>> -> memref<8192x1024xf32, #tpu.memory_space<hbm>>
    tpu.enqueue_indirect_dma source(%dma_start3A_318 : memref<8192x1024xf32, #tpu.memory_space<hbm>>) target(%arg7 : memref<16x1024xf32, #tpu.memory_space<vmem>>) offsets(%add3A_306 : vector<16xi32>) semaphore(%arg13 : memref<!tpu.dma_semaphore, #tpu.memory_space<semaphore_mem>>)
    %dma_wait3A_319 = arith.constant 0 : i32
    %dma_wait3A_320 = arith.constant 0 : i32
    %dma_wait3A_321 = tpu.memref_slice %arg3[%dma_wait3A_319, %dma_wait3A_320] : memref<8192x1024xf32, #tpu.memory_space<hbm>> -> memref<8192x1024xf32, #tpu.memory_space<hbm>>
    tpu.wait_indirect_dma semaphore(%arg14 : memref<!tpu.dma_semaphore, #tpu.memory_space<semaphore_mem>>) src(%dma_wait3A_321 : memref<8192x1024xf32, #tpu.memory_space<hbm>>) dst(%arg8 : memref<16x1024xf32, #tpu.memory_space<vmem>>)
    %add3A_322 = arith.constant 32 : i32
    %add3A_323 = arith.addi %mul3A_48, %add3A_322 : i32
    %dma_start3A_324 = arith.constant 0 : i32
    %dma_start3A_325 = tpu.memref_slice %arg4[%add3A_323, %dma_start3A_324] : memref<16384x1024xf32, #tpu.memory_space<hbm>> -> memref<16x1024xf32, #tpu.memory_space<hbm>>
    %dma_start3A_326 = arith.constant 0 : i32
    %dma_start3A_327 = tpu.memref_slice %arg4[%add3A_323, %dma_start3A_326] : memref<16384x1024xf32, #tpu.memory_space<hbm>> -> memref<16x1024xf32, #tpu.memory_space<hbm>>
    tpu.enqueue_dma source(%arg8 : memref<16x1024xf32, #tpu.memory_space<vmem>>) target(%dma_start3A_327 : memref<16x1024xf32, #tpu.memory_space<hbm>>) target_semaphore(%arg20 : memref<!tpu.dma_semaphore, #tpu.memory_space<semaphore_mem>>)
    %mul3A_328 = arith.constant 512 : i32
    %mul3A_329 = arith.muli %select_n3A_30, %mul3A_328 : i32
    %add3A_330 = arith.constant 128 : i32
    %add3A_331 = arith.addi %mul3A_329, %add3A_330 : i32
    %get3A_332 = arith.index_cast %add3A_331 : i32 to index
    %get3A_333 = tpu.vector_load %arg5[%get3A_332] {strides = array<i32>} : memref<4096xi32, #tpu.memory_space<vmem>>, vector<16xi32>,
    %eq3A_334 = arith.constant 1 : i32
    %eq3A_335 = vector.broadcast %eq3A_334 : i32 to vector<16xi32>
    %eq3A_336 = arith.cmpi eq, %get3A_333, %eq3A_335 : vector<16xi32>
    %jit3A_337 = arith.constant 0 : i32
    %jit3A_338 = arith.constant 1 : i32
    %broadcast_in_dim3A_339 = vector.broadcast %jit3A_337 : i32 to vector<16xi32>
    %broadcast_in_dim3A_340 = vector.broadcast %jit3A_338 : i32 to vector<16xi32>
    %select_n3A_341 = arith.select %eq3A_336, %broadcast_in_dim3A_339, %broadcast_in_dim3A_340 : vector<16xi1>, vector<16xi32>
    %broadcast_in_dim3A_342 = arith.constant true
    %broadcast_in_dim3A_343 = vector.broadcast %broadcast_in_dim3A_342 : i1 to vector<16xi1>
    %masked_cumsum3A_344 = tpu.scan <sum>, %select_n3A_341 masked %broadcast_in_dim3A_343 : vector<16xi32>, vector<16xi1> -> vector<16xi32>
    %add3A_345 = vector.broadcast %add3A_311 : i32 to vector<16xi32>
    %add3A_346 = arith.addi %add3A_345, %masked_cumsum3A_344 : vector<16xi32>
    %mul3A_347 = arith.muli %add3A_346, %select_n3A_341 : vector<16xi32>
    %add3A_348 = arith.constant 1 : i32
    %add3A_349 = vector.broadcast %add3A_348 : i32 to vector<16xi32>
    %add3A_350 = arith.addi %mul3A_347, %add3A_349 : vector<16xi32>
    %reduce_sum3A_351 = arith.constant true
    %reduce_sum3A_352 = vector.broadcast %reduce_sum3A_351 : i1 to vector<16xi1>
    %reduce_sum3A_353 = tpu.scan <sum>, %select_n3A_341 masked %reduce_sum3A_352 : vector<16xi32>, vector<16xi1> -> vector<16xi32>
    %reduce_sum3A_354 = vector.extract %reduce_sum3A_353[15] : i32 from vector<16xi32>
    %add3A_355 = arith.addi %add3A_311, %reduce_sum3A_354 : i32
    %dma_wait3A_356 = arith.constant 0 : i32
    %dma_wait3A_357 = tpu.memref_slice %arg4[%add3A_323, %dma_wait3A_356] : memref<16384x1024xf32, #tpu.memory_space<hbm>> -> memref<16x1024xf32, #tpu.memory_space<hbm>>
    %dma_wait3A_358 = arith.constant 0 : i32
    %dma_wait3A_359 = tpu.memref_slice %arg4[%add3A_323, %dma_wait3A_358] : memref<16384x1024xf32, #tpu.memory_space<hbm>> -> memref<16x1024xf32, #tpu.memory_space<hbm>>
    tpu.wait_dma2 semaphore(%arg20 : memref<!tpu.dma_semaphore, #tpu.memory_space<semaphore_mem>>) src(%arg8 : memref<16x1024xf32, #tpu.memory_space<vmem>>) dst(%dma_wait3A_359 : memref<16x1024xf32, #tpu.memory_space<hbm>>)
    %dma_start3A_360 = arith.constant 0 : i32
    %dma_start3A_361 = arith.constant 0 : i32
    %dma_start3A_362 = tpu.memref_slice %arg3[%dma_start3A_360, %dma_start3A_361] : memref<8192x1024xf32, #tpu.memory_space<hbm>> -> memref<8192x1024xf32, #tpu.memory_space<hbm>>
    tpu.enqueue_indirect_dma source(%dma_start3A_362 : memref<8192x1024xf32, #tpu.memory_space<hbm>>) target(%arg8 : memref<16x1024xf32, #tpu.memory_space<vmem>>) offsets(%add3A_350 : vector<16xi32>) semaphore(%arg14 : memref<!tpu.dma_semaphore, #tpu.memory_space<semaphore_mem>>)
    %dma_wait3A_363 = arith.constant 0 : i32
    %dma_wait3A_364 = arith.constant 0 : i32
    %dma_wait3A_365 = tpu.memref_slice %arg3[%dma_wait3A_363, %dma_wait3A_364] : memref<8192x1024xf32, #tpu.memory_space<hbm>> -> memref<8192x1024xf32, #tpu.memory_space<hbm>>
    tpu.wait_indirect_dma semaphore(%arg15 : memref<!tpu.dma_semaphore, #tpu.memory_space<semaphore_mem>>) src(%dma_wait3A_365 : memref<8192x1024xf32, #tpu.memory_space<hbm>>) dst(%arg9 : memref<16x1024xf32, #tpu.memory_space<vmem>>)
    %add3A_366 = arith.constant 48 : i32
    %add3A_367 = arith.addi %mul3A_48, %add3A_366 : i32
    %dma_start3A_368 = arith.constant 0 : i32
    %dma_start3A_369 = tpu.memref_slice %arg4[%add3A_367, %dma_start3A_368] : memref<16384x1024xf32, #tpu.memory_space<hbm>> -> memref<16x1024xf32, #tpu.memory_space<hbm>>
    %dma_start3A_370 = arith.constant 0 : i32
    %dma_start3A_371 = tpu.memref_slice %arg4[%add3A_367, %dma_start3A_370] : memref<16384x1024xf32, #tpu.memory_space<hbm>> -> memref<16x1024xf32, #tpu.memory_space<hbm>>
    tpu.enqueue_dma source(%arg9 : memref<16x1024xf32, #tpu.memory_space<vmem>>) target(%dma_start3A_371 : memref<16x1024xf32, #tpu.memory_space<hbm>>) target_semaphore(%arg21 : memref<!tpu.dma_semaphore, #tpu.memory_space<semaphore_mem>>)
    %mul3A_372 = arith.constant 512 : i32
    %mul3A_373 = arith.muli %select_n3A_30, %mul3A_372 : i32
    %add3A_374 = arith.constant 144 : i32
    %add3A_375 = arith.addi %mul3A_373, %add3A_374 : i32
    %get3A_376 = arith.index_cast %add3A_375 : i32 to index
    %get3A_377 = tpu.vector_load %arg5[%get3A_376] {strides = array<i32>} : memref<4096xi32, #tpu.memory_space<vmem>>, vector<16xi32>,
    %eq3A_378 = arith.constant 1 : i32
    %eq3A_379 = vector.broadcast %eq3A_378 : i32 to vector<16xi32>
    %eq3A_380 = arith.cmpi eq, %get3A_377, %eq3A_379 : vector<16xi32>
    %jit3A_381 = arith.constant 0 : i32
    %jit3A_382 = arith.constant 1 : i32
    %broadcast_in_dim3A_383 = vector.broadcast %jit3A_381 : i32 to vector<16xi32>
    %broadcast_in_dim3A_384 = vector.broadcast %jit3A_382 : i32 to vector<16xi32>
    %select_n3A_385 = arith.select %eq3A_380, %broadcast_in_dim3A_383, %broadcast_in_dim3A_384 : vector<16xi1>, vector<16xi32>
    %broadcast_in_dim3A_386 = arith.constant true
    %broadcast_in_dim3A_387 = vector.broadcast %broadcast_in_dim3A_386 : i1 to vector<16xi1>
    %masked_cumsum3A_388 = tpu.scan <sum>, %select_n3A_385 masked %broadcast_in_dim3A_387 : vector<16xi32>, vector<16xi1> -> vector<16xi32>
    %add3A_389 = vector.broadcast %add3A_355 : i32 to vector<16xi32>
    %add3A_390 = arith.addi %add3A_389, %masked_cumsum3A_388 : vector<16xi32>
    %mul3A_391 = arith.muli %add3A_390, %select_n3A_385 : vector<16xi32>
    %add3A_392 = arith.constant 1 : i32
    %add3A_393 = vector.broadcast %add3A_392 : i32 to vector<16xi32>
    %add3A_394 = arith.addi %mul3A_391, %add3A_393 : vector<16xi32>
    %reduce_sum3A_395 = arith.constant true
    %reduce_sum3A_396 = vector.broadcast %reduce_sum3A_395 : i1 to vector<16xi1>
    %reduce_sum3A_397 = tpu.scan <sum>, %select_n3A_385 masked %reduce_sum3A_396 : vector<16xi32>, vector<16xi1> -> vector<16xi32>
    %reduce_sum3A_398 = vector.extract %reduce_sum3A_397[15] : i32 from vector<16xi32>
    %add3A_399 = arith.addi %add3A_355, %reduce_sum3A_398 : i32
    %dma_wait3A_400 = arith.constant 0 : i32
    %dma_wait3A_401 = tpu.memref_slice %arg4[%add3A_367, %dma_wait3A_400] : memref<16384x1024xf32, #tpu.memory_space<hbm>> -> memref<16x1024xf32, #tpu.memory_space<hbm>>
    %dma_wait3A_402 = arith.constant 0 : i32
    %dma_wait3A_403 = tpu.memref_slice %arg4[%add3A_367, %dma_wait3A_402] : memref<16384x1024xf32, #tpu.memory_space<hbm>> -> memref<16x1024xf32, #tpu.memory_space<hbm>>
    tpu.wait_dma2 semaphore(%arg21 : memref<!tpu.dma_semaphore, #tpu.memory_space<semaphore_mem>>) src(%arg9 : memref<16x1024xf32, #tpu.memory_space<vmem>>) dst(%dma_wait3A_403 : memref<16x1024xf32, #tpu.memory_space<hbm>>)
    %dma_start3A_404 = arith.constant 0 : i32
    %dma_start3A_405 = arith.constant 0 : i32
    %dma_start3A_406 = tpu.memref_slice %arg3[%dma_start3A_404, %dma_start3A_405] : memref<8192x1024xf32, #tpu.memory_space<hbm>> -> memref<8192x1024xf32, #tpu.memory_space<hbm>>
    tpu.enqueue_indirect_dma source(%dma_start3A_406 : memref<8192x1024xf32, #tpu.memory_space<hbm>>) target(%arg9 : memref<16x1024xf32, #tpu.memory_space<vmem>>) offsets(%add3A_394 : vector<16xi32>) semaphore(%arg15 : memref<!tpu.dma_semaphore, #tpu.memory_space<semaphore_mem>>)
    %dma_wait3A_407 = arith.constant 0 : i32
    %dma_wait3A_408 = arith.constant 0 : i32
    %dma_wait3A_409 = tpu.memref_slice %arg3[%dma_wait3A_407, %dma_wait3A_408] : memref<8192x1024xf32, #tpu.memory_space<hbm>> -> memref<8192x1024xf32, #tpu.memory_space<hbm>>
    tpu.wait_indirect_dma semaphore(%arg16 : memref<!tpu.dma_semaphore, #tpu.memory_space<semaphore_mem>>) src(%dma_wait3A_409 : memref<8192x1024xf32, #tpu.memory_space<hbm>>) dst(%arg10 : memref<16x1024xf32, #tpu.memory_space<vmem>>)
    %add3A_410 = arith.constant 64 : i32
    %add3A_411 = arith.addi %mul3A_48, %add3A_410 : i32
    %dma_start3A_412 = arith.constant 0 : i32
    %dma_start3A_413 = tpu.memref_slice %arg4[%add3A_411, %dma_start3A_412] : memref<16384x1024xf32, #tpu.memory_space<hbm>> -> memref<16x1024xf32, #tpu.memory_space<hbm>>
    %dma_start3A_414 = arith.constant 0 : i32
    %dma_start3A_415 = tpu.memref_slice %arg4[%add3A_411, %dma_start3A_414] : memref<16384x1024xf32, #tpu.memory_space<hbm>> -> memref<16x1024xf32, #tpu.memory_space<hbm>>
    tpu.enqueue_dma source(%arg10 : memref<16x1024xf32, #tpu.memory_space<vmem>>) target(%dma_start3A_415 : memref<16x1024xf32, #tpu.memory_space<hbm>>) target_semaphore(%arg22 : memref<!tpu.dma_semaphore, #tpu.memory_space<semaphore_mem>>)
    %mul3A_416 = arith.constant 512 : i32
    %mul3A_417 = arith.muli %select_n3A_30, %mul3A_416 : i32
    %add3A_418 = arith.constant 160 : i32
    %add3A_419 = arith.addi %mul3A_417, %add3A_418 : i32
    %get3A_420 = arith.index_cast %add3A_419 : i32 to index
    %get3A_421 = tpu.vector_load %arg5[%get3A_420] {strides = array<i32>} : memref<4096xi32, #tpu.memory_space<vmem>>, vector<16xi32>,
    %eq3A_422 = arith.constant 1 : i32
    %eq3A_423 = vector.broadcast %eq3A_422 : i32 to vector<16xi32>
    %eq3A_424 = arith.cmpi eq, %get3A_421, %eq3A_423 : vector<16xi32>
    %jit3A_425 = arith.constant 0 : i32
    %jit3A_426 = arith.constant 1 : i32
    %broadcast_in_dim3A_427 = vector.broadcast %jit3A_425 : i32 to vector<16xi32>
    %broadcast_in_dim3A_428 = vector.broadcast %jit3A_426 : i32 to vector<16xi32>
    %select_n3A_429 = arith.select %eq3A_424, %broadcast_in_dim3A_427, %broadcast_in_dim3A_428 : vector<16xi1>, vector<16xi32>
    %broadcast_in_dim3A_430 = arith.constant true
    %broadcast_in_dim3A_431 = vector.broadcast %broadcast_in_dim3A_430 : i1 to vector<16xi1>
    %masked_cumsum3A_432 = tpu.scan <sum>, %select_n3A_429 masked %broadcast_in_dim3A_431 : vector<16xi32>, vector<16xi1> -> vector<16xi32>
    %add3A_433 = vector.broadcast %add3A_399 : i32 to vector<16xi32>
    %add3A_434 = arith.addi %add3A_433, %masked_cumsum3A_432 : vector<16xi32>
    %mul3A_435 = arith.muli %add3A_434, %select_n3A_429 : vector<16xi32>
    %add3A_436 = arith.constant 1 : i32
    %add3A_437 = vector.broadcast %add3A_436 : i32 to vector<16xi32>
    %add3A_438 = arith.addi %mul3A_435, %add3A_437 : vector<16xi32>
    %reduce_sum3A_439 = arith.constant true
    %reduce_sum3A_440 = vector.broadcast %reduce_sum3A_439 : i1 to vector<16xi1>
    %reduce_sum3A_441 = tpu.scan <sum>, %select_n3A_429 masked %reduce_sum3A_440 : vector<16xi32>, vector<16xi1> -> vector<16xi32>
    %reduce_sum3A_442 = vector.extract %reduce_sum3A_441[15] : i32 from vector<16xi32>
    %add3A_443 = arith.addi %add3A_399, %reduce_sum3A_442 : i32
    %dma_wait3A_444 = arith.constant 0 : i32
    %dma_wait3A_445 = tpu.memref_slice %arg4[%add3A_411, %dma_wait3A_444] : memref<16384x1024xf32, #tpu.memory_space<hbm>> -> memref<16x1024xf32, #tpu.memory_space<hbm>>
    %dma_wait3A_446 = arith.constant 0 : i32
    %dma_wait3A_447 = tpu.memref_slice %arg4[%add3A_411, %dma_wait3A_446] : memref<16384x1024xf32, #tpu.memory_space<hbm>> -> memref<16x1024xf32, #tpu.memory_space<hbm>>
    tpu.wait_dma2 semaphore(%arg22 : memref<!tpu.dma_semaphore, #tpu.memory_space<semaphore_mem>>) src(%arg10 : memref<16x1024xf32, #tpu.memory_space<vmem>>) dst(%dma_wait3A_447 : memref<16x1024xf32, #tpu.memory_space<hbm>>)
    %dma_start3A_448 = arith.constant 0 : i32
    %dma_start3A_449 = arith.constant 0 : i32
    %dma_start3A_450 = tpu.memref_slice %arg3[%dma_start3A_448, %dma_start3A_449] : memref<8192x1024xf32, #tpu.memory_space<hbm>> -> memref<8192x1024xf32, #tpu.memory_space<hbm>>
    tpu.enqueue_indirect_dma source(%dma_start3A_450 : memref<8192x1024xf32, #tpu.memory_space<hbm>>) target(%arg10 : memref<16x1024xf32, #tpu.memory_space<vmem>>) offsets(%add3A_438 : vector<16xi32>) semaphore(%arg16 : memref<!tpu.dma_semaphore, #tpu.memory_space<semaphore_mem>>)
    %dma_wait3A_451 = arith.constant 0 : i32
    %dma_wait3A_452 = arith.constant 0 : i32
    %dma_wait3A_453 = tpu.memref_slice %arg3[%dma_wait3A_451, %dma_wait3A_452] : memref<8192x1024xf32, #tpu.memory_space<hbm>> -> memref<8192x1024xf32, #tpu.memory_space<hbm>>
    tpu.wait_indirect_dma semaphore(%arg17 : memref<!tpu.dma_semaphore, #tpu.memory_space<semaphore_mem>>) src(%dma_wait3A_453 : memref<8192x1024xf32, #tpu.memory_space<hbm>>) dst(%arg11 : memref<16x1024xf32, #tpu.memory_space<vmem>>)
    %add3A_454 = arith.constant 80 : i32
    %add3A_455 = arith.addi %mul3A_48, %add3A_454 : i32
    %dma_start3A_456 = arith.constant 0 : i32
    %dma_start3A_457 = tpu.memref_slice %arg4[%add3A_455, %dma_start3A_456] : memref<16384x1024xf32, #tpu.memory_space<hbm>> -> memref<16x1024xf32, #tpu.memory_space<hbm>>
    %dma_start3A_458 = arith.constant 0 : i32
    %dma_start3A_459 = tpu.memref_slice %arg4[%add3A_455, %dma_start3A_458] : memref<16384x1024xf32, #tpu.memory_space<hbm>> -> memref<16x1024xf32, #tpu.memory_space<hbm>>
    tpu.enqueue_dma source(%arg11 : memref<16x1024xf32, #tpu.memory_space<vmem>>) target(%dma_start3A_459 : memref<16x1024xf32, #tpu.memory_space<hbm>>) target_semaphore(%arg23 : memref<!tpu.dma_semaphore, #tpu.memory_space<semaphore_mem>>)
    %mul3A_460 = arith.constant 512 : i32
    %mul3A_461 = arith.muli %select_n3A_30, %mul3A_460 : i32
    %add3A_462 = arith.constant 176 : i32
    %add3A_463 = arith.addi %mul3A_461, %add3A_462 : i32
    %get3A_464 = arith.index_cast %add3A_463 : i32 to index
    %get3A_465 = tpu.vector_load %arg5[%get3A_464] {strides = array<i32>} : memref<4096xi32, #tpu.memory_space<vmem>>, vector<16xi32>,
    %eq3A_466 = arith.constant 1 : i32
    %eq3A_467 = vector.broadcast %eq3A_466 : i32 to vector<16xi32>
    %eq3A_468 = arith.cmpi eq, %get3A_465, %eq3A_467 : vector<16xi32>
    %jit3A_469 = arith.constant 0 : i32
    %jit3A_470 = arith.constant 1 : i32
    %broadcast_in_dim3A_471 = vector.broadcast %jit3A_469 : i32 to vector<16xi32>
    %broadcast_in_dim3A_472 = vector.broadcast %jit3A_470 : i32 to vector<16xi32>
    %select_n3A_473 = arith.select %eq3A_468, %broadcast_in_dim3A_471, %broadcast_in_dim3A_472 : vector<16xi1>, vector<16xi32>
    %broadcast_in_dim3A_474 = arith.constant true
    %broadcast_in_dim3A_475 = vector.broadcast %broadcast_in_dim3A_474 : i1 to vector<16xi1>
    %masked_cumsum3A_476 = tpu.scan <sum>, %select_n3A_473 masked %broadcast_in_dim3A_475 : vector<16xi32>, vector<16xi1> -> vector<16xi32>
    %add3A_477 = vector.broadcast %add3A_443 : i32 to vector<16xi32>
    %add3A_478 = arith.addi %add3A_477, %masked_cumsum3A_476 : vector<16xi32>
    %mul3A_479 = arith.muli %add3A_478, %select_n3A_473 : vector<16xi32>
    %add3A_480 = arith.constant 1 : i32
    %add3A_481 = vector.broadcast %add3A_480 : i32 to vector<16xi32>
    %add3A_482 = arith.addi %mul3A_479, %add3A_481 : vector<16xi32>
    %reduce_sum3A_483 = arith.constant true
    %reduce_sum3A_484 = vector.broadcast %reduce_sum3A_483 : i1 to vector<16xi1>
    %reduce_sum3A_485 = tpu.scan <sum>, %select_n3A_473 masked %reduce_sum3A_484 : vector<16xi32>, vector<16xi1> -> vector<16xi32>
    %reduce_sum3A_486 = vector.extract %reduce_sum3A_485[15] : i32 from vector<16xi32>
    %add3A_487 = arith.addi %add3A_443, %reduce_sum3A_486 : i32
    %dma_wait3A_488 = arith.constant 0 : i32
    %dma_wait3A_489 = tpu.memref_slice %arg4[%add3A_455, %dma_wait3A_488] : memref<16384x1024xf32, #tpu.memory_space<hbm>> -> memref<16x1024xf32, #tpu.memory_space<hbm>>
    %dma_wait3A_490 = arith.constant 0 : i32
    %dma_wait3A_491 = tpu.memref_slice %arg4[%add3A_455, %dma_wait3A_490] : memref<16384x1024xf32, #tpu.memory_space<hbm>> -> memref<16x1024xf32, #tpu.memory_space<hbm>>
    tpu.wait_dma2 semaphore(%arg23 : memref<!tpu.dma_semaphore, #tpu.memory_space<semaphore_mem>>) src(%arg11 : memref<16x1024xf32, #tpu.memory_space<vmem>>) dst(%dma_wait3A_491 : memref<16x1024xf32, #tpu.memory_space<hbm>>)
    %dma_start3A_492 = arith.constant 0 : i32
    %dma_start3A_493 = arith.constant 0 : i32
    %dma_start3A_494 = tpu.memref_slice %arg3[%dma_start3A_492, %dma_start3A_493] : memref<8192x1024xf32, #tpu.memory_space<hbm>> -> memref<8192x1024xf32, #tpu.memory_space<hbm>>
    tpu.enqueue_indirect_dma source(%dma_start3A_494 : memref<8192x1024xf32, #tpu.memory_space<hbm>>) target(%arg11 : memref<16x1024xf32, #tpu.memory_space<vmem>>) offsets(%add3A_482 : vector<16xi32>) semaphore(%arg17 : memref<!tpu.dma_semaphore, #tpu.memory_space<semaphore_mem>>)
    %dma_wait3A_495 = arith.constant 0 : i32
    %dma_wait3A_496 = arith.constant 0 : i32
    %dma_wait3A_497 = tpu.memref_slice %arg3[%dma_wait3A_495, %dma_wait3A_496] : memref<8192x1024xf32, #tpu.memory_space<hbm>> -> memref<8192x1024xf32, #tpu.memory_space<hbm>>
    tpu.wait_indirect_dma semaphore(%arg12 : memref<!tpu.dma_semaphore, #tpu.memory_space<semaphore_mem>>) src(%dma_wait3A_497 : memref<8192x1024xf32, #tpu.memory_space<hbm>>) dst(%arg6 : memref<16x1024xf32, #tpu.memory_space<vmem>>)
    %add3A_498 = arith.constant 96 : i32
    %add3A_499 = arith.addi %mul3A_48, %add3A_498 : i32
    %dma_start3A_500 = arith.constant 0 : i32
    %dma_start3A_501 = tpu.memref_slice %arg4[%add3A_499, %dma_start3A_500] : memref<16384x1024xf32, #tpu.memory_space<hbm>> -> memref<16x1024xf32, #tpu.memory_space<hbm>>
    %dma_start3A_502 = arith.constant 0 : i32
    %dma_start3A_503 = tpu.memref_slice %arg4[%add3A_499, %dma_start3A_502] : memref<16384x1024xf32, #tpu.memory_space<hbm>> -> memref<16x1024xf32, #tpu.memory_space<hbm>>
    tpu.enqueue_dma source(%arg6 : memref<16x1024xf32, #tpu.memory_space<vmem>>) target(%dma_start3A_503 : memref<16x1024xf32, #tpu.memory_space<hbm>>) target_semaphore(%arg18 : memref<!tpu.dma_semaphore, #tpu.memory_space<semaphore_mem>>)
    %mul3A_504 = arith.constant 512 : i32
    %mul3A_505 = arith.muli %select_n3A_30, %mul3A_504 : i32
    %add3A_506 = arith.constant 192 : i32
    %add3A_507 = arith.addi %mul3A_505, %add3A_506 : i32
    %get3A_508 = arith.index_cast %add3A_507 : i32 to index
    %get3A_509 = tpu.vector_load %arg5[%get3A_508] {strides = array<i32>} : memref<4096xi32, #tpu.memory_space<vmem>>, vector<16xi32>,
    %eq3A_510 = arith.constant 1 : i32
    %eq3A_511 = vector.broadcast %eq3A_510 : i32 to vector<16xi32>
    %eq3A_512 = arith.cmpi eq, %get3A_509, %eq3A_511 : vector<16xi32>
    %jit3A_513 = arith.constant 0 : i32
    %jit3A_514 = arith.constant 1 : i32
    %broadcast_in_dim3A_515 = vector.broadcast %jit3A_513 : i32 to vector<16xi32>
    %broadcast_in_dim3A_516 = vector.broadcast %jit3A_514 : i32 to vector<16xi32>
    %select_n3A_517 = arith.select %eq3A_512, %broadcast_in_dim3A_515, %broadcast_in_dim3A_516 : vector<16xi1>, vector<16xi32>
    %broadcast_in_dim3A_518 = arith.constant true
    %broadcast_in_dim3A_519 = vector.broadcast %broadcast_in_dim3A_518 : i1 to vector<16xi1>
    %masked_cumsum3A_520 = tpu.scan <sum>, %select_n3A_517 masked %broadcast_in_dim3A_519 : vector<16xi32>, vector<16xi1> -> vector<16xi32>
    %add3A_521 = vector.broadcast %add3A_487 : i32 to vector<16xi32>
    %add3A_522 = arith.addi %add3A_521, %masked_cumsum3A_520 : vector<16xi32>
    %mul3A_523 = arith.muli %add3A_522, %select_n3A_517 : vector<16xi32>
    %add3A_524 = arith.constant 1 : i32
    %add3A_525 = vector.broadcast %add3A_524 : i32 to vector<16xi32>
    %add3A_526 = arith.addi %mul3A_523, %add3A_525 : vector<16xi32>
    %reduce_sum3A_527 = arith.constant true
    %reduce_sum3A_528 = vector.broadcast %reduce_sum3A_527 : i1 to vector<16xi1>
    %reduce_sum3A_529 = tpu.scan <sum>, %select_n3A_517 masked %reduce_sum3A_528 : vector<16xi32>, vector<16xi1> -> vector<16xi32>
    %reduce_sum3A_530 = vector.extract %reduce_sum3A_529[15] : i32 from vector<16xi32>
    %add3A_531 = arith.addi %add3A_487, %reduce_sum3A_530 : i32
    %dma_wait3A_532 = arith.constant 0 : i32
    %dma_wait3A_533 = tpu.memref_slice %arg4[%add3A_499, %dma_wait3A_532] : memref<16384x1024xf32, #tpu.memory_space<hbm>> -> memref<16x1024xf32, #tpu.memory_space<hbm>>
    %dma_wait3A_534 = arith.constant 0 : i32
    %dma_wait3A_535 = tpu.memref_slice %arg4[%add3A_499, %dma_wait3A_534] : memref<16384x1024xf32, #tpu.memory_space<hbm>> -> memref<16x1024xf32, #tpu.memory_space<hbm>>
    tpu.wait_dma2 semaphore(%arg18 : memref<!tpu.dma_semaphore, #tpu.memory_space<semaphore_mem>>) src(%arg6 : memref<16x1024xf32, #tpu.memory_space<vmem>>) dst(%dma_wait3A_535 : memref<16x1024xf32, #tpu.memory_space<hbm>>)
    %dma_start3A_536 = arith.constant 0 : i32
    %dma_start3A_537 = arith.constant 0 : i32
    %dma_start3A_538 = tpu.memref_slice %arg3[%dma_start3A_536, %dma_start3A_537] : memref<8192x1024xf32, #tpu.memory_space<hbm>> -> memref<8192x1024xf32, #tpu.memory_space<hbm>>
    tpu.enqueue_indirect_dma source(%dma_start3A_538 : memref<8192x1024xf32, #tpu.memory_space<hbm>>) target(%arg6 : memref<16x1024xf32, #tpu.memory_space<vmem>>) offsets(%add3A_526 : vector<16xi32>) semaphore(%arg12 : memref<!tpu.dma_semaphore, #tpu.memory_space<semaphore_mem>>)
    %dma_wait3A_539 = arith.constant 0 : i32
    %dma_wait3A_540 = arith.constant 0 : i32
    %dma_wait3A_541 = tpu.memref_slice %arg3[%dma_wait3A_539, %dma_wait3A_540] : memref<8192x1024xf32, #tpu.memory_space<hbm>> -> memref<8192x1024xf32, #tpu.memory_space<hbm>>
    tpu.wait_indirect_dma semaphore(%arg13 : memref<!tpu.dma_semaphore, #tpu.memory_space<semaphore_mem>>) src(%dma_wait3A_541 : memref<8192x1024xf32, #tpu.memory_space<hbm>>) dst(%arg7 : memref<16x1024xf32, #tpu.memory_space<vmem>>)
    %add3A_542 = arith.constant 112 : i32
    %add3A_543 = arith.addi %mul3A_48, %add3A_542 : i32
    %dma_start3A_544 = arith.constant 0 : i32
    %dma_start3A_545 = tpu.memref_slice %arg4[%add3A_543, %dma_start3A_544] : memref<16384x1024xf32, #tpu.memory_space<hbm>> -> memref<16x1024xf32, #tpu.memory_space<hbm>>
    %dma_start3A_546 = arith.constant 0 : i32
    %dma_start3A_547 = tpu.memref_slice %arg4[%add3A_543, %dma_start3A_546] : memref<16384x1024xf32, #tpu.memory_space<hbm>> -> memref<16x1024xf32, #tpu.memory_space<hbm>>
    tpu.enqueue_dma source(%arg7 : memref<16x1024xf32, #tpu.memory_space<vmem>>) target(%dma_start3A_547 : memref<16x1024xf32, #tpu.memory_space<hbm>>) target_semaphore(%arg19 : memref<!tpu.dma_semaphore, #tpu.memory_space<semaphore_mem>>)
    %mul3A_548 = arith.constant 512 : i32
    %mul3A_549 = arith.muli %select_n3A_30, %mul3A_548 : i32
    %add3A_550 = arith.constant 208 : i32
    %add3A_551 = arith.addi %mul3A_549, %add3A_550 : i32
    %get3A_552 = arith.index_cast %add3A_551 : i32 to index
    %get3A_553 = tpu.vector_load %arg5[%get3A_552] {strides = array<i32>} : memref<4096xi32, #tpu.memory_space<vmem>>, vector<16xi32>,
    %eq3A_554 = arith.constant 1 : i32
    %eq3A_555 = vector.broadcast %eq3A_554 : i32 to vector<16xi32>
    %eq3A_556 = arith.cmpi eq, %get3A_553, %eq3A_555 : vector<16xi32>
    %jit3A_557 = arith.constant 0 : i32
    %jit3A_558 = arith.constant 1 : i32
    %broadcast_in_dim3A_559 = vector.broadcast %jit3A_557 : i32 to vector<16xi32>
    %broadcast_in_dim3A_560 = vector.broadcast %jit3A_558 : i32 to vector<16xi32>
    %select_n3A_561 = arith.select %eq3A_556, %broadcast_in_dim3A_559, %broadcast_in_dim3A_560 : vector<16xi1>, vector<16xi32>
    %broadcast_in_dim3A_562 = arith.constant true
    %broadcast_in_dim3A_563 = vector.broadcast %broadcast_in_dim3A_562 : i1 to vector<16xi1>
    %masked_cumsum3A_564 = tpu.scan <sum>, %select_n3A_561 masked %broadcast_in_dim3A_563 : vector<16xi32>, vector<16xi1> -> vector<16xi32>
    %add3A_565 = vector.broadcast %add3A_531 : i32 to vector<16xi32>
    %add3A_566 = arith.addi %add3A_565, %masked_cumsum3A_564 : vector<16xi32>
    %mul3A_567 = arith.muli %add3A_566, %select_n3A_561 : vector<16xi32>
    %add3A_568 = arith.constant 1 : i32
    %add3A_569 = vector.broadcast %add3A_568 : i32 to vector<16xi32>
    %add3A_570 = arith.addi %mul3A_567, %add3A_569 : vector<16xi32>
    %reduce_sum3A_571 = arith.constant true
    %reduce_sum3A_572 = vector.broadcast %reduce_sum3A_571 : i1 to vector<16xi1>
    %reduce_sum3A_573 = tpu.scan <sum>, %select_n3A_561 masked %reduce_sum3A_572 : vector<16xi32>, vector<16xi1> -> vector<16xi32>
    %reduce_sum3A_574 = vector.extract %reduce_sum3A_573[15] : i32 from vector<16xi32>
    %add3A_575 = arith.addi %add3A_531, %reduce_sum3A_574 : i32
    %dma_wait3A_576 = arith.constant 0 : i32
    %dma_wait3A_577 = tpu.memref_slice %arg4[%add3A_543, %dma_wait3A_576] : memref<16384x1024xf32, #tpu.memory_space<hbm>> -> memref<16x1024xf32, #tpu.memory_space<hbm>>
    %dma_wait3A_578 = arith.constant 0 : i32
    %dma_wait3A_579 = tpu.memref_slice %arg4[%add3A_543, %dma_wait3A_578] : memref<16384x1024xf32, #tpu.memory_space<hbm>> -> memref<16x1024xf32, #tpu.memory_space<hbm>>
    tpu.wait_dma2 semaphore(%arg19 : memref<!tpu.dma_semaphore, #tpu.memory_space<semaphore_mem>>) src(%arg7 : memref<16x1024xf32, #tpu.memory_space<vmem>>) dst(%dma_wait3A_579 : memref<16x1024xf32, #tpu.memory_space<hbm>>)
    %dma_start3A_580 = arith.constant 0 : i32
    %dma_start3A_581 = arith.constant 0 : i32
    %dma_start3A_582 = tpu.memref_slice %arg3[%dma_start3A_580, %dma_start3A_581] : memref<8192x1024xf32, #tpu.memory_space<hbm>> -> memref<8192x1024xf32, #tpu.memory_space<hbm>>
    tpu.enqueue_indirect_dma source(%dma_start3A_582 : memref<8192x1024xf32, #tpu.memory_space<hbm>>) target(%arg7 : memref<16x1024xf32, #tpu.memory_space<vmem>>) offsets(%add3A_570 : vector<16xi32>) semaphore(%arg13 : memref<!tpu.dma_semaphore, #tpu.memory_space<semaphore_mem>>)
    %dma_wait3A_583 = arith.constant 0 : i32
    %dma_wait3A_584 = arith.constant 0 : i32
    %dma_wait3A_585 = tpu.memref_slice %arg3[%dma_wait3A_583, %dma_wait3A_584] : memref<8192x1024xf32, #tpu.memory_space<hbm>> -> memref<8192x1024xf32, #tpu.memory_space<hbm>>
    tpu.wait_indirect_dma semaphore(%arg14 : memref<!tpu.dma_semaphore, #tpu.memory_space<semaphore_mem>>) src(%dma_wait3A_585 : memref<8192x1024xf32, #tpu.memory_space<hbm>>) dst(%arg8 : memref<16x1024xf32, #tpu.memory_space<vmem>>)
    %add3A_586 = arith.constant 128 : i32
    %add3A_587 = arith.addi %mul3A_48, %add3A_586 : i32
    %dma_start3A_588 = arith.constant 0 : i32
    %dma_start3A_589 = tpu.memref_slice %arg4[%add3A_587, %dma_start3A_588] : memref<16384x1024xf32, #tpu.memory_space<hbm>> -> memref<16x1024xf32, #tpu.memory_space<hbm>>
    %dma_start3A_590 = arith.constant 0 : i32
    %dma_start3A_591 = tpu.memref_slice %arg4[%add3A_587, %dma_start3A_590] : memref<16384x1024xf32, #tpu.memory_space<hbm>> -> memref<16x1024xf32, #tpu.memory_space<hbm>>
    tpu.enqueue_dma source(%arg8 : memref<16x1024xf32, #tpu.memory_space<vmem>>) target(%dma_start3A_591 : memref<16x1024xf32, #tpu.memory_space<hbm>>) target_semaphore(%arg20 : memref<!tpu.dma_semaphore, #tpu.memory_space<semaphore_mem>>)
    %mul3A_592 = arith.constant 512 : i32
    %mul3A_593 = arith.muli %select_n3A_30, %mul3A_592 : i32
    %add3A_594 = arith.constant 224 : i32
    %add3A_595 = arith.addi %mul3A_593, %add3A_594 : i32
    %get3A_596 = arith.index_cast %add3A_595 : i32 to index
    %get3A_597 = tpu.vector_load %arg5[%get3A_596] {strides = array<i32>} : memref<4096xi32, #tpu.memory_space<vmem>>, vector<16xi32>,
    %eq3A_598 = arith.constant 1 : i32
    %eq3A_599 = vector.broadcast %eq3A_598 : i32 to vector<16xi32>
    %eq3A_600 = arith.cmpi eq, %get3A_597, %eq3A_599 : vector<16xi32>
    %jit3A_601 = arith.constant 0 : i32
    %jit3A_602 = arith.constant 1 : i32
    %broadcast_in_dim3A_603 = vector.broadcast %jit3A_601 : i32 to vector<16xi32>
    %broadcast_in_dim3A_604 = vector.broadcast %jit3A_602 : i32 to vector<16xi32>
    %select_n3A_605 = arith.select %eq3A_600, %broadcast_in_dim3A_603, %broadcast_in_dim3A_604 : vector<16xi1>, vector<16xi32>
    %broadcast_in_dim3A_606 = arith.constant true
    %broadcast_in_dim3A_607 = vector.broadcast %broadcast_in_dim3A_606 : i1 to vector<16xi1>
    %masked_cumsum3A_608 = tpu.scan <sum>, %select_n3A_605 masked %broadcast_in_dim3A_607 : vector<16xi32>, vector<16xi1> -> vector<16xi32>
    %add3A_609 = vector.broadcast %add3A_575 : i32 to vector<16xi32>
    %add3A_610 = arith.addi %add3A_609, %masked_cumsum3A_608 : vector<16xi32>
    %mul3A_611 = arith.muli %add3A_610, %select_n3A_605 : vector<16xi32>
    %add3A_612 = arith.constant 1 : i32
    %add3A_613 = vector.broadcast %add3A_612 : i32 to vector<16xi32>
    %add3A_614 = arith.addi %mul3A_611, %add3A_613 : vector<16xi32>
    %reduce_sum3A_615 = arith.constant true
    %reduce_sum3A_616 = vector.broadcast %reduce_sum3A_615 : i1 to vector<16xi1>
    %reduce_sum3A_617 = tpu.scan <sum>, %select_n3A_605 masked %reduce_sum3A_616 : vector<16xi32>, vector<16xi1> -> vector<16xi32>
    %reduce_sum3A_618 = vector.extract %reduce_sum3A_617[15] : i32 from vector<16xi32>
    %add3A_619 = arith.addi %add3A_575, %reduce_sum3A_618 : i32
    %dma_wait3A_620 = arith.constant 0 : i32
    %dma_wait3A_621 = tpu.memref_slice %arg4[%add3A_587, %dma_wait3A_620] : memref<16384x1024xf32, #tpu.memory_space<hbm>> -> memref<16x1024xf32, #tpu.memory_space<hbm>>
    %dma_wait3A_622 = arith.constant 0 : i32
    %dma_wait3A_623 = tpu.memref_slice %arg4[%add3A_587, %dma_wait3A_622] : memref<16384x1024xf32, #tpu.memory_space<hbm>> -> memref<16x1024xf32, #tpu.memory_space<hbm>>
    tpu.wait_dma2 semaphore(%arg20 : memref<!tpu.dma_semaphore, #tpu.memory_space<semaphore_mem>>) src(%arg8 : memref<16x1024xf32, #tpu.memory_space<vmem>>) dst(%dma_wait3A_623 : memref<16x1024xf32, #tpu.memory_space<hbm>>)
    %dma_start3A_624 = arith.constant 0 : i32
    %dma_start3A_625 = arith.constant 0 : i32
    %dma_start3A_626 = tpu.memref_slice %arg3[%dma_start3A_624, %dma_start3A_625] : memref<8192x1024xf32, #tpu.memory_space<hbm>> -> memref<8192x1024xf32, #tpu.memory_space<hbm>>
    tpu.enqueue_indirect_dma source(%dma_start3A_626 : memref<8192x1024xf32, #tpu.memory_space<hbm>>) target(%arg8 : memref<16x1024xf32, #tpu.memory_space<vmem>>) offsets(%add3A_614 : vector<16xi32>) semaphore(%arg14 : memref<!tpu.dma_semaphore, #tpu.memory_space<semaphore_mem>>)
    %dma_wait3A_627 = arith.constant 0 : i32
    %dma_wait3A_628 = arith.constant 0 : i32
    %dma_wait3A_629 = tpu.memref_slice %arg3[%dma_wait3A_627, %dma_wait3A_628] : memref<8192x1024xf32, #tpu.memory_space<hbm>> -> memref<8192x1024xf32, #tpu.memory_space<hbm>>
    tpu.wait_indirect_dma semaphore(%arg15 : memref<!tpu.dma_semaphore, #tpu.memory_space<semaphore_mem>>) src(%dma_wait3A_629 : memref<8192x1024xf32, #tpu.memory_space<hbm>>) dst(%arg9 : memref<16x1024xf32, #tpu.memory_space<vmem>>)
    %add3A_630 = arith.constant 144 : i32
    %add3A_631 = arith.addi %mul3A_48, %add3A_630 : i32
    %dma_start3A_632 = arith.constant 0 : i32
    %dma_start3A_633 = tpu.memref_slice %arg4[%add3A_631, %dma_start3A_632] : memref<16384x1024xf32, #tpu.memory_space<hbm>> -> memref<16x1024xf32, #tpu.memory_space<hbm>>
    %dma_start3A_634 = arith.constant 0 : i32
    %dma_start3A_635 = tpu.memref_slice %arg4[%add3A_631, %dma_start3A_634] : memref<16384x1024xf32, #tpu.memory_space<hbm>> -> memref<16x1024xf32, #tpu.memory_space<hbm>>
    tpu.enqueue_dma source(%arg9 : memref<16x1024xf32, #tpu.memory_space<vmem>>) target(%dma_start3A_635 : memref<16x1024xf32, #tpu.memory_space<hbm>>) target_semaphore(%arg21 : memref<!tpu.dma_semaphore, #tpu.memory_space<semaphore_mem>>)
    %mul3A_636 = arith.constant 512 : i32
    %mul3A_637 = arith.muli %select_n3A_30, %mul3A_636 : i32
    %add3A_638 = arith.constant 240 : i32
    %add3A_639 = arith.addi %mul3A_637, %add3A_638 : i32
    %get3A_640 = arith.index_cast %add3A_639 : i32 to index
    %get3A_641 = tpu.vector_load %arg5[%get3A_640] {strides = array<i32>} : memref<4096xi32, #tpu.memory_space<vmem>>, vector<16xi32>,
    %eq3A_642 = arith.constant 1 : i32
    %eq3A_643 = vector.broadcast %eq3A_642 : i32 to vector<16xi32>
    %eq3A_644 = arith.cmpi eq, %get3A_641, %eq3A_643 : vector<16xi32>
    %jit3A_645 = arith.constant 0 : i32
    %jit3A_646 = arith.constant 1 : i32
    %broadcast_in_dim3A_647 = vector.broadcast %jit3A_645 : i32 to vector<16xi32>
    %broadcast_in_dim3A_648 = vector.broadcast %jit3A_646 : i32 to vector<16xi32>
    %select_n3A_649 = arith.select %eq3A_644, %broadcast_in_dim3A_647, %broadcast_in_dim3A_648 : vector<16xi1>, vector<16xi32>
    %broadcast_in_dim3A_650 = arith.constant true
    %broadcast_in_dim3A_651 = vector.broadcast %broadcast_in_dim3A_650 : i1 to vector<16xi1>
    %masked_cumsum3A_652 = tpu.scan <sum>, %select_n3A_649 masked %broadcast_in_dim3A_651 : vector<16xi32>, vector<16xi1> -> vector<16xi32>
    %add3A_653 = vector.broadcast %add3A_619 : i32 to vector<16xi32>
    %add3A_654 = arith.addi %add3A_653, %masked_cumsum3A_652 : vector<16xi32>
    %mul3A_655 = arith.muli %add3A_654, %select_n3A_649 : vector<16xi32>
    %add3A_656 = arith.constant 1 : i32
    %add3A_657 = vector.broadcast %add3A_656 : i32 to vector<16xi32>
    %add3A_658 = arith.addi %mul3A_655, %add3A_657 : vector<16xi32>
    %reduce_sum3A_659 = arith.constant true
    %reduce_sum3A_660 = vector.broadcast %reduce_sum3A_659 : i1 to vector<16xi1>
    %reduce_sum3A_661 = tpu.scan <sum>, %select_n3A_649 masked %reduce_sum3A_660 : vector<16xi32>, vector<16xi1> -> vector<16xi32>
    %reduce_sum3A_662 = vector.extract %reduce_sum3A_661[15] : i32 from vector<16xi32>
    %add3A_663 = arith.addi %add3A_619, %reduce_sum3A_662 : i32
    %dma_wait3A_664 = arith.constant 0 : i32
    %dma_wait3A_665 = tpu.memref_slice %arg4[%add3A_631, %dma_wait3A_664] : memref<16384x1024xf32, #tpu.memory_space<hbm>> -> memref<16x1024xf32, #tpu.memory_space<hbm>>
    %dma_wait3A_666 = arith.constant 0 : i32
    %dma_wait3A_667 = tpu.memref_slice %arg4[%add3A_631, %dma_wait3A_666] : memref<16384x1024xf32, #tpu.memory_space<hbm>> -> memref<16x1024xf32, #tpu.memory_space<hbm>>
    tpu.wait_dma2 semaphore(%arg21 : memref<!tpu.dma_semaphore, #tpu.memory_space<semaphore_mem>>) src(%arg9 : memref<16x1024xf32, #tpu.memory_space<vmem>>) dst(%dma_wait3A_667 : memref<16x1024xf32, #tpu.memory_space<hbm>>)
    %dma_start3A_668 = arith.constant 0 : i32
    %dma_start3A_669 = arith.constant 0 : i32
    %dma_start3A_670 = tpu.memref_slice %arg3[%dma_start3A_668, %dma_start3A_669] : memref<8192x1024xf32, #tpu.memory_space<hbm>> -> memref<8192x1024xf32, #tpu.memory_space<hbm>>
    tpu.enqueue_indirect_dma source(%dma_start3A_670 : memref<8192x1024xf32, #tpu.memory_space<hbm>>) target(%arg9 : memref<16x1024xf32, #tpu.memory_space<vmem>>) offsets(%add3A_658 : vector<16xi32>) semaphore(%arg15 : memref<!tpu.dma_semaphore, #tpu.memory_space<semaphore_mem>>)
    %dma_wait3A_671 = arith.constant 0 : i32
    %dma_wait3A_672 = arith.constant 0 : i32
    %dma_wait3A_673 = tpu.memref_slice %arg3[%dma_wait3A_671, %dma_wait3A_672] : memref<8192x1024xf32, #tpu.memory_space<hbm>> -> memref<8192x1024xf32, #tpu.memory_space<hbm>>
    tpu.wait_indirect_dma semaphore(%arg16 : memref<!tpu.dma_semaphore, #tpu.memory_space<semaphore_mem>>) src(%dma_wait3A_673 : memref<8192x1024xf32, #tpu.memory_space<hbm>>) dst(%arg10 : memref<16x1024xf32, #tpu.memory_space<vmem>>)
    %add3A_674 = arith.constant 160 : i32
    %add3A_675 = arith.addi %mul3A_48, %add3A_674 : i32
    %dma_start3A_676 = arith.constant 0 : i32
    %dma_start3A_677 = tpu.memref_slice %arg4[%add3A_675, %dma_start3A_676] : memref<16384x1024xf32, #tpu.memory_space<hbm>> -> memref<16x1024xf32, #tpu.memory_space<hbm>>
    %dma_start3A_678 = arith.constant 0 : i32
    %dma_start3A_679 = tpu.memref_slice %arg4[%add3A_675, %dma_start3A_678] : memref<16384x1024xf32, #tpu.memory_space<hbm>> -> memref<16x1024xf32, #tpu.memory_space<hbm>>
    tpu.enqueue_dma source(%arg10 : memref<16x1024xf32, #tpu.memory_space<vmem>>) target(%dma_start3A_679 : memref<16x1024xf32, #tpu.memory_space<hbm>>) target_semaphore(%arg22 : memref<!tpu.dma_semaphore, #tpu.memory_space<semaphore_mem>>)
    %mul3A_680 = arith.constant 512 : i32
    %mul3A_681 = arith.muli %select_n3A_30, %mul3A_680 : i32
    %add3A_682 = arith.constant 256 : i32
    %add3A_683 = arith.addi %mul3A_681, %add3A_682 : i32
    %get3A_684 = arith.index_cast %add3A_683 : i32 to index
    %get3A_685 = tpu.vector_load %arg5[%get3A_684] {strides = array<i32>} : memref<4096xi32, #tpu.memory_space<vmem>>, vector<16xi32>,
    %eq3A_686 = arith.constant 1 : i32
    %eq3A_687 = vector.broadcast %eq3A_686 : i32 to vector<16xi32>
    %eq3A_688 = arith.cmpi eq, %get3A_685, %eq3A_687 : vector<16xi32>
    %jit3A_689 = arith.constant 0 : i32
    %jit3A_690 = arith.constant 1 : i32
    %broadcast_in_dim3A_691 = vector.broadcast %jit3A_689 : i32 to vector<16xi32>
    %broadcast_in_dim3A_692 = vector.broadcast %jit3A_690 : i32 to vector<16xi32>
    %select_n3A_693 = arith.select %eq3A_688, %broadcast_in_dim3A_691, %broadcast_in_dim3A_692 : vector<16xi1>, vector<16xi32>
    %broadcast_in_dim3A_694 = arith.constant true
    %broadcast_in_dim3A_695 = vector.broadcast %broadcast_in_dim3A_694 : i1 to vector<16xi1>
    %masked_cumsum3A_696 = tpu.scan <sum>, %select_n3A_693 masked %broadcast_in_dim3A_695 : vector<16xi32>, vector<16xi1> -> vector<16xi32>
    %add3A_697 = vector.broadcast %add3A_663 : i32 to vector<16xi32>
    %add3A_698 = arith.addi %add3A_697, %masked_cumsum3A_696 : vector<16xi32>
    %mul3A_699 = arith.muli %add3A_698, %select_n3A_693 : vector<16xi32>
    %add3A_700 = arith.constant 1 : i32
    %add3A_701 = vector.broadcast %add3A_700 : i32 to vector<16xi32>
    %add3A_702 = arith.addi %mul3A_699, %add3A_701 : vector<16xi32>
    %reduce_sum3A_703 = arith.constant true
    %reduce_sum3A_704 = vector.broadcast %reduce_sum3A_703 : i1 to vector<16xi1>
    %reduce_sum3A_705 = tpu.scan <sum>, %select_n3A_693 masked %reduce_sum3A_704 : vector<16xi32>, vector<16xi1> -> vector<16xi32>
    %reduce_sum3A_706 = vector.extract %reduce_sum3A_705[15] : i32 from vector<16xi32>
    %add3A_707 = arith.addi %add3A_663, %reduce_sum3A_706 : i32
    %dma_wait3A_708 = arith.constant 0 : i32
    %dma_wait3A_709 = tpu.memref_slice %arg4[%add3A_675, %dma_wait3A_708] : memref<16384x1024xf32, #tpu.memory_space<hbm>> -> memref<16x1024xf32, #tpu.memory_space<hbm>>
    %dma_wait3A_710 = arith.constant 0 : i32
    %dma_wait3A_711 = tpu.memref_slice %arg4[%add3A_675, %dma_wait3A_710] : memref<16384x1024xf32, #tpu.memory_space<hbm>> -> memref<16x1024xf32, #tpu.memory_space<hbm>>
    tpu.wait_dma2 semaphore(%arg22 : memref<!tpu.dma_semaphore, #tpu.memory_space<semaphore_mem>>) src(%arg10 : memref<16x1024xf32, #tpu.memory_space<vmem>>) dst(%dma_wait3A_711 : memref<16x1024xf32, #tpu.memory_space<hbm>>)
    %dma_start3A_712 = arith.constant 0 : i32
    %dma_start3A_713 = arith.constant 0 : i32
    %dma_start3A_714 = tpu.memref_slice %arg3[%dma_start3A_712, %dma_start3A_713] : memref<8192x1024xf32, #tpu.memory_space<hbm>> -> memref<8192x1024xf32, #tpu.memory_space<hbm>>
    tpu.enqueue_indirect_dma source(%dma_start3A_714 : memref<8192x1024xf32, #tpu.memory_space<hbm>>) target(%arg10 : memref<16x1024xf32, #tpu.memory_space<vmem>>) offsets(%add3A_702 : vector<16xi32>) semaphore(%arg16 : memref<!tpu.dma_semaphore, #tpu.memory_space<semaphore_mem>>)
    %dma_wait3A_715 = arith.constant 0 : i32
    %dma_wait3A_716 = arith.constant 0 : i32
    %dma_wait3A_717 = tpu.memref_slice %arg3[%dma_wait3A_715, %dma_wait3A_716] : memref<8192x1024xf32, #tpu.memory_space<hbm>> -> memref<8192x1024xf32, #tpu.memory_space<hbm>>
    tpu.wait_indirect_dma semaphore(%arg17 : memref<!tpu.dma_semaphore, #tpu.memory_space<semaphore_mem>>) src(%dma_wait3A_717 : memref<8192x1024xf32, #tpu.memory_space<hbm>>) dst(%arg11 : memref<16x1024xf32, #tpu.memory_space<vmem>>)
    %add3A_718 = arith.constant 176 : i32
    %add3A_719 = arith.addi %mul3A_48, %add3A_718 : i32
    %dma_start3A_720 = arith.constant 0 : i32
    %dma_start3A_721 = tpu.memref_slice %arg4[%add3A_719, %dma_start3A_720] : memref<16384x1024xf32, #tpu.memory_space<hbm>> -> memref<16x1024xf32, #tpu.memory_space<hbm>>
    %dma_start3A_722 = arith.constant 0 : i32
    %dma_start3A_723 = tpu.memref_slice %arg4[%add3A_719, %dma_start3A_722] : memref<16384x1024xf32, #tpu.memory_space<hbm>> -> memref<16x1024xf32, #tpu.memory_space<hbm>>
    tpu.enqueue_dma source(%arg11 : memref<16x1024xf32, #tpu.memory_space<vmem>>) target(%dma_start3A_723 : memref<16x1024xf32, #tpu.memory_space<hbm>>) target_semaphore(%arg23 : memref<!tpu.dma_semaphore, #tpu.memory_space<semaphore_mem>>)
    %mul3A_724 = arith.constant 512 : i32
    %mul3A_725 = arith.muli %select_n3A_30, %mul3A_724 : i32
    %add3A_726 = arith.constant 272 : i32
    %add3A_727 = arith.addi %mul3A_725, %add3A_726 : i32
    %get3A_728 = arith.index_cast %add3A_727 : i32 to index
    %get3A_729 = tpu.vector_load %arg5[%get3A_728] {strides = array<i32>} : memref<4096xi32, #tpu.memory_space<vmem>>, vector<16xi32>,
    %eq3A_730 = arith.constant 1 : i32
    %eq3A_731 = vector.broadcast %eq3A_730 : i32 to vector<16xi32>
    %eq3A_732 = arith.cmpi eq, %get3A_729, %eq3A_731 : vector<16xi32>
    %jit3A_733 = arith.constant 0 : i32
    %jit3A_734 = arith.constant 1 : i32
    %broadcast_in_dim3A_735 = vector.broadcast %jit3A_733 : i32 to vector<16xi32>
    %broadcast_in_dim3A_736 = vector.broadcast %jit3A_734 : i32 to vector<16xi32>
    %select_n3A_737 = arith.select %eq3A_732, %broadcast_in_dim3A_735, %broadcast_in_dim3A_736 : vector<16xi1>, vector<16xi32>
    %broadcast_in_dim3A_738 = arith.constant true
    %broadcast_in_dim3A_739 = vector.broadcast %broadcast_in_dim3A_738 : i1 to vector<16xi1>
    %masked_cumsum3A_740 = tpu.scan <sum>, %select_n3A_737 masked %broadcast_in_dim3A_739 : vector<16xi32>, vector<16xi1> -> vector<16xi32>
    %add3A_741 = vector.broadcast %add3A_707 : i32 to vector<16xi32>
    %add3A_742 = arith.addi %add3A_741, %masked_cumsum3A_740 : vector<16xi32>
    %mul3A_743 = arith.muli %add3A_742, %select_n3A_737 : vector<16xi32>
    %add3A_744 = arith.constant 1 : i32
    %add3A_745 = vector.broadcast %add3A_744 : i32 to vector<16xi32>
    %add3A_746 = arith.addi %mul3A_743, %add3A_745 : vector<16xi32>
    %reduce_sum3A_747 = arith.constant true
    %reduce_sum3A_748 = vector.broadcast %reduce_sum3A_747 : i1 to vector<16xi1>
    %reduce_sum3A_749 = tpu.scan <sum>, %select_n3A_737 masked %reduce_sum3A_748 : vector<16xi32>, vector<16xi1> -> vector<16xi32>
    %reduce_sum3A_750 = vector.extract %reduce_sum3A_749[15] : i32 from vector<16xi32>
    %add3A_751 = arith.addi %add3A_707, %reduce_sum3A_750 : i32
    %dma_wait3A_752 = arith.constant 0 : i32
    %dma_wait3A_753 = tpu.memref_slice %arg4[%add3A_719, %dma_wait3A_752] : memref<16384x1024xf32, #tpu.memory_space<hbm>> -> memref<16x1024xf32, #tpu.memory_space<hbm>>
    %dma_wait3A_754 = arith.constant 0 : i32
    %dma_wait3A_755 = tpu.memref_slice %arg4[%add3A_719, %dma_wait3A_754] : memref<16384x1024xf32, #tpu.memory_space<hbm>> -> memref<16x1024xf32, #tpu.memory_space<hbm>>
    tpu.wait_dma2 semaphore(%arg23 : memref<!tpu.dma_semaphore, #tpu.memory_space<semaphore_mem>>) src(%arg11 : memref<16x1024xf32, #tpu.memory_space<vmem>>) dst(%dma_wait3A_755 : memref<16x1024xf32, #tpu.memory_space<hbm>>)
    %dma_start3A_756 = arith.constant 0 : i32
    %dma_start3A_757 = arith.constant 0 : i32
    %dma_start3A_758 = tpu.memref_slice %arg3[%dma_start3A_756, %dma_start3A_757] : memref<8192x1024xf32, #tpu.memory_space<hbm>> -> memref<8192x1024xf32, #tpu.memory_space<hbm>>
    tpu.enqueue_indirect_dma source(%dma_start3A_758 : memref<8192x1024xf32, #tpu.memory_space<hbm>>) target(%arg11 : memref<16x1024xf32, #tpu.memory_space<vmem>>) offsets(%add3A_746 : vector<16xi32>) semaphore(%arg17 : memref<!tpu.dma_semaphore, #tpu.memory_space<semaphore_mem>>)
    %dma_wait3A_759 = arith.constant 0 : i32
    %dma_wait3A_760 = arith.constant 0 : i32
    %dma_wait3A_761 = tpu.memref_slice %arg3[%dma_wait3A_759, %dma_wait3A_760] : memref<8192x1024xf32, #tpu.memory_space<hbm>> -> memref<8192x1024xf32, #tpu.memory_space<hbm>>
    tpu.wait_indirect_dma semaphore(%arg12 : memref<!tpu.dma_semaphore, #tpu.memory_space<semaphore_mem>>) src(%dma_wait3A_761 : memref<8192x1024xf32, #tpu.memory_space<hbm>>) dst(%arg6 : memref<16x1024xf32, #tpu.memory_space<vmem>>)
    %add3A_762 = arith.constant 192 : i32
    %add3A_763 = arith.addi %mul3A_48, %add3A_762 : i32
    %dma_start3A_764 = arith.constant 0 : i32
    %dma_start3A_765 = tpu.memref_slice %arg4[%add3A_763, %dma_start3A_764] : memref<16384x1024xf32, #tpu.memory_space<hbm>> -> memref<16x1024xf32, #tpu.memory_space<hbm>>
    %dma_start3A_766 = arith.constant 0 : i32
    %dma_start3A_767 = tpu.memref_slice %arg4[%add3A_763, %dma_start3A_766] : memref<16384x1024xf32, #tpu.memory_space<hbm>> -> memref<16x1024xf32, #tpu.memory_space<hbm>>
    tpu.enqueue_dma source(%arg6 : memref<16x1024xf32, #tpu.memory_space<vmem>>) target(%dma_start3A_767 : memref<16x1024xf32, #tpu.memory_space<hbm>>) target_semaphore(%arg18 : memref<!tpu.dma_semaphore, #tpu.memory_space<semaphore_mem>>)
    %mul3A_768 = arith.constant 512 : i32
    %mul3A_769 = arith.muli %select_n3A_30, %mul3A_768 : i32
    %add3A_770 = arith.constant 288 : i32
    %add3A_771 = arith.addi %mul3A_769, %add3A_770 : i32
    %get3A_772 = arith.index_cast %add3A_771 : i32 to index
    %get3A_773 = tpu.vector_load %arg5[%get3A_772] {strides = array<i32>} : memref<4096xi32, #tpu.memory_space<vmem>>, vector<16xi32>,
    %eq3A_774 = arith.constant 1 : i32
    %eq3A_775 = vector.broadcast %eq3A_774 : i32 to vector<16xi32>
    %eq3A_776 = arith.cmpi eq, %get3A_773, %eq3A_775 : vector<16xi32>
    %jit3A_777 = arith.constant 0 : i32
    %jit3A_778 = arith.constant 1 : i32
    %broadcast_in_dim3A_779 = vector.broadcast %jit3A_777 : i32 to vector<16xi32>
    %broadcast_in_dim3A_780 = vector.broadcast %jit3A_778 : i32 to vector<16xi32>
    %select_n3A_781 = arith.select %eq3A_776, %broadcast_in_dim3A_779, %broadcast_in_dim3A_780 : vector<16xi1>, vector<16xi32>
    %broadcast_in_dim3A_782 = arith.constant true
    %broadcast_in_dim3A_783 = vector.broadcast %broadcast_in_dim3A_782 : i1 to vector<16xi1>
    %masked_cumsum3A_784 = tpu.scan <sum>, %select_n3A_781 masked %broadcast_in_dim3A_783 : vector<16xi32>, vector<16xi1> -> vector<16xi32>
    %add3A_785 = vector.broadcast %add3A_751 : i32 to vector<16xi32>
    %add3A_786 = arith.addi %add3A_785, %masked_cumsum3A_784 : vector<16xi32>
    %mul3A_787 = arith.muli %add3A_786, %select_n3A_781 : vector<16xi32>
    %add3A_788 = arith.constant 1 : i32
    %add3A_789 = vector.broadcast %add3A_788 : i32 to vector<16xi32>
    %add3A_790 = arith.addi %mul3A_787, %add3A_789 : vector<16xi32>
    %reduce_sum3A_791 = arith.constant true
    %reduce_sum3A_792 = vector.broadcast %reduce_sum3A_791 : i1 to vector<16xi1>
    %reduce_sum3A_793 = tpu.scan <sum>, %select_n3A_781 masked %reduce_sum3A_792 : vector<16xi32>, vector<16xi1> -> vector<16xi32>
    %reduce_sum3A_794 = vector.extract %reduce_sum3A_793[15] : i32 from vector<16xi32>
    %add3A_795 = arith.addi %add3A_751, %reduce_sum3A_794 : i32
    %dma_wait3A_796 = arith.constant 0 : i32
    %dma_wait3A_797 = tpu.memref_slice %arg4[%add3A_763, %dma_wait3A_796] : memref<16384x1024xf32, #tpu.memory_space<hbm>> -> memref<16x1024xf32, #tpu.memory_space<hbm>>
    %dma_wait3A_798 = arith.constant 0 : i32
    %dma_wait3A_799 = tpu.memref_slice %arg4[%add3A_763, %dma_wait3A_798] : memref<16384x1024xf32, #tpu.memory_space<hbm>> -> memref<16x1024xf32, #tpu.memory_space<hbm>>
    tpu.wait_dma2 semaphore(%arg18 : memref<!tpu.dma_semaphore, #tpu.memory_space<semaphore_mem>>) src(%arg6 : memref<16x1024xf32, #tpu.memory_space<vmem>>) dst(%dma_wait3A_799 : memref<16x1024xf32, #tpu.memory_space<hbm>>)
    %dma_start3A_800 = arith.constant 0 : i32
    %dma_start3A_801 = arith.constant 0 : i32
    %dma_start3A_802 = tpu.memref_slice %arg3[%dma_start3A_800, %dma_start3A_801] : memref<8192x1024xf32, #tpu.memory_space<hbm>> -> memref<8192x1024xf32, #tpu.memory_space<hbm>>
    tpu.enqueue_indirect_dma source(%dma_start3A_802 : memref<8192x1024xf32, #tpu.memory_space<hbm>>) target(%arg6 : memref<16x1024xf32, #tpu.memory_space<vmem>>) offsets(%add3A_790 : vector<16xi32>) semaphore(%arg12 : memref<!tpu.dma_semaphore, #tpu.memory_space<semaphore_mem>>)
    %dma_wait3A_803 = arith.constant 0 : i32
    %dma_wait3A_804 = arith.constant 0 : i32
    %dma_wait3A_805 = tpu.memref_slice %arg3[%dma_wait3A_803, %dma_wait3A_804] : memref<8192x1024xf32, #tpu.memory_space<hbm>> -> memref<8192x1024xf32, #tpu.memory_space<hbm>>
    tpu.wait_indirect_dma semaphore(%arg13 : memref<!tpu.dma_semaphore, #tpu.memory_space<semaphore_mem>>) src(%dma_wait3A_805 : memref<8192x1024xf32, #tpu.memory_space<hbm>>) dst(%arg7 : memref<16x1024xf32, #tpu.memory_space<vmem>>)
    %add3A_806 = arith.constant 208 : i32
    %add3A_807 = arith.addi %mul3A_48, %add3A_806 : i32
    %dma_start3A_808 = arith.constant 0 : i32
    %dma_start3A_809 = tpu.memref_slice %arg4[%add3A_807, %dma_start3A_808] : memref<16384x1024xf32, #tpu.memory_space<hbm>> -> memref<16x1024xf32, #tpu.memory_space<hbm>>
    %dma_start3A_810 = arith.constant 0 : i32
    %dma_start3A_811 = tpu.memref_slice %arg4[%add3A_807, %dma_start3A_810] : memref<16384x1024xf32, #tpu.memory_space<hbm>> -> memref<16x1024xf32, #tpu.memory_space<hbm>>
    tpu.enqueue_dma source(%arg7 : memref<16x1024xf32, #tpu.memory_space<vmem>>) target(%dma_start3A_811 : memref<16x1024xf32, #tpu.memory_space<hbm>>) target_semaphore(%arg19 : memref<!tpu.dma_semaphore, #tpu.memory_space<semaphore_mem>>)
    %mul3A_812 = arith.constant 512 : i32
    %mul3A_813 = arith.muli %select_n3A_30, %mul3A_812 : i32
    %add3A_814 = arith.constant 304 : i32
    %add3A_815 = arith.addi %mul3A_813, %add3A_814 : i32
    %get3A_816 = arith.index_cast %add3A_815 : i32 to index
    %get3A_817 = tpu.vector_load %arg5[%get3A_816] {strides = array<i32>} : memref<4096xi32, #tpu.memory_space<vmem>>, vector<16xi32>,
    %eq3A_818 = arith.constant 1 : i32
    %eq3A_819 = vector.broadcast %eq3A_818 : i32 to vector<16xi32>
    %eq3A_820 = arith.cmpi eq, %get3A_817, %eq3A_819 : vector<16xi32>
    %jit3A_821 = arith.constant 0 : i32
    %jit3A_822 = arith.constant 1 : i32
    %broadcast_in_dim3A_823 = vector.broadcast %jit3A_821 : i32 to vector<16xi32>
    %broadcast_in_dim3A_824 = vector.broadcast %jit3A_822 : i32 to vector<16xi32>
    %select_n3A_825 = arith.select %eq3A_820, %broadcast_in_dim3A_823, %broadcast_in_dim3A_824 : vector<16xi1>, vector<16xi32>
    %broadcast_in_dim3A_826 = arith.constant true
    %broadcast_in_dim3A_827 = vector.broadcast %broadcast_in_dim3A_826 : i1 to vector<16xi1>
    %masked_cumsum3A_828 = tpu.scan <sum>, %select_n3A_825 masked %broadcast_in_dim3A_827 : vector<16xi32>, vector<16xi1> -> vector<16xi32>
    %add3A_829 = vector.broadcast %add3A_795 : i32 to vector<16xi32>
    %add3A_830 = arith.addi %add3A_829, %masked_cumsum3A_828 : vector<16xi32>
    %mul3A_831 = arith.muli %add3A_830, %select_n3A_825 : vector<16xi32>
    %add3A_832 = arith.constant 1 : i32
    %add3A_833 = vector.broadcast %add3A_832 : i32 to vector<16xi32>
    %add3A_834 = arith.addi %mul3A_831, %add3A_833 : vector<16xi32>
    %reduce_sum3A_835 = arith.constant true
    %reduce_sum3A_836 = vector.broadcast %reduce_sum3A_835 : i1 to vector<16xi1>
    %reduce_sum3A_837 = tpu.scan <sum>, %select_n3A_825 masked %reduce_sum3A_836 : vector<16xi32>, vector<16xi1> -> vector<16xi32>
    %reduce_sum3A_838 = vector.extract %reduce_sum3A_837[15] : i32 from vector<16xi32>
    %add3A_839 = arith.addi %add3A_795, %reduce_sum3A_838 : i32
    %dma_wait3A_840 = arith.constant 0 : i32
    %dma_wait3A_841 = tpu.memref_slice %arg4[%add3A_807, %dma_wait3A_840] : memref<16384x1024xf32, #tpu.memory_space<hbm>> -> memref<16x1024xf32, #tpu.memory_space<hbm>>
    %dma_wait3A_842 = arith.constant 0 : i32
    %dma_wait3A_843 = tpu.memref_slice %arg4[%add3A_807, %dma_wait3A_842] : memref<16384x1024xf32, #tpu.memory_space<hbm>> -> memref<16x1024xf32, #tpu.memory_space<hbm>>
    tpu.wait_dma2 semaphore(%arg19 : memref<!tpu.dma_semaphore, #tpu.memory_space<semaphore_mem>>) src(%arg7 : memref<16x1024xf32, #tpu.memory_space<vmem>>) dst(%dma_wait3A_843 : memref<16x1024xf32, #tpu.memory_space<hbm>>)
    %dma_start3A_844 = arith.constant 0 : i32
    %dma_start3A_845 = arith.constant 0 : i32
    %dma_start3A_846 = tpu.memref_slice %arg3[%dma_start3A_844, %dma_start3A_845] : memref<8192x1024xf32, #tpu.memory_space<hbm>> -> memref<8192x1024xf32, #tpu.memory_space<hbm>>
    tpu.enqueue_indirect_dma source(%dma_start3A_846 : memref<8192x1024xf32, #tpu.memory_space<hbm>>) target(%arg7 : memref<16x1024xf32, #tpu.memory_space<vmem>>) offsets(%add3A_834 : vector<16xi32>) semaphore(%arg13 : memref<!tpu.dma_semaphore, #tpu.memory_space<semaphore_mem>>)
    %dma_wait3A_847 = arith.constant 0 : i32
    %dma_wait3A_848 = arith.constant 0 : i32
    %dma_wait3A_849 = tpu.memref_slice %arg3[%dma_wait3A_847, %dma_wait3A_848] : memref<8192x1024xf32, #tpu.memory_space<hbm>> -> memref<8192x1024xf32, #tpu.memory_space<hbm>>
    tpu.wait_indirect_dma semaphore(%arg14 : memref<!tpu.dma_semaphore, #tpu.memory_space<semaphore_mem>>) src(%dma_wait3A_849 : memref<8192x1024xf32, #tpu.memory_space<hbm>>) dst(%arg8 : memref<16x1024xf32, #tpu.memory_space<vmem>>)
    %add3A_850 = arith.constant 224 : i32
    %add3A_851 = arith.addi %mul3A_48, %add3A_850 : i32
    %dma_start3A_852 = arith.constant 0 : i32
    %dma_start3A_853 = tpu.memref_slice %arg4[%add3A_851, %dma_start3A_852] : memref<16384x1024xf32, #tpu.memory_space<hbm>> -> memref<16x1024xf32, #tpu.memory_space<hbm>>
    %dma_start3A_854 = arith.constant 0 : i32
    %dma_start3A_855 = tpu.memref_slice %arg4[%add3A_851, %dma_start3A_854] : memref<16384x1024xf32, #tpu.memory_space<hbm>> -> memref<16x1024xf32, #tpu.memory_space<hbm>>
    tpu.enqueue_dma source(%arg8 : memref<16x1024xf32, #tpu.memory_space<vmem>>) target(%dma_start3A_855 : memref<16x1024xf32, #tpu.memory_space<hbm>>) target_semaphore(%arg20 : memref<!tpu.dma_semaphore, #tpu.memory_space<semaphore_mem>>)
    %mul3A_856 = arith.constant 512 : i32
    %mul3A_857 = arith.muli %select_n3A_30, %mul3A_856 : i32
    %add3A_858 = arith.constant 320 : i32
    %add3A_859 = arith.addi %mul3A_857, %add3A_858 : i32
    %get3A_860 = arith.index_cast %add3A_859 : i32 to index
    %get3A_861 = tpu.vector_load %arg5[%get3A_860] {strides = array<i32>} : memref<4096xi32, #tpu.memory_space<vmem>>, vector<16xi32>,
    %eq3A_862 = arith.constant 1 : i32
    %eq3A_863 = vector.broadcast %eq3A_862 : i32 to vector<16xi32>
    %eq3A_864 = arith.cmpi eq, %get3A_861, %eq3A_863 : vector<16xi32>
    %jit3A_865 = arith.constant 0 : i32
    %jit3A_866 = arith.constant 1 : i32
    %broadcast_in_dim3A_867 = vector.broadcast %jit3A_865 : i32 to vector<16xi32>
    %broadcast_in_dim3A_868 = vector.broadcast %jit3A_866 : i32 to vector<16xi32>
    %select_n3A_869 = arith.select %eq3A_864, %broadcast_in_dim3A_867, %broadcast_in_dim3A_868 : vector<16xi1>, vector<16xi32>
    %broadcast_in_dim3A_870 = arith.constant true
    %broadcast_in_dim3A_871 = vector.broadcast %broadcast_in_dim3A_870 : i1 to vector<16xi1>
    %masked_cumsum3A_872 = tpu.scan <sum>, %select_n3A_869 masked %broadcast_in_dim3A_871 : vector<16xi32>, vector<16xi1> -> vector<16xi32>
    %add3A_873 = vector.broadcast %add3A_839 : i32 to vector<16xi32>
    %add3A_874 = arith.addi %add3A_873, %masked_cumsum3A_872 : vector<16xi32>
    %mul3A_875 = arith.muli %add3A_874, %select_n3A_869 : vector<16xi32>
    %add3A_876 = arith.constant 1 : i32
    %add3A_877 = vector.broadcast %add3A_876 : i32 to vector<16xi32>
    %add3A_878 = arith.addi %mul3A_875, %add3A_877 : vector<16xi32>
    %reduce_sum3A_879 = arith.constant true
    %reduce_sum3A_880 = vector.broadcast %reduce_sum3A_879 : i1 to vector<16xi1>
    %reduce_sum3A_881 = tpu.scan <sum>, %select_n3A_869 masked %reduce_sum3A_880 : vector<16xi32>, vector<16xi1> -> vector<16xi32>
    %reduce_sum3A_882 = vector.extract %reduce_sum3A_881[15] : i32 from vector<16xi32>
    %add3A_883 = arith.addi %add3A_839, %reduce_sum3A_882 : i32
    %dma_wait3A_884 = arith.constant 0 : i32
    %dma_wait3A_885 = tpu.memref_slice %arg4[%add3A_851, %dma_wait3A_884] : memref<16384x1024xf32, #tpu.memory_space<hbm>> -> memref<16x1024xf32, #tpu.memory_space<hbm>>
    %dma_wait3A_886 = arith.constant 0 : i32
    %dma_wait3A_887 = tpu.memref_slice %arg4[%add3A_851, %dma_wait3A_886] : memref<16384x1024xf32, #tpu.memory_space<hbm>> -> memref<16x1024xf32, #tpu.memory_space<hbm>>
    tpu.wait_dma2 semaphore(%arg20 : memref<!tpu.dma_semaphore, #tpu.memory_space<semaphore_mem>>) src(%arg8 : memref<16x1024xf32, #tpu.memory_space<vmem>>) dst(%dma_wait3A_887 : memref<16x1024xf32, #tpu.memory_space<hbm>>)
    %dma_start3A_888 = arith.constant 0 : i32
    %dma_start3A_889 = arith.constant 0 : i32
    %dma_start3A_890 = tpu.memref_slice %arg3[%dma_start3A_888, %dma_start3A_889] : memref<8192x1024xf32, #tpu.memory_space<hbm>> -> memref<8192x1024xf32, #tpu.memory_space<hbm>>
    tpu.enqueue_indirect_dma source(%dma_start3A_890 : memref<8192x1024xf32, #tpu.memory_space<hbm>>) target(%arg8 : memref<16x1024xf32, #tpu.memory_space<vmem>>) offsets(%add3A_878 : vector<16xi32>) semaphore(%arg14 : memref<!tpu.dma_semaphore, #tpu.memory_space<semaphore_mem>>)
    %dma_wait3A_891 = arith.constant 0 : i32
    %dma_wait3A_892 = arith.constant 0 : i32
    %dma_wait3A_893 = tpu.memref_slice %arg3[%dma_wait3A_891, %dma_wait3A_892] : memref<8192x1024xf32, #tpu.memory_space<hbm>> -> memref<8192x1024xf32, #tpu.memory_space<hbm>>
    tpu.wait_indirect_dma semaphore(%arg15 : memref<!tpu.dma_semaphore, #tpu.memory_space<semaphore_mem>>) src(%dma_wait3A_893 : memref<8192x1024xf32, #tpu.memory_space<hbm>>) dst(%arg9 : memref<16x1024xf32, #tpu.memory_space<vmem>>)
    %add3A_894 = arith.constant 240 : i32
    %add3A_895 = arith.addi %mul3A_48, %add3A_894 : i32
    %dma_start3A_896 = arith.constant 0 : i32
    %dma_start3A_897 = tpu.memref_slice %arg4[%add3A_895, %dma_start3A_896] : memref<16384x1024xf32, #tpu.memory_space<hbm>> -> memref<16x1024xf32, #tpu.memory_space<hbm>>
    %dma_start3A_898 = arith.constant 0 : i32
    %dma_start3A_899 = tpu.memref_slice %arg4[%add3A_895, %dma_start3A_898] : memref<16384x1024xf32, #tpu.memory_space<hbm>> -> memref<16x1024xf32, #tpu.memory_space<hbm>>
    tpu.enqueue_dma source(%arg9 : memref<16x1024xf32, #tpu.memory_space<vmem>>) target(%dma_start3A_899 : memref<16x1024xf32, #tpu.memory_space<hbm>>) target_semaphore(%arg21 : memref<!tpu.dma_semaphore, #tpu.memory_space<semaphore_mem>>)
    %mul3A_900 = arith.constant 512 : i32
    %mul3A_901 = arith.muli %select_n3A_30, %mul3A_900 : i32
    %add3A_902 = arith.constant 336 : i32
    %add3A_903 = arith.addi %mul3A_901, %add3A_902 : i32
    %get3A_904 = arith.index_cast %add3A_903 : i32 to index
    %get3A_905 = tpu.vector_load %arg5[%get3A_904] {strides = array<i32>} : memref<4096xi32, #tpu.memory_space<vmem>>, vector<16xi32>,
    %eq3A_906 = arith.constant 1 : i32
    %eq3A_907 = vector.broadcast %eq3A_906 : i32 to vector<16xi32>
    %eq3A_908 = arith.cmpi eq, %get3A_905, %eq3A_907 : vector<16xi32>
    %jit3A_909 = arith.constant 0 : i32
    %jit3A_910 = arith.constant 1 : i32
    %broadcast_in_dim3A_911 = vector.broadcast %jit3A_909 : i32 to vector<16xi32>
    %broadcast_in_dim3A_912 = vector.broadcast %jit3A_910 : i32 to vector<16xi32>
    %select_n3A_913 = arith.select %eq3A_908, %broadcast_in_dim3A_911, %broadcast_in_dim3A_912 : vector<16xi1>, vector<16xi32>
    %broadcast_in_dim3A_914 = arith.constant true
    %broadcast_in_dim3A_915 = vector.broadcast %broadcast_in_dim3A_914 : i1 to vector<16xi1>
    %masked_cumsum3A_916 = tpu.scan <sum>, %select_n3A_913 masked %broadcast_in_dim3A_915 : vector<16xi32>, vector<16xi1> -> vector<16xi32>
    %add3A_917 = vector.broadcast %add3A_883 : i32 to vector<16xi32>
    %add3A_918 = arith.addi %add3A_917, %masked_cumsum3A_916 : vector<16xi32>
    %mul3A_919 = arith.muli %add3A_918, %select_n3A_913 : vector<16xi32>
    %add3A_920 = arith.constant 1 : i32
    %add3A_921 = vector.broadcast %add3A_920 : i32 to vector<16xi32>
    %add3A_922 = arith.addi %mul3A_919, %add3A_921 : vector<16xi32>
    %reduce_sum3A_923 = arith.constant true
    %reduce_sum3A_924 = vector.broadcast %reduce_sum3A_923 : i1 to vector<16xi1>
    %reduce_sum3A_925 = tpu.scan <sum>, %select_n3A_913 masked %reduce_sum3A_924 : vector<16xi32>, vector<16xi1> -> vector<16xi32>
    %reduce_sum3A_926 = vector.extract %reduce_sum3A_925[15] : i32 from vector<16xi32>
    %add3A_927 = arith.addi %add3A_883, %reduce_sum3A_926 : i32
    %dma_wait3A_928 = arith.constant 0 : i32
    %dma_wait3A_929 = tpu.memref_slice %arg4[%add3A_895, %dma_wait3A_928] : memref<16384x1024xf32, #tpu.memory_space<hbm>> -> memref<16x1024xf32, #tpu.memory_space<hbm>>
    %dma_wait3A_930 = arith.constant 0 : i32
    %dma_wait3A_931 = tpu.memref_slice %arg4[%add3A_895, %dma_wait3A_930] : memref<16384x1024xf32, #tpu.memory_space<hbm>> -> memref<16x1024xf32, #tpu.memory_space<hbm>>
    tpu.wait_dma2 semaphore(%arg21 : memref<!tpu.dma_semaphore, #tpu.memory_space<semaphore_mem>>) src(%arg9 : memref<16x1024xf32, #tpu.memory_space<vmem>>) dst(%dma_wait3A_931 : memref<16x1024xf32, #tpu.memory_space<hbm>>)
    %dma_start3A_932 = arith.constant 0 : i32
    %dma_start3A_933 = arith.constant 0 : i32
    %dma_start3A_934 = tpu.memref_slice %arg3[%dma_start3A_932, %dma_start3A_933] : memref<8192x1024xf32, #tpu.memory_space<hbm>> -> memref<8192x1024xf32, #tpu.memory_space<hbm>>
    tpu.enqueue_indirect_dma source(%dma_start3A_934 : memref<8192x1024xf32, #tpu.memory_space<hbm>>) target(%arg9 : memref<16x1024xf32, #tpu.memory_space<vmem>>) offsets(%add3A_922 : vector<16xi32>) semaphore(%arg15 : memref<!tpu.dma_semaphore, #tpu.memory_space<semaphore_mem>>)
    %dma_wait3A_935 = arith.constant 0 : i32
    %dma_wait3A_936 = arith.constant 0 : i32
    %dma_wait3A_937 = tpu.memref_slice %arg3[%dma_wait3A_935, %dma_wait3A_936] : memref<8192x1024xf32, #tpu.memory_space<hbm>> -> memref<8192x1024xf32, #tpu.memory_space<hbm>>
    tpu.wait_indirect_dma semaphore(%arg16 : memref<!tpu.dma_semaphore, #tpu.memory_space<semaphore_mem>>) src(%dma_wait3A_937 : memref<8192x1024xf32, #tpu.memory_space<hbm>>) dst(%arg10 : memref<16x1024xf32, #tpu.memory_space<vmem>>)
    %add3A_938 = arith.constant 256 : i32
    %add3A_939 = arith.addi %mul3A_48, %add3A_938 : i32
    %dma_start3A_940 = arith.constant 0 : i32
    %dma_start3A_941 = tpu.memref_slice %arg4[%add3A_939, %dma_start3A_940] : memref<16384x1024xf32, #tpu.memory_space<hbm>> -> memref<16x1024xf32, #tpu.memory_space<hbm>>
    %dma_start3A_942 = arith.constant 0 : i32
    %dma_start3A_943 = tpu.memref_slice %arg4[%add3A_939, %dma_start3A_942] : memref<16384x1024xf32, #tpu.memory_space<hbm>> -> memref<16x1024xf32, #tpu.memory_space<hbm>>
    tpu.enqueue_dma source(%arg10 : memref<16x1024xf32, #tpu.memory_space<vmem>>) target(%dma_start3A_943 : memref<16x1024xf32, #tpu.memory_space<hbm>>) target_semaphore(%arg22 : memref<!tpu.dma_semaphore, #tpu.memory_space<semaphore_mem>>)
    %mul3A_944 = arith.constant 512 : i32
    %mul3A_945 = arith.muli %select_n3A_30, %mul3A_944 : i32
    %add3A_946 = arith.constant 352 : i32
    %add3A_947 = arith.addi %mul3A_945, %add3A_946 : i32
    %get3A_948 = arith.index_cast %add3A_947 : i32 to index
    %get3A_949 = tpu.vector_load %arg5[%get3A_948] {strides = array<i32>} : memref<4096xi32, #tpu.memory_space<vmem>>, vector<16xi32>,
    %eq3A_950 = arith.constant 1 : i32
    %eq3A_951 = vector.broadcast %eq3A_950 : i32 to vector<16xi32>
    %eq3A_952 = arith.cmpi eq, %get3A_949, %eq3A_951 : vector<16xi32>
    %jit3A_953 = arith.constant 0 : i32
    %jit3A_954 = arith.constant 1 : i32
    %broadcast_in_dim3A_955 = vector.broadcast %jit3A_953 : i32 to vector<16xi32>
    %broadcast_in_dim3A_956 = vector.broadcast %jit3A_954 : i32 to vector<16xi32>
    %select_n3A_957 = arith.select %eq3A_952, %broadcast_in_dim3A_955, %broadcast_in_dim3A_956 : vector<16xi1>, vector<16xi32>
    %broadcast_in_dim3A_958 = arith.constant true
    %broadcast_in_dim3A_959 = vector.broadcast %broadcast_in_dim3A_958 : i1 to vector<16xi1>
    %masked_cumsum3A_960 = tpu.scan <sum>, %select_n3A_957 masked %broadcast_in_dim3A_959 : vector<16xi32>, vector<16xi1> -> vector<16xi32>
    %add3A_961 = vector.broadcast %add3A_927 : i32 to vector<16xi32>
    %add3A_962 = arith.addi %add3A_961, %masked_cumsum3A_960 : vector<16xi32>
    %mul3A_963 = arith.muli %add3A_962, %select_n3A_957 : vector<16xi32>
    %add3A_964 = arith.constant 1 : i32
    %add3A_965 = vector.broadcast %add3A_964 : i32 to vector<16xi32>
    %add3A_966 = arith.addi %mul3A_963, %add3A_965 : vector<16xi32>
    %reduce_sum3A_967 = arith.constant true
    %reduce_sum3A_968 = vector.broadcast %reduce_sum3A_967 : i1 to vector<16xi1>
    %reduce_sum3A_969 = tpu.scan <sum>, %select_n3A_957 masked %reduce_sum3A_968 : vector<16xi32>, vector<16xi1> -> vector<16xi32>
    %reduce_sum3A_970 = vector.extract %reduce_sum3A_969[15] : i32 from vector<16xi32>
    %add3A_971 = arith.addi %add3A_927, %reduce_sum3A_970 : i32
    %dma_wait3A_972 = arith.constant 0 : i32
    %dma_wait3A_973 = tpu.memref_slice %arg4[%add3A_939, %dma_wait3A_972] : memref<16384x1024xf32, #tpu.memory_space<hbm>> -> memref<16x1024xf32, #tpu.memory_space<hbm>>
    %dma_wait3A_974 = arith.constant 0 : i32
    %dma_wait3A_975 = tpu.memref_slice %arg4[%add3A_939, %dma_wait3A_974] : memref<16384x1024xf32, #tpu.memory_space<hbm>> -> memref<16x1024xf32, #tpu.memory_space<hbm>>
    tpu.wait_dma2 semaphore(%arg22 : memref<!tpu.dma_semaphore, #tpu.memory_space<semaphore_mem>>) src(%arg10 : memref<16x1024xf32, #tpu.memory_space<vmem>>) dst(%dma_wait3A_975 : memref<16x1024xf32, #tpu.memory_space<hbm>>)
    %dma_start3A_976 = arith.constant 0 : i32
    %dma_start3A_977 = arith.constant 0 : i32
    %dma_start3A_978 = tpu.memref_slice %arg3[%dma_start3A_976, %dma_start3A_977] : memref<8192x1024xf32, #tpu.memory_space<hbm>> -> memref<8192x1024xf32, #tpu.memory_space<hbm>>
    tpu.enqueue_indirect_dma source(%dma_start3A_978 : memref<8192x1024xf32, #tpu.memory_space<hbm>>) target(%arg10 : memref<16x1024xf32, #tpu.memory_space<vmem>>) offsets(%add3A_966 : vector<16xi32>) semaphore(%arg16 : memref<!tpu.dma_semaphore, #tpu.memory_space<semaphore_mem>>)
    %dma_wait3A_979 = arith.constant 0 : i32
    %dma_wait3A_980 = arith.constant 0 : i32
    %dma_wait3A_981 = tpu.memref_slice %arg3[%dma_wait3A_979, %dma_wait3A_980] : memref<8192x1024xf32, #tpu.memory_space<hbm>> -> memref<8192x1024xf32, #tpu.memory_space<hbm>>
    tpu.wait_indirect_dma semaphore(%arg17 : memref<!tpu.dma_semaphore, #tpu.memory_space<semaphore_mem>>) src(%dma_wait3A_981 : memref<8192x1024xf32, #tpu.memory_space<hbm>>) dst(%arg11 : memref<16x1024xf32, #tpu.memory_space<vmem>>)
    %add3A_982 = arith.constant 272 : i32
    %add3A_983 = arith.addi %mul3A_48, %add3A_982 : i32
    %dma_start3A_984 = arith.constant 0 : i32
    %dma_start3A_985 = tpu.memref_slice %arg4[%add3A_983, %dma_start3A_984] : memref<16384x1024xf32, #tpu.memory_space<hbm>> -> memref<16x1024xf32, #tpu.memory_space<hbm>>
    %dma_start3A_986 = arith.constant 0 : i32
    %dma_start3A_987 = tpu.memref_slice %arg4[%add3A_983, %dma_start3A_986] : memref<16384x1024xf32, #tpu.memory_space<hbm>> -> memref<16x1024xf32, #tpu.memory_space<hbm>>
    tpu.enqueue_dma source(%arg11 : memref<16x1024xf32, #tpu.memory_space<vmem>>) target(%dma_start3A_987 : memref<16x1024xf32, #tpu.memory_space<hbm>>) target_semaphore(%arg23 : memref<!tpu.dma_semaphore, #tpu.memory_space<semaphore_mem>>)
    %mul3A_988 = arith.constant 512 : i32
    %mul3A_989 = arith.muli %select_n3A_30, %mul3A_988 : i32
    %add3A_990 = arith.constant 368 : i32
    %add3A_991 = arith.addi %mul3A_989, %add3A_990 : i32
    %get3A_992 = arith.index_cast %add3A_991 : i32 to index
    %get3A_993 = tpu.vector_load %arg5[%get3A_992] {strides = array<i32>} : memref<4096xi32, #tpu.memory_space<vmem>>, vector<16xi32>,
    %eq3A_994 = arith.constant 1 : i32
    %eq3A_995 = vector.broadcast %eq3A_994 : i32 to vector<16xi32>
    %eq3A_996 = arith.cmpi eq, %get3A_993, %eq3A_995 : vector<16xi32>
    %jit3A_997 = arith.constant 0 : i32
    %jit3A_998 = arith.constant 1 : i32
    %broadcast_in_dim3A_999 = vector.broadcast %jit3A_997 : i32 to vector<16xi32>
    %broadcast_in_dim3A_1000 = vector.broadcast %jit3A_998 : i32 to vector<16xi32>
    %select_n3A_1001 = arith.select %eq3A_996, %broadcast_in_dim3A_999, %broadcast_in_dim3A_1000 : vector<16xi1>, vector<16xi32>
    %broadcast_in_dim3A_1002 = arith.constant true
    %broadcast_in_dim3A_1003 = vector.broadcast %broadcast_in_dim3A_1002 : i1 to vector<16xi1>
    %masked_cumsum3A_1004 = tpu.scan <sum>, %select_n3A_1001 masked %broadcast_in_dim3A_1003 : vector<16xi32>, vector<16xi1> -> vector<16xi32>
    %add3A_1005 = vector.broadcast %add3A_971 : i32 to vector<16xi32>
    %add3A_1006 = arith.addi %add3A_1005, %masked_cumsum3A_1004 : vector<16xi32>
    %mul3A_1007 = arith.muli %add3A_1006, %select_n3A_1001 : vector<16xi32>
    %add3A_1008 = arith.constant 1 : i32
    %add3A_1009 = vector.broadcast %add3A_1008 : i32 to vector<16xi32>
    %add3A_1010 = arith.addi %mul3A_1007, %add3A_1009 : vector<16xi32>
    %reduce_sum3A_1011 = arith.constant true
    %reduce_sum3A_1012 = vector.broadcast %reduce_sum3A_1011 : i1 to vector<16xi1>
    %reduce_sum3A_1013 = tpu.scan <sum>, %select_n3A_1001 masked %reduce_sum3A_1012 : vector<16xi32>, vector<16xi1> -> vector<16xi32>
    %reduce_sum3A_1014 = vector.extract %reduce_sum3A_1013[15] : i32 from vector<16xi32>
    %add3A_1015 = arith.addi %add3A_971, %reduce_sum3A_1014 : i32
    %dma_wait3A_1016 = arith.constant 0 : i32
    %dma_wait3A_1017 = tpu.memref_slice %arg4[%add3A_983, %dma_wait3A_1016] : memref<16384x1024xf32, #tpu.memory_space<hbm>> -> memref<16x1024xf32, #tpu.memory_space<hbm>>
    %dma_wait3A_1018 = arith.constant 0 : i32
    %dma_wait3A_1019 = tpu.memref_slice %arg4[%add3A_983, %dma_wait3A_1018] : memref<16384x1024xf32, #tpu.memory_space<hbm>> -> memref<16x1024xf32, #tpu.memory_space<hbm>>
    tpu.wait_dma2 semaphore(%arg23 : memref<!tpu.dma_semaphore, #tpu.memory_space<semaphore_mem>>) src(%arg11 : memref<16x1024xf32, #tpu.memory_space<vmem>>) dst(%dma_wait3A_1019 : memref<16x1024xf32, #tpu.memory_space<hbm>>)
    %dma_start3A_1020 = arith.constant 0 : i32
    %dma_start3A_1021 = arith.constant 0 : i32
    %dma_start3A_1022 = tpu.memref_slice %arg3[%dma_start3A_1020, %dma_start3A_1021] : memref<8192x1024xf32, #tpu.memory_space<hbm>> -> memref<8192x1024xf32, #tpu.memory_space<hbm>>
    tpu.enqueue_indirect_dma source(%dma_start3A_1022 : memref<8192x1024xf32, #tpu.memory_space<hbm>>) target(%arg11 : memref<16x1024xf32, #tpu.memory_space<vmem>>) offsets(%add3A_1010 : vector<16xi32>) semaphore(%arg17 : memref<!tpu.dma_semaphore, #tpu.memory_space<semaphore_mem>>)
    %dma_wait3A_1023 = arith.constant 0 : i32
    %dma_wait3A_1024 = arith.constant 0 : i32
    %dma_wait3A_1025 = tpu.memref_slice %arg3[%dma_wait3A_1023, %dma_wait3A_1024] : memref<8192x1024xf32, #tpu.memory_space<hbm>> -> memref<8192x1024xf32, #tpu.memory_space<hbm>>
    tpu.wait_indirect_dma semaphore(%arg12 : memref<!tpu.dma_semaphore, #tpu.memory_space<semaphore_mem>>) src(%dma_wait3A_1025 : memref<8192x1024xf32, #tpu.memory_space<hbm>>) dst(%arg6 : memref<16x1024xf32, #tpu.memory_space<vmem>>)
    %add3A_1026 = arith.constant 288 : i32
    %add3A_1027 = arith.addi %mul3A_48, %add3A_1026 : i32
    %dma_start3A_1028 = arith.constant 0 : i32
    %dma_start3A_1029 = tpu.memref_slice %arg4[%add3A_1027, %dma_start3A_1028] : memref<16384x1024xf32, #tpu.memory_space<hbm>> -> memref<16x1024xf32, #tpu.memory_space<hbm>>
    %dma_start3A_1030 = arith.constant 0 : i32
    %dma_start3A_1031 = tpu.memref_slice %arg4[%add3A_1027, %dma_start3A_1030] : memref<16384x1024xf32, #tpu.memory_space<hbm>> -> memref<16x1024xf32, #tpu.memory_space<hbm>>
    tpu.enqueue_dma source(%arg6 : memref<16x1024xf32, #tpu.memory_space<vmem>>) target(%dma_start3A_1031 : memref<16x1024xf32, #tpu.memory_space<hbm>>) target_semaphore(%arg18 : memref<!tpu.dma_semaphore, #tpu.memory_space<semaphore_mem>>)
    %mul3A_1032 = arith.constant 512 : i32
    %mul3A_1033 = arith.muli %select_n3A_30, %mul3A_1032 : i32
    %add3A_1034 = arith.constant 384 : i32
    %add3A_1035 = arith.addi %mul3A_1033, %add3A_1034 : i32
    %get3A_1036 = arith.index_cast %add3A_1035 : i32 to index
    %get3A_1037 = tpu.vector_load %arg5[%get3A_1036] {strides = array<i32>} : memref<4096xi32, #tpu.memory_space<vmem>>, vector<16xi32>,
    %eq3A_1038 = arith.constant 1 : i32
    %eq3A_1039 = vector.broadcast %eq3A_1038 : i32 to vector<16xi32>
    %eq3A_1040 = arith.cmpi eq, %get3A_1037, %eq3A_1039 : vector<16xi32>
    %jit3A_1041 = arith.constant 0 : i32
    %jit3A_1042 = arith.constant 1 : i32
    %broadcast_in_dim3A_1043 = vector.broadcast %jit3A_1041 : i32 to vector<16xi32>
    %broadcast_in_dim3A_1044 = vector.broadcast %jit3A_1042 : i32 to vector<16xi32>
    %select_n3A_1045 = arith.select %eq3A_1040, %broadcast_in_dim3A_1043, %broadcast_in_dim3A_1044 : vector<16xi1>, vector<16xi32>
    %broadcast_in_dim3A_1046 = arith.constant true
    %broadcast_in_dim3A_1047 = vector.broadcast %broadcast_in_dim3A_1046 : i1 to vector<16xi1>
    %masked_cumsum3A_1048 = tpu.scan <sum>, %select_n3A_1045 masked %broadcast_in_dim3A_1047 : vector<16xi32>, vector<16xi1> -> vector<16xi32>
    %add3A_1049 = vector.broadcast %add3A_1015 : i32 to vector<16xi32>
    %add3A_1050 = arith.addi %add3A_1049, %masked_cumsum3A_1048 : vector<16xi32>
    %mul3A_1051 = arith.muli %add3A_1050, %select_n3A_1045 : vector<16xi32>
    %add3A_1052 = arith.constant 1 : i32
    %add3A_1053 = vector.broadcast %add3A_1052 : i32 to vector<16xi32>
    %add3A_1054 = arith.addi %mul3A_1051, %add3A_1053 : vector<16xi32>
    %reduce_sum3A_1055 = arith.constant true
    %reduce_sum3A_1056 = vector.broadcast %reduce_sum3A_1055 : i1 to vector<16xi1>
    %reduce_sum3A_1057 = tpu.scan <sum>, %select_n3A_1045 masked %reduce_sum3A_1056 : vector<16xi32>, vector<16xi1> -> vector<16xi32>
    %reduce_sum3A_1058 = vector.extract %reduce_sum3A_1057[15] : i32 from vector<16xi32>
    %add3A_1059 = arith.addi %add3A_1015, %reduce_sum3A_1058 : i32
    %dma_wait3A_1060 = arith.constant 0 : i32
    %dma_wait3A_1061 = tpu.memref_slice %arg4[%add3A_1027, %dma_wait3A_1060] : memref<16384x1024xf32, #tpu.memory_space<hbm>> -> memref<16x1024xf32, #tpu.memory_space<hbm>>
    %dma_wait3A_1062 = arith.constant 0 : i32
    %dma_wait3A_1063 = tpu.memref_slice %arg4[%add3A_1027, %dma_wait3A_1062] : memref<16384x1024xf32, #tpu.memory_space<hbm>> -> memref<16x1024xf32, #tpu.memory_space<hbm>>
    tpu.wait_dma2 semaphore(%arg18 : memref<!tpu.dma_semaphore, #tpu.memory_space<semaphore_mem>>) src(%arg6 : memref<16x1024xf32, #tpu.memory_space<vmem>>) dst(%dma_wait3A_1063 : memref<16x1024xf32, #tpu.memory_space<hbm>>)
    %dma_start3A_1064 = arith.constant 0 : i32
    %dma_start3A_1065 = arith.constant 0 : i32
    %dma_start3A_1066 = tpu.memref_slice %arg3[%dma_start3A_1064, %dma_start3A_1065] : memref<8192x1024xf32, #tpu.memory_space<hbm>> -> memref<8192x1024xf32, #tpu.memory_space<hbm>>
    tpu.enqueue_indirect_dma source(%dma_start3A_1066 : memref<8192x1024xf32, #tpu.memory_space<hbm>>) target(%arg6 : memref<16x1024xf32, #tpu.memory_space<vmem>>) offsets(%add3A_1054 : vector<16xi32>) semaphore(%arg12 : memref<!tpu.dma_semaphore, #tpu.memory_space<semaphore_mem>>)
    %dma_wait3A_1067 = arith.constant 0 : i32
    %dma_wait3A_1068 = arith.constant 0 : i32
    %dma_wait3A_1069 = tpu.memref_slice %arg3[%dma_wait3A_1067, %dma_wait3A_1068] : memref<8192x1024xf32, #tpu.memory_space<hbm>> -> memref<8192x1024xf32, #tpu.memory_space<hbm>>
    tpu.wait_indirect_dma semaphore(%arg13 : memref<!tpu.dma_semaphore, #tpu.memory_space<semaphore_mem>>) src(%dma_wait3A_1069 : memref<8192x1024xf32, #tpu.memory_space<hbm>>) dst(%arg7 : memref<16x1024xf32, #tpu.memory_space<vmem>>)
    %add3A_1070 = arith.constant 304 : i32
    %add3A_1071 = arith.addi %mul3A_48, %add3A_1070 : i32
    %dma_start3A_1072 = arith.constant 0 : i32
    %dma_start3A_1073 = tpu.memref_slice %arg4[%add3A_1071, %dma_start3A_1072] : memref<16384x1024xf32, #tpu.memory_space<hbm>> -> memref<16x1024xf32, #tpu.memory_space<hbm>>
    %dma_start3A_1074 = arith.constant 0 : i32
    %dma_start3A_1075 = tpu.memref_slice %arg4[%add3A_1071, %dma_start3A_1074] : memref<16384x1024xf32, #tpu.memory_space<hbm>> -> memref<16x1024xf32, #tpu.memory_space<hbm>>
    tpu.enqueue_dma source(%arg7 : memref<16x1024xf32, #tpu.memory_space<vmem>>) target(%dma_start3A_1075 : memref<16x1024xf32, #tpu.memory_space<hbm>>) target_semaphore(%arg19 : memref<!tpu.dma_semaphore, #tpu.memory_space<semaphore_mem>>)
    %mul3A_1076 = arith.constant 512 : i32
    %mul3A_1077 = arith.muli %select_n3A_30, %mul3A_1076 : i32
    %add3A_1078 = arith.constant 400 : i32
    %add3A_1079 = arith.addi %mul3A_1077, %add3A_1078 : i32
    %get3A_1080 = arith.index_cast %add3A_1079 : i32 to index
    %get3A_1081 = tpu.vector_load %arg5[%get3A_1080] {strides = array<i32>} : memref<4096xi32, #tpu.memory_space<vmem>>, vector<16xi32>,
    %eq3A_1082 = arith.constant 1 : i32
    %eq3A_1083 = vector.broadcast %eq3A_1082 : i32 to vector<16xi32>
    %eq3A_1084 = arith.cmpi eq, %get3A_1081, %eq3A_1083 : vector<16xi32>
    %jit3A_1085 = arith.constant 0 : i32
    %jit3A_1086 = arith.constant 1 : i32
    %broadcast_in_dim3A_1087 = vector.broadcast %jit3A_1085 : i32 to vector<16xi32>
    %broadcast_in_dim3A_1088 = vector.broadcast %jit3A_1086 : i32 to vector<16xi32>
    %select_n3A_1089 = arith.select %eq3A_1084, %broadcast_in_dim3A_1087, %broadcast_in_dim3A_1088 : vector<16xi1>, vector<16xi32>
    %broadcast_in_dim3A_1090 = arith.constant true
    %broadcast_in_dim3A_1091 = vector.broadcast %broadcast_in_dim3A_1090 : i1 to vector<16xi1>
    %masked_cumsum3A_1092 = tpu.scan <sum>, %select_n3A_1089 masked %broadcast_in_dim3A_1091 : vector<16xi32>, vector<16xi1> -> vector<16xi32>
    %add3A_1093 = vector.broadcast %add3A_1059 : i32 to vector<16xi32>
    %add3A_1094 = arith.addi %add3A_1093, %masked_cumsum3A_1092 : vector<16xi32>
    %mul3A_1095 = arith.muli %add3A_1094, %select_n3A_1089 : vector<16xi32>
    %add3A_1096 = arith.constant 1 : i32
    %add3A_1097 = vector.broadcast %add3A_1096 : i32 to vector<16xi32>
    %add3A_1098 = arith.addi %mul3A_1095, %add3A_1097 : vector<16xi32>
    %reduce_sum3A_1099 = arith.constant true
    %reduce_sum3A_1100 = vector.broadcast %reduce_sum3A_1099 : i1 to vector<16xi1>
    %reduce_sum3A_1101 = tpu.scan <sum>, %select_n3A_1089 masked %reduce_sum3A_1100 : vector<16xi32>, vector<16xi1> -> vector<16xi32>
    %reduce_sum3A_1102 = vector.extract %reduce_sum3A_1101[15] : i32 from vector<16xi32>
    %add3A_1103 = arith.addi %add3A_1059, %reduce_sum3A_1102 : i32
    %dma_wait3A_1104 = arith.constant 0 : i32
    %dma_wait3A_1105 = tpu.memref_slice %arg4[%add3A_1071, %dma_wait3A_1104] : memref<16384x1024xf32, #tpu.memory_space<hbm>> -> memref<16x1024xf32, #tpu.memory_space<hbm>>
    %dma_wait3A_1106 = arith.constant 0 : i32
    %dma_wait3A_1107 = tpu.memref_slice %arg4[%add3A_1071, %dma_wait3A_1106] : memref<16384x1024xf32, #tpu.memory_space<hbm>> -> memref<16x1024xf32, #tpu.memory_space<hbm>>
    tpu.wait_dma2 semaphore(%arg19 : memref<!tpu.dma_semaphore, #tpu.memory_space<semaphore_mem>>) src(%arg7 : memref<16x1024xf32, #tpu.memory_space<vmem>>) dst(%dma_wait3A_1107 : memref<16x1024xf32, #tpu.memory_space<hbm>>)
    %dma_start3A_1108 = arith.constant 0 : i32
    %dma_start3A_1109 = arith.constant 0 : i32
    %dma_start3A_1110 = tpu.memref_slice %arg3[%dma_start3A_1108, %dma_start3A_1109] : memref<8192x1024xf32, #tpu.memory_space<hbm>> -> memref<8192x1024xf32, #tpu.memory_space<hbm>>
    tpu.enqueue_indirect_dma source(%dma_start3A_1110 : memref<8192x1024xf32, #tpu.memory_space<hbm>>) target(%arg7 : memref<16x1024xf32, #tpu.memory_space<vmem>>) offsets(%add3A_1098 : vector<16xi32>) semaphore(%arg13 : memref<!tpu.dma_semaphore, #tpu.memory_space<semaphore_mem>>)
    %dma_wait3A_1111 = arith.constant 0 : i32
    %dma_wait3A_1112 = arith.constant 0 : i32
    %dma_wait3A_1113 = tpu.memref_slice %arg3[%dma_wait3A_1111, %dma_wait3A_1112] : memref<8192x1024xf32, #tpu.memory_space<hbm>> -> memref<8192x1024xf32, #tpu.memory_space<hbm>>
    tpu.wait_indirect_dma semaphore(%arg14 : memref<!tpu.dma_semaphore, #tpu.memory_space<semaphore_mem>>) src(%dma_wait3A_1113 : memref<8192x1024xf32, #tpu.memory_space<hbm>>) dst(%arg8 : memref<16x1024xf32, #tpu.memory_space<vmem>>)
    %add3A_1114 = arith.constant 320 : i32
    %add3A_1115 = arith.addi %mul3A_48, %add3A_1114 : i32
    %dma_start3A_1116 = arith.constant 0 : i32
    %dma_start3A_1117 = tpu.memref_slice %arg4[%add3A_1115, %dma_start3A_1116] : memref<16384x1024xf32, #tpu.memory_space<hbm>> -> memref<16x1024xf32, #tpu.memory_space<hbm>>
    %dma_start3A_1118 = arith.constant 0 : i32
    %dma_start3A_1119 = tpu.memref_slice %arg4[%add3A_1115, %dma_start3A_1118] : memref<16384x1024xf32, #tpu.memory_space<hbm>> -> memref<16x1024xf32, #tpu.memory_space<hbm>>
    tpu.enqueue_dma source(%arg8 : memref<16x1024xf32, #tpu.memory_space<vmem>>) target(%dma_start3A_1119 : memref<16x1024xf32, #tpu.memory_space<hbm>>) target_semaphore(%arg20 : memref<!tpu.dma_semaphore, #tpu.memory_space<semaphore_mem>>)
    %mul3A_1120 = arith.constant 512 : i32
    %mul3A_1121 = arith.muli %select_n3A_30, %mul3A_1120 : i32
    %add3A_1122 = arith.constant 416 : i32
    %add3A_1123 = arith.addi %mul3A_1121, %add3A_1122 : i32
    %get3A_1124 = arith.index_cast %add3A_1123 : i32 to index
    %get3A_1125 = tpu.vector_load %arg5[%get3A_1124] {strides = array<i32>} : memref<4096xi32, #tpu.memory_space<vmem>>, vector<16xi32>,
    %eq3A_1126 = arith.constant 1 : i32
    %eq3A_1127 = vector.broadcast %eq3A_1126 : i32 to vector<16xi32>
    %eq3A_1128 = arith.cmpi eq, %get3A_1125, %eq3A_1127 : vector<16xi32>
    %jit3A_1129 = arith.constant 0 : i32
    %jit3A_1130 = arith.constant 1 : i32
    %broadcast_in_dim3A_1131 = vector.broadcast %jit3A_1129 : i32 to vector<16xi32>
    %broadcast_in_dim3A_1132 = vector.broadcast %jit3A_1130 : i32 to vector<16xi32>
    %select_n3A_1133 = arith.select %eq3A_1128, %broadcast_in_dim3A_1131, %broadcast_in_dim3A_1132 : vector<16xi1>, vector<16xi32>
    %broadcast_in_dim3A_1134 = arith.constant true
    %broadcast_in_dim3A_1135 = vector.broadcast %broadcast_in_dim3A_1134 : i1 to vector<16xi1>
    %masked_cumsum3A_1136 = tpu.scan <sum>, %select_n3A_1133 masked %broadcast_in_dim3A_1135 : vector<16xi32>, vector<16xi1> -> vector<16xi32>
    %add3A_1137 = vector.broadcast %add3A_1103 : i32 to vector<16xi32>
    %add3A_1138 = arith.addi %add3A_1137, %masked_cumsum3A_1136 : vector<16xi32>
    %mul3A_1139 = arith.muli %add3A_1138, %select_n3A_1133 : vector<16xi32>
    %add3A_1140 = arith.constant 1 : i32
    %add3A_1141 = vector.broadcast %add3A_1140 : i32 to vector<16xi32>
    %add3A_1142 = arith.addi %mul3A_1139, %add3A_1141 : vector<16xi32>
    %reduce_sum3A_1143 = arith.constant true
    %reduce_sum3A_1144 = vector.broadcast %reduce_sum3A_1143 : i1 to vector<16xi1>
    %reduce_sum3A_1145 = tpu.scan <sum>, %select_n3A_1133 masked %reduce_sum3A_1144 : vector<16xi32>, vector<16xi1> -> vector<16xi32>
    %reduce_sum3A_1146 = vector.extract %reduce_sum3A_1145[15] : i32 from vector<16xi32>
    %add3A_1147 = arith.addi %add3A_1103, %reduce_sum3A_1146 : i32
    %dma_wait3A_1148 = arith.constant 0 : i32
    %dma_wait3A_1149 = tpu.memref_slice %arg4[%add3A_1115, %dma_wait3A_1148] : memref<16384x1024xf32, #tpu.memory_space<hbm>> -> memref<16x1024xf32, #tpu.memory_space<hbm>>
    %dma_wait3A_1150 = arith.constant 0 : i32
    %dma_wait3A_1151 = tpu.memref_slice %arg4[%add3A_1115, %dma_wait3A_1150] : memref<16384x1024xf32, #tpu.memory_space<hbm>> -> memref<16x1024xf32, #tpu.memory_space<hbm>>
    tpu.wait_dma2 semaphore(%arg20 : memref<!tpu.dma_semaphore, #tpu.memory_space<semaphore_mem>>) src(%arg8 : memref<16x1024xf32, #tpu.memory_space<vmem>>) dst(%dma_wait3A_1151 : memref<16x1024xf32, #tpu.memory_space<hbm>>)
    %dma_start3A_1152 = arith.constant 0 : i32
    %dma_start3A_1153 = arith.constant 0 : i32
    %dma_start3A_1154 = tpu.memref_slice %arg3[%dma_start3A_1152, %dma_start3A_1153] : memref<8192x1024xf32, #tpu.memory_space<hbm>> -> memref<8192x1024xf32, #tpu.memory_space<hbm>>
    tpu.enqueue_indirect_dma source(%dma_start3A_1154 : memref<8192x1024xf32, #tpu.memory_space<hbm>>) target(%arg8 : memref<16x1024xf32, #tpu.memory_space<vmem>>) offsets(%add3A_1142 : vector<16xi32>) semaphore(%arg14 : memref<!tpu.dma_semaphore, #tpu.memory_space<semaphore_mem>>)
    %dma_wait3A_1155 = arith.constant 0 : i32
    %dma_wait3A_1156 = arith.constant 0 : i32
    %dma_wait3A_1157 = tpu.memref_slice %arg3[%dma_wait3A_1155, %dma_wait3A_1156] : memref<8192x1024xf32, #tpu.memory_space<hbm>> -> memref<8192x1024xf32, #tpu.memory_space<hbm>>
    tpu.wait_indirect_dma semaphore(%arg15 : memref<!tpu.dma_semaphore, #tpu.memory_space<semaphore_mem>>) src(%dma_wait3A_1157 : memref<8192x1024xf32, #tpu.memory_space<hbm>>) dst(%arg9 : memref<16x1024xf32, #tpu.memory_space<vmem>>)
    %add3A_1158 = arith.constant 336 : i32
    %add3A_1159 = arith.addi %mul3A_48, %add3A_1158 : i32
    %dma_start3A_1160 = arith.constant 0 : i32
    %dma_start3A_1161 = tpu.memref_slice %arg4[%add3A_1159, %dma_start3A_1160] : memref<16384x1024xf32, #tpu.memory_space<hbm>> -> memref<16x1024xf32, #tpu.memory_space<hbm>>
    %dma_start3A_1162 = arith.constant 0 : i32
    %dma_start3A_1163 = tpu.memref_slice %arg4[%add3A_1159, %dma_start3A_1162] : memref<16384x1024xf32, #tpu.memory_space<hbm>> -> memref<16x1024xf32, #tpu.memory_space<hbm>>
    tpu.enqueue_dma source(%arg9 : memref<16x1024xf32, #tpu.memory_space<vmem>>) target(%dma_start3A_1163 : memref<16x1024xf32, #tpu.memory_space<hbm>>) target_semaphore(%arg21 : memref<!tpu.dma_semaphore, #tpu.memory_space<semaphore_mem>>)
    %mul3A_1164 = arith.constant 512 : i32
    %mul3A_1165 = arith.muli %select_n3A_30, %mul3A_1164 : i32
    %add3A_1166 = arith.constant 432 : i32
    %add3A_1167 = arith.addi %mul3A_1165, %add3A_1166 : i32
    %get3A_1168 = arith.index_cast %add3A_1167 : i32 to index
    %get3A_1169 = tpu.vector_load %arg5[%get3A_1168] {strides = array<i32>} : memref<4096xi32, #tpu.memory_space<vmem>>, vector<16xi32>,
    %eq3A_1170 = arith.constant 1 : i32
    %eq3A_1171 = vector.broadcast %eq3A_1170 : i32 to vector<16xi32>
    %eq3A_1172 = arith.cmpi eq, %get3A_1169, %eq3A_1171 : vector<16xi32>
    %jit3A_1173 = arith.constant 0 : i32
    %jit3A_1174 = arith.constant 1 : i32
    %broadcast_in_dim3A_1175 = vector.broadcast %jit3A_1173 : i32 to vector<16xi32>
    %broadcast_in_dim3A_1176 = vector.broadcast %jit3A_1174 : i32 to vector<16xi32>
    %select_n3A_1177 = arith.select %eq3A_1172, %broadcast_in_dim3A_1175, %broadcast_in_dim3A_1176 : vector<16xi1>, vector<16xi32>
    %broadcast_in_dim3A_1178 = arith.constant true
    %broadcast_in_dim3A_1179 = vector.broadcast %broadcast_in_dim3A_1178 : i1 to vector<16xi1>
    %masked_cumsum3A_1180 = tpu.scan <sum>, %select_n3A_1177 masked %broadcast_in_dim3A_1179 : vector<16xi32>, vector<16xi1> -> vector<16xi32>
    %add3A_1181 = vector.broadcast %add3A_1147 : i32 to vector<16xi32>
    %add3A_1182 = arith.addi %add3A_1181, %masked_cumsum3A_1180 : vector<16xi32>
    %mul3A_1183 = arith.muli %add3A_1182, %select_n3A_1177 : vector<16xi32>
    %add3A_1184 = arith.constant 1 : i32
    %add3A_1185 = vector.broadcast %add3A_1184 : i32 to vector<16xi32>
    %add3A_1186 = arith.addi %mul3A_1183, %add3A_1185 : vector<16xi32>
    %reduce_sum3A_1187 = arith.constant true
    %reduce_sum3A_1188 = vector.broadcast %reduce_sum3A_1187 : i1 to vector<16xi1>
    %reduce_sum3A_1189 = tpu.scan <sum>, %select_n3A_1177 masked %reduce_sum3A_1188 : vector<16xi32>, vector<16xi1> -> vector<16xi32>
    %reduce_sum3A_1190 = vector.extract %reduce_sum3A_1189[15] : i32 from vector<16xi32>
    %add3A_1191 = arith.addi %add3A_1147, %reduce_sum3A_1190 : i32
    %dma_wait3A_1192 = arith.constant 0 : i32
    %dma_wait3A_1193 = tpu.memref_slice %arg4[%add3A_1159, %dma_wait3A_1192] : memref<16384x1024xf32, #tpu.memory_space<hbm>> -> memref<16x1024xf32, #tpu.memory_space<hbm>>
    %dma_wait3A_1194 = arith.constant 0 : i32
    %dma_wait3A_1195 = tpu.memref_slice %arg4[%add3A_1159, %dma_wait3A_1194] : memref<16384x1024xf32, #tpu.memory_space<hbm>> -> memref<16x1024xf32, #tpu.memory_space<hbm>>
    tpu.wait_dma2 semaphore(%arg21 : memref<!tpu.dma_semaphore, #tpu.memory_space<semaphore_mem>>) src(%arg9 : memref<16x1024xf32, #tpu.memory_space<vmem>>) dst(%dma_wait3A_1195 : memref<16x1024xf32, #tpu.memory_space<hbm>>)
    %dma_start3A_1196 = arith.constant 0 : i32
    %dma_start3A_1197 = arith.constant 0 : i32
    %dma_start3A_1198 = tpu.memref_slice %arg3[%dma_start3A_1196, %dma_start3A_1197] : memref<8192x1024xf32, #tpu.memory_space<hbm>> -> memref<8192x1024xf32, #tpu.memory_space<hbm>>
    tpu.enqueue_indirect_dma source(%dma_start3A_1198 : memref<8192x1024xf32, #tpu.memory_space<hbm>>) target(%arg9 : memref<16x1024xf32, #tpu.memory_space<vmem>>) offsets(%add3A_1186 : vector<16xi32>) semaphore(%arg15 : memref<!tpu.dma_semaphore, #tpu.memory_space<semaphore_mem>>)
    %dma_wait3A_1199 = arith.constant 0 : i32
    %dma_wait3A_1200 = arith.constant 0 : i32
    %dma_wait3A_1201 = tpu.memref_slice %arg3[%dma_wait3A_1199, %dma_wait3A_1200] : memref<8192x1024xf32, #tpu.memory_space<hbm>> -> memref<8192x1024xf32, #tpu.memory_space<hbm>>
    tpu.wait_indirect_dma semaphore(%arg16 : memref<!tpu.dma_semaphore, #tpu.memory_space<semaphore_mem>>) src(%dma_wait3A_1201 : memref<8192x1024xf32, #tpu.memory_space<hbm>>) dst(%arg10 : memref<16x1024xf32, #tpu.memory_space<vmem>>)
    %add3A_1202 = arith.constant 352 : i32
    %add3A_1203 = arith.addi %mul3A_48, %add3A_1202 : i32
    %dma_start3A_1204 = arith.constant 0 : i32
    %dma_start3A_1205 = tpu.memref_slice %arg4[%add3A_1203, %dma_start3A_1204] : memref<16384x1024xf32, #tpu.memory_space<hbm>> -> memref<16x1024xf32, #tpu.memory_space<hbm>>
    %dma_start3A_1206 = arith.constant 0 : i32
    %dma_start3A_1207 = tpu.memref_slice %arg4[%add3A_1203, %dma_start3A_1206] : memref<16384x1024xf32, #tpu.memory_space<hbm>> -> memref<16x1024xf32, #tpu.memory_space<hbm>>
    tpu.enqueue_dma source(%arg10 : memref<16x1024xf32, #tpu.memory_space<vmem>>) target(%dma_start3A_1207 : memref<16x1024xf32, #tpu.memory_space<hbm>>) target_semaphore(%arg22 : memref<!tpu.dma_semaphore, #tpu.memory_space<semaphore_mem>>)
    %mul3A_1208 = arith.constant 512 : i32
    %mul3A_1209 = arith.muli %select_n3A_30, %mul3A_1208 : i32
    %add3A_1210 = arith.constant 448 : i32
    %add3A_1211 = arith.addi %mul3A_1209, %add3A_1210 : i32
    %get3A_1212 = arith.index_cast %add3A_1211 : i32 to index
    %get3A_1213 = tpu.vector_load %arg5[%get3A_1212] {strides = array<i32>} : memref<4096xi32, #tpu.memory_space<vmem>>, vector<16xi32>,
    %eq3A_1214 = arith.constant 1 : i32
    %eq3A_1215 = vector.broadcast %eq3A_1214 : i32 to vector<16xi32>
    %eq3A_1216 = arith.cmpi eq, %get3A_1213, %eq3A_1215 : vector<16xi32>
    %jit3A_1217 = arith.constant 0 : i32
    %jit3A_1218 = arith.constant 1 : i32
    %broadcast_in_dim3A_1219 = vector.broadcast %jit3A_1217 : i32 to vector<16xi32>
    %broadcast_in_dim3A_1220 = vector.broadcast %jit3A_1218 : i32 to vector<16xi32>
    %select_n3A_1221 = arith.select %eq3A_1216, %broadcast_in_dim3A_1219, %broadcast_in_dim3A_1220 : vector<16xi1>, vector<16xi32>
    %broadcast_in_dim3A_1222 = arith.constant true
    %broadcast_in_dim3A_1223 = vector.broadcast %broadcast_in_dim3A_1222 : i1 to vector<16xi1>
    %masked_cumsum3A_1224 = tpu.scan <sum>, %select_n3A_1221 masked %broadcast_in_dim3A_1223 : vector<16xi32>, vector<16xi1> -> vector<16xi32>
    %add3A_1225 = vector.broadcast %add3A_1191 : i32 to vector<16xi32>
    %add3A_1226 = arith.addi %add3A_1225, %masked_cumsum3A_1224 : vector<16xi32>
    %mul3A_1227 = arith.muli %add3A_1226, %select_n3A_1221 : vector<16xi32>
    %add3A_1228 = arith.constant 1 : i32
    %add3A_1229 = vector.broadcast %add3A_1228 : i32 to vector<16xi32>
    %add3A_1230 = arith.addi %mul3A_1227, %add3A_1229 : vector<16xi32>
    %reduce_sum3A_1231 = arith.constant true
    %reduce_sum3A_1232 = vector.broadcast %reduce_sum3A_1231 : i1 to vector<16xi1>
    %reduce_sum3A_1233 = tpu.scan <sum>, %select_n3A_1221 masked %reduce_sum3A_1232 : vector<16xi32>, vector<16xi1> -> vector<16xi32>
    %reduce_sum3A_1234 = vector.extract %reduce_sum3A_1233[15] : i32 from vector<16xi32>
    %add3A_1235 = arith.addi %add3A_1191, %reduce_sum3A_1234 : i32
    %dma_wait3A_1236 = arith.constant 0 : i32
    %dma_wait3A_1237 = tpu.memref_slice %arg4[%add3A_1203, %dma_wait3A_1236] : memref<16384x1024xf32, #tpu.memory_space<hbm>> -> memref<16x1024xf32, #tpu.memory_space<hbm>>
    %dma_wait3A_1238 = arith.constant 0 : i32
    %dma_wait3A_1239 = tpu.memref_slice %arg4[%add3A_1203, %dma_wait3A_1238] : memref<16384x1024xf32, #tpu.memory_space<hbm>> -> memref<16x1024xf32, #tpu.memory_space<hbm>>
    tpu.wait_dma2 semaphore(%arg22 : memref<!tpu.dma_semaphore, #tpu.memory_space<semaphore_mem>>) src(%arg10 : memref<16x1024xf32, #tpu.memory_space<vmem>>) dst(%dma_wait3A_1239 : memref<16x1024xf32, #tpu.memory_space<hbm>>)
    %dma_start3A_1240 = arith.constant 0 : i32
    %dma_start3A_1241 = arith.constant 0 : i32
    %dma_start3A_1242 = tpu.memref_slice %arg3[%dma_start3A_1240, %dma_start3A_1241] : memref<8192x1024xf32, #tpu.memory_space<hbm>> -> memref<8192x1024xf32, #tpu.memory_space<hbm>>
    tpu.enqueue_indirect_dma source(%dma_start3A_1242 : memref<8192x1024xf32, #tpu.memory_space<hbm>>) target(%arg10 : memref<16x1024xf32, #tpu.memory_space<vmem>>) offsets(%add3A_1230 : vector<16xi32>) semaphore(%arg16 : memref<!tpu.dma_semaphore, #tpu.memory_space<semaphore_mem>>)
    %dma_wait3A_1243 = arith.constant 0 : i32
    %dma_wait3A_1244 = arith.constant 0 : i32
    %dma_wait3A_1245 = tpu.memref_slice %arg3[%dma_wait3A_1243, %dma_wait3A_1244] : memref<8192x1024xf32, #tpu.memory_space<hbm>> -> memref<8192x1024xf32, #tpu.memory_space<hbm>>
    tpu.wait_indirect_dma semaphore(%arg17 : memref<!tpu.dma_semaphore, #tpu.memory_space<semaphore_mem>>) src(%dma_wait3A_1245 : memref<8192x1024xf32, #tpu.memory_space<hbm>>) dst(%arg11 : memref<16x1024xf32, #tpu.memory_space<vmem>>)
    %add3A_1246 = arith.constant 368 : i32
    %add3A_1247 = arith.addi %mul3A_48, %add3A_1246 : i32
    %dma_start3A_1248 = arith.constant 0 : i32
    %dma_start3A_1249 = tpu.memref_slice %arg4[%add3A_1247, %dma_start3A_1248] : memref<16384x1024xf32, #tpu.memory_space<hbm>> -> memref<16x1024xf32, #tpu.memory_space<hbm>>
    %dma_start3A_1250 = arith.constant 0 : i32
    %dma_start3A_1251 = tpu.memref_slice %arg4[%add3A_1247, %dma_start3A_1250] : memref<16384x1024xf32, #tpu.memory_space<hbm>> -> memref<16x1024xf32, #tpu.memory_space<hbm>>
    tpu.enqueue_dma source(%arg11 : memref<16x1024xf32, #tpu.memory_space<vmem>>) target(%dma_start3A_1251 : memref<16x1024xf32, #tpu.memory_space<hbm>>) target_semaphore(%arg23 : memref<!tpu.dma_semaphore, #tpu.memory_space<semaphore_mem>>)
    %mul3A_1252 = arith.constant 512 : i32
    %mul3A_1253 = arith.muli %select_n3A_30, %mul3A_1252 : i32
    %add3A_1254 = arith.constant 464 : i32
    %add3A_1255 = arith.addi %mul3A_1253, %add3A_1254 : i32
    %get3A_1256 = arith.index_cast %add3A_1255 : i32 to index
    %get3A_1257 = tpu.vector_load %arg5[%get3A_1256] {strides = array<i32>} : memref<4096xi32, #tpu.memory_space<vmem>>, vector<16xi32>,
    %eq3A_1258 = arith.constant 1 : i32
    %eq3A_1259 = vector.broadcast %eq3A_1258 : i32 to vector<16xi32>
    %eq3A_1260 = arith.cmpi eq, %get3A_1257, %eq3A_1259 : vector<16xi32>
    %jit3A_1261 = arith.constant 0 : i32
    %jit3A_1262 = arith.constant 1 : i32
    %broadcast_in_dim3A_1263 = vector.broadcast %jit3A_1261 : i32 to vector<16xi32>
    %broadcast_in_dim3A_1264 = vector.broadcast %jit3A_1262 : i32 to vector<16xi32>
    %select_n3A_1265 = arith.select %eq3A_1260, %broadcast_in_dim3A_1263, %broadcast_in_dim3A_1264 : vector<16xi1>, vector<16xi32>
    %broadcast_in_dim3A_1266 = arith.constant true
    %broadcast_in_dim3A_1267 = vector.broadcast %broadcast_in_dim3A_1266 : i1 to vector<16xi1>
    %masked_cumsum3A_1268 = tpu.scan <sum>, %select_n3A_1265 masked %broadcast_in_dim3A_1267 : vector<16xi32>, vector<16xi1> -> vector<16xi32>
    %add3A_1269 = vector.broadcast %add3A_1235 : i32 to vector<16xi32>
    %add3A_1270 = arith.addi %add3A_1269, %masked_cumsum3A_1268 : vector<16xi32>
    %mul3A_1271 = arith.muli %add3A_1270, %select_n3A_1265 : vector<16xi32>
    %add3A_1272 = arith.constant 1 : i32
    %add3A_1273 = vector.broadcast %add3A_1272 : i32 to vector<16xi32>
    %add3A_1274 = arith.addi %mul3A_1271, %add3A_1273 : vector<16xi32>
    %reduce_sum3A_1275 = arith.constant true
    %reduce_sum3A_1276 = vector.broadcast %reduce_sum3A_1275 : i1 to vector<16xi1>
    %reduce_sum3A_1277 = tpu.scan <sum>, %select_n3A_1265 masked %reduce_sum3A_1276 : vector<16xi32>, vector<16xi1> -> vector<16xi32>
    %reduce_sum3A_1278 = vector.extract %reduce_sum3A_1277[15] : i32 from vector<16xi32>
    %add3A_1279 = arith.addi %add3A_1235, %reduce_sum3A_1278 : i32
    %dma_wait3A_1280 = arith.constant 0 : i32
    %dma_wait3A_1281 = tpu.memref_slice %arg4[%add3A_1247, %dma_wait3A_1280] : memref<16384x1024xf32, #tpu.memory_space<hbm>> -> memref<16x1024xf32, #tpu.memory_space<hbm>>
    %dma_wait3A_1282 = arith.constant 0 : i32
    %dma_wait3A_1283 = tpu.memref_slice %arg4[%add3A_1247, %dma_wait3A_1282] : memref<16384x1024xf32, #tpu.memory_space<hbm>> -> memref<16x1024xf32, #tpu.memory_space<hbm>>
    tpu.wait_dma2 semaphore(%arg23 : memref<!tpu.dma_semaphore, #tpu.memory_space<semaphore_mem>>) src(%arg11 : memref<16x1024xf32, #tpu.memory_space<vmem>>) dst(%dma_wait3A_1283 : memref<16x1024xf32, #tpu.memory_space<hbm>>)
    %dma_start3A_1284 = arith.constant 0 : i32
    %dma_start3A_1285 = arith.constant 0 : i32
    %dma_start3A_1286 = tpu.memref_slice %arg3[%dma_start3A_1284, %dma_start3A_1285] : memref<8192x1024xf32, #tpu.memory_space<hbm>> -> memref<8192x1024xf32, #tpu.memory_space<hbm>>
    tpu.enqueue_indirect_dma source(%dma_start3A_1286 : memref<8192x1024xf32, #tpu.memory_space<hbm>>) target(%arg11 : memref<16x1024xf32, #tpu.memory_space<vmem>>) offsets(%add3A_1274 : vector<16xi32>) semaphore(%arg17 : memref<!tpu.dma_semaphore, #tpu.memory_space<semaphore_mem>>)
    %dma_wait3A_1287 = arith.constant 0 : i32
    %dma_wait3A_1288 = arith.constant 0 : i32
    %dma_wait3A_1289 = tpu.memref_slice %arg3[%dma_wait3A_1287, %dma_wait3A_1288] : memref<8192x1024xf32, #tpu.memory_space<hbm>> -> memref<8192x1024xf32, #tpu.memory_space<hbm>>
    tpu.wait_indirect_dma semaphore(%arg12 : memref<!tpu.dma_semaphore, #tpu.memory_space<semaphore_mem>>) src(%dma_wait3A_1289 : memref<8192x1024xf32, #tpu.memory_space<hbm>>) dst(%arg6 : memref<16x1024xf32, #tpu.memory_space<vmem>>)
    %add3A_1290 = arith.constant 384 : i32
    %add3A_1291 = arith.addi %mul3A_48, %add3A_1290 : i32
    %dma_start3A_1292 = arith.constant 0 : i32
    %dma_start3A_1293 = tpu.memref_slice %arg4[%add3A_1291, %dma_start3A_1292] : memref<16384x1024xf32, #tpu.memory_space<hbm>> -> memref<16x1024xf32, #tpu.memory_space<hbm>>
    %dma_start3A_1294 = arith.constant 0 : i32
    %dma_start3A_1295 = tpu.memref_slice %arg4[%add3A_1291, %dma_start3A_1294] : memref<16384x1024xf32, #tpu.memory_space<hbm>> -> memref<16x1024xf32, #tpu.memory_space<hbm>>
    tpu.enqueue_dma source(%arg6 : memref<16x1024xf32, #tpu.memory_space<vmem>>) target(%dma_start3A_1295 : memref<16x1024xf32, #tpu.memory_space<hbm>>) target_semaphore(%arg18 : memref<!tpu.dma_semaphore, #tpu.memory_space<semaphore_mem>>)
    %mul3A_1296 = arith.constant 512 : i32
    %mul3A_1297 = arith.muli %select_n3A_30, %mul3A_1296 : i32
    %add3A_1298 = arith.constant 480 : i32
    %add3A_1299 = arith.addi %mul3A_1297, %add3A_1298 : i32
    %get3A_1300 = arith.index_cast %add3A_1299 : i32 to index
    %get3A_1301 = tpu.vector_load %arg5[%get3A_1300] {strides = array<i32>} : memref<4096xi32, #tpu.memory_space<vmem>>, vector<16xi32>,
    %eq3A_1302 = arith.constant 1 : i32
    %eq3A_1303 = vector.broadcast %eq3A_1302 : i32 to vector<16xi32>
    %eq3A_1304 = arith.cmpi eq, %get3A_1301, %eq3A_1303 : vector<16xi32>
    %jit3A_1305 = arith.constant 0 : i32
    %jit3A_1306 = arith.constant 1 : i32
    %broadcast_in_dim3A_1307 = vector.broadcast %jit3A_1305 : i32 to vector<16xi32>
    %broadcast_in_dim3A_1308 = vector.broadcast %jit3A_1306 : i32 to vector<16xi32>
    %select_n3A_1309 = arith.select %eq3A_1304, %broadcast_in_dim3A_1307, %broadcast_in_dim3A_1308 : vector<16xi1>, vector<16xi32>
    %broadcast_in_dim3A_1310 = arith.constant true
    %broadcast_in_dim3A_1311 = vector.broadcast %broadcast_in_dim3A_1310 : i1 to vector<16xi1>
    %masked_cumsum3A_1312 = tpu.scan <sum>, %select_n3A_1309 masked %broadcast_in_dim3A_1311 : vector<16xi32>, vector<16xi1> -> vector<16xi32>
    %add3A_1313 = vector.broadcast %add3A_1279 : i32 to vector<16xi32>
    %add3A_1314 = arith.addi %add3A_1313, %masked_cumsum3A_1312 : vector<16xi32>
    %mul3A_1315 = arith.muli %add3A_1314, %select_n3A_1309 : vector<16xi32>
    %add3A_1316 = arith.constant 1 : i32
    %add3A_1317 = vector.broadcast %add3A_1316 : i32 to vector<16xi32>
    %add3A_1318 = arith.addi %mul3A_1315, %add3A_1317 : vector<16xi32>
    %reduce_sum3A_1319 = arith.constant true
    %reduce_sum3A_1320 = vector.broadcast %reduce_sum3A_1319 : i1 to vector<16xi1>
    %reduce_sum3A_1321 = tpu.scan <sum>, %select_n3A_1309 masked %reduce_sum3A_1320 : vector<16xi32>, vector<16xi1> -> vector<16xi32>
    %reduce_sum3A_1322 = vector.extract %reduce_sum3A_1321[15] : i32 from vector<16xi32>
    %add3A_1323 = arith.addi %add3A_1279, %reduce_sum3A_1322 : i32
    %dma_wait3A_1324 = arith.constant 0 : i32
    %dma_wait3A_1325 = tpu.memref_slice %arg4[%add3A_1291, %dma_wait3A_1324] : memref<16384x1024xf32, #tpu.memory_space<hbm>> -> memref<16x1024xf32, #tpu.memory_space<hbm>>
    %dma_wait3A_1326 = arith.constant 0 : i32
    %dma_wait3A_1327 = tpu.memref_slice %arg4[%add3A_1291, %dma_wait3A_1326] : memref<16384x1024xf32, #tpu.memory_space<hbm>> -> memref<16x1024xf32, #tpu.memory_space<hbm>>
    tpu.wait_dma2 semaphore(%arg18 : memref<!tpu.dma_semaphore, #tpu.memory_space<semaphore_mem>>) src(%arg6 : memref<16x1024xf32, #tpu.memory_space<vmem>>) dst(%dma_wait3A_1327 : memref<16x1024xf32, #tpu.memory_space<hbm>>)
    %dma_start3A_1328 = arith.constant 0 : i32
    %dma_start3A_1329 = arith.constant 0 : i32
    %dma_start3A_1330 = tpu.memref_slice %arg3[%dma_start3A_1328, %dma_start3A_1329] : memref<8192x1024xf32, #tpu.memory_space<hbm>> -> memref<8192x1024xf32, #tpu.memory_space<hbm>>
    tpu.enqueue_indirect_dma source(%dma_start3A_1330 : memref<8192x1024xf32, #tpu.memory_space<hbm>>) target(%arg6 : memref<16x1024xf32, #tpu.memory_space<vmem>>) offsets(%add3A_1318 : vector<16xi32>) semaphore(%arg12 : memref<!tpu.dma_semaphore, #tpu.memory_space<semaphore_mem>>)
    %dma_wait3A_1331 = arith.constant 0 : i32
    %dma_wait3A_1332 = arith.constant 0 : i32
    %dma_wait3A_1333 = tpu.memref_slice %arg3[%dma_wait3A_1331, %dma_wait3A_1332] : memref<8192x1024xf32, #tpu.memory_space<hbm>> -> memref<8192x1024xf32, #tpu.memory_space<hbm>>
    tpu.wait_indirect_dma semaphore(%arg13 : memref<!tpu.dma_semaphore, #tpu.memory_space<semaphore_mem>>) src(%dma_wait3A_1333 : memref<8192x1024xf32, #tpu.memory_space<hbm>>) dst(%arg7 : memref<16x1024xf32, #tpu.memory_space<vmem>>)
    %add3A_1334 = arith.constant 400 : i32
    %add3A_1335 = arith.addi %mul3A_48, %add3A_1334 : i32
    %dma_start3A_1336 = arith.constant 0 : i32
    %dma_start3A_1337 = tpu.memref_slice %arg4[%add3A_1335, %dma_start3A_1336] : memref<16384x1024xf32, #tpu.memory_space<hbm>> -> memref<16x1024xf32, #tpu.memory_space<hbm>>
    %dma_start3A_1338 = arith.constant 0 : i32
    %dma_start3A_1339 = tpu.memref_slice %arg4[%add3A_1335, %dma_start3A_1338] : memref<16384x1024xf32, #tpu.memory_space<hbm>> -> memref<16x1024xf32, #tpu.memory_space<hbm>>
    tpu.enqueue_dma source(%arg7 : memref<16x1024xf32, #tpu.memory_space<vmem>>) target(%dma_start3A_1339 : memref<16x1024xf32, #tpu.memory_space<hbm>>) target_semaphore(%arg19 : memref<!tpu.dma_semaphore, #tpu.memory_space<semaphore_mem>>)
    %mul3A_1340 = arith.constant 512 : i32
    %mul3A_1341 = arith.muli %select_n3A_30, %mul3A_1340 : i32
    %add3A_1342 = arith.constant 496 : i32
    %add3A_1343 = arith.addi %mul3A_1341, %add3A_1342 : i32
    %get3A_1344 = arith.index_cast %add3A_1343 : i32 to index
    %get3A_1345 = tpu.vector_load %arg5[%get3A_1344] {strides = array<i32>} : memref<4096xi32, #tpu.memory_space<vmem>>, vector<16xi32>,
    %eq3A_1346 = arith.constant 1 : i32
    %eq3A_1347 = vector.broadcast %eq3A_1346 : i32 to vector<16xi32>
    %eq3A_1348 = arith.cmpi eq, %get3A_1345, %eq3A_1347 : vector<16xi32>
    %jit3A_1349 = arith.constant 0 : i32
    %jit3A_1350 = arith.constant 1 : i32
    %broadcast_in_dim3A_1351 = vector.broadcast %jit3A_1349 : i32 to vector<16xi32>
    %broadcast_in_dim3A_1352 = vector.broadcast %jit3A_1350 : i32 to vector<16xi32>
    %select_n3A_1353 = arith.select %eq3A_1348, %broadcast_in_dim3A_1351, %broadcast_in_dim3A_1352 : vector<16xi1>, vector<16xi32>
    %broadcast_in_dim3A_1354 = arith.constant true
    %broadcast_in_dim3A_1355 = vector.broadcast %broadcast_in_dim3A_1354 : i1 to vector<16xi1>
    %masked_cumsum3A_1356 = tpu.scan <sum>, %select_n3A_1353 masked %broadcast_in_dim3A_1355 : vector<16xi32>, vector<16xi1> -> vector<16xi32>
    %add3A_1357 = vector.broadcast %add3A_1323 : i32 to vector<16xi32>
    %add3A_1358 = arith.addi %add3A_1357, %masked_cumsum3A_1356 : vector<16xi32>
    %mul3A_1359 = arith.muli %add3A_1358, %select_n3A_1353 : vector<16xi32>
    %add3A_1360 = arith.constant 1 : i32
    %add3A_1361 = vector.broadcast %add3A_1360 : i32 to vector<16xi32>
    %add3A_1362 = arith.addi %mul3A_1359, %add3A_1361 : vector<16xi32>
    %reduce_sum3A_1363 = arith.constant true
    %reduce_sum3A_1364 = vector.broadcast %reduce_sum3A_1363 : i1 to vector<16xi1>
    %reduce_sum3A_1365 = tpu.scan <sum>, %select_n3A_1353 masked %reduce_sum3A_1364 : vector<16xi32>, vector<16xi1> -> vector<16xi32>
    %reduce_sum3A_1366 = vector.extract %reduce_sum3A_1365[15] : i32 from vector<16xi32>
    %add3A_1367 = arith.addi %add3A_1323, %reduce_sum3A_1366 : i32
    %dma_wait3A_1368 = arith.constant 0 : i32
    %dma_wait3A_1369 = tpu.memref_slice %arg4[%add3A_1335, %dma_wait3A_1368] : memref<16384x1024xf32, #tpu.memory_space<hbm>> -> memref<16x1024xf32, #tpu.memory_space<hbm>>
    %dma_wait3A_1370 = arith.constant 0 : i32
    %dma_wait3A_1371 = tpu.memref_slice %arg4[%add3A_1335, %dma_wait3A_1370] : memref<16384x1024xf32, #tpu.memory_space<hbm>> -> memref<16x1024xf32, #tpu.memory_space<hbm>>
    tpu.wait_dma2 semaphore(%arg19 : memref<!tpu.dma_semaphore, #tpu.memory_space<semaphore_mem>>) src(%arg7 : memref<16x1024xf32, #tpu.memory_space<vmem>>) dst(%dma_wait3A_1371 : memref<16x1024xf32, #tpu.memory_space<hbm>>)
    %dma_start3A_1372 = arith.constant 0 : i32
    %dma_start3A_1373 = arith.constant 0 : i32
    %dma_start3A_1374 = tpu.memref_slice %arg3[%dma_start3A_1372, %dma_start3A_1373] : memref<8192x1024xf32, #tpu.memory_space<hbm>> -> memref<8192x1024xf32, #tpu.memory_space<hbm>>
    tpu.enqueue_indirect_dma source(%dma_start3A_1374 : memref<8192x1024xf32, #tpu.memory_space<hbm>>) target(%arg7 : memref<16x1024xf32, #tpu.memory_space<vmem>>) offsets(%add3A_1362 : vector<16xi32>) semaphore(%arg13 : memref<!tpu.dma_semaphore, #tpu.memory_space<semaphore_mem>>)
    %dma_wait3A_1375 = arith.constant 0 : i32
    %dma_wait3A_1376 = arith.constant 0 : i32
    %dma_wait3A_1377 = tpu.memref_slice %arg3[%dma_wait3A_1375, %dma_wait3A_1376] : memref<8192x1024xf32, #tpu.memory_space<hbm>> -> memref<8192x1024xf32, #tpu.memory_space<hbm>>
    tpu.wait_indirect_dma semaphore(%arg14 : memref<!tpu.dma_semaphore, #tpu.memory_space<semaphore_mem>>) src(%dma_wait3A_1377 : memref<8192x1024xf32, #tpu.memory_space<hbm>>) dst(%arg8 : memref<16x1024xf32, #tpu.memory_space<vmem>>)
    %add3A_1378 = arith.constant 416 : i32
    %add3A_1379 = arith.addi %mul3A_48, %add3A_1378 : i32
    %dma_start3A_1380 = arith.constant 0 : i32
    %dma_start3A_1381 = tpu.memref_slice %arg4[%add3A_1379, %dma_start3A_1380] : memref<16384x1024xf32, #tpu.memory_space<hbm>> -> memref<16x1024xf32, #tpu.memory_space<hbm>>
    %dma_start3A_1382 = arith.constant 0 : i32
    %dma_start3A_1383 = tpu.memref_slice %arg4[%add3A_1379, %dma_start3A_1382] : memref<16384x1024xf32, #tpu.memory_space<hbm>> -> memref<16x1024xf32, #tpu.memory_space<hbm>>
    tpu.enqueue_dma source(%arg8 : memref<16x1024xf32, #tpu.memory_space<vmem>>) target(%dma_start3A_1383 : memref<16x1024xf32, #tpu.memory_space<hbm>>) target_semaphore(%arg20 : memref<!tpu.dma_semaphore, #tpu.memory_space<semaphore_mem>>)
    %dma_wait3A_1384 = arith.constant 0 : i32
    %dma_wait3A_1385 = arith.constant 0 : i32
    %dma_wait3A_1386 = tpu.memref_slice %arg3[%dma_wait3A_1384, %dma_wait3A_1385] : memref<8192x1024xf32, #tpu.memory_space<hbm>> -> memref<8192x1024xf32, #tpu.memory_space<hbm>>
    tpu.wait_indirect_dma semaphore(%arg15 : memref<!tpu.dma_semaphore, #tpu.memory_space<semaphore_mem>>) src(%dma_wait3A_1386 : memref<8192x1024xf32, #tpu.memory_space<hbm>>) dst(%arg9 : memref<16x1024xf32, #tpu.memory_space<vmem>>)
    %add3A_1387 = arith.constant 432 : i32
    %add3A_1388 = arith.addi %mul3A_48, %add3A_1387 : i32
    %dma_start3A_1389 = arith.constant 0 : i32
    %dma_start3A_1390 = tpu.memref_slice %arg4[%add3A_1388, %dma_start3A_1389] : memref<16384x1024xf32, #tpu.memory_space<hbm>> -> memref<16x1024xf32, #tpu.memory_space<hbm>>
    %dma_start3A_1391 = arith.constant 0 : i32
    %dma_start3A_1392 = tpu.memref_slice %arg4[%add3A_1388, %dma_start3A_1391] : memref<16384x1024xf32, #tpu.memory_space<hbm>> -> memref<16x1024xf32, #tpu.memory_space<hbm>>
    tpu.enqueue_dma source(%arg9 : memref<16x1024xf32, #tpu.memory_space<vmem>>) target(%dma_start3A_1392 : memref<16x1024xf32, #tpu.memory_space<hbm>>) target_semaphore(%arg21 : memref<!tpu.dma_semaphore, #tpu.memory_space<semaphore_mem>>)
    %dma_wait3A_1393 = arith.constant 0 : i32
    %dma_wait3A_1394 = arith.constant 0 : i32
    %dma_wait3A_1395 = tpu.memref_slice %arg3[%dma_wait3A_1393, %dma_wait3A_1394] : memref<8192x1024xf32, #tpu.memory_space<hbm>> -> memref<8192x1024xf32, #tpu.memory_space<hbm>>
    tpu.wait_indirect_dma semaphore(%arg16 : memref<!tpu.dma_semaphore, #tpu.memory_space<semaphore_mem>>) src(%dma_wait3A_1395 : memref<8192x1024xf32, #tpu.memory_space<hbm>>) dst(%arg10 : memref<16x1024xf32, #tpu.memory_space<vmem>>)
    %add3A_1396 = arith.constant 448 : i32
    %add3A_1397 = arith.addi %mul3A_48, %add3A_1396 : i32
    %dma_start3A_1398 = arith.constant 0 : i32
    %dma_start3A_1399 = tpu.memref_slice %arg4[%add3A_1397, %dma_start3A_1398] : memref<16384x1024xf32, #tpu.memory_space<hbm>> -> memref<16x1024xf32, #tpu.memory_space<hbm>>
    %dma_start3A_1400 = arith.constant 0 : i32
    %dma_start3A_1401 = tpu.memref_slice %arg4[%add3A_1397, %dma_start3A_1400] : memref<16384x1024xf32, #tpu.memory_space<hbm>> -> memref<16x1024xf32, #tpu.memory_space<hbm>>
    tpu.enqueue_dma source(%arg10 : memref<16x1024xf32, #tpu.memory_space<vmem>>) target(%dma_start3A_1401 : memref<16x1024xf32, #tpu.memory_space<hbm>>) target_semaphore(%arg22 : memref<!tpu.dma_semaphore, #tpu.memory_space<semaphore_mem>>)
    %dma_wait3A_1402 = arith.constant 0 : i32
    %dma_wait3A_1403 = arith.constant 0 : i32
    %dma_wait3A_1404 = tpu.memref_slice %arg3[%dma_wait3A_1402, %dma_wait3A_1403] : memref<8192x1024xf32, #tpu.memory_space<hbm>> -> memref<8192x1024xf32, #tpu.memory_space<hbm>>
    tpu.wait_indirect_dma semaphore(%arg17 : memref<!tpu.dma_semaphore, #tpu.memory_space<semaphore_mem>>) src(%dma_wait3A_1404 : memref<8192x1024xf32, #tpu.memory_space<hbm>>) dst(%arg11 : memref<16x1024xf32, #tpu.memory_space<vmem>>)
    %add3A_1405 = arith.constant 464 : i32
    %add3A_1406 = arith.addi %mul3A_48, %add3A_1405 : i32
    %dma_start3A_1407 = arith.constant 0 : i32
    %dma_start3A_1408 = tpu.memref_slice %arg4[%add3A_1406, %dma_start3A_1407] : memref<16384x1024xf32, #tpu.memory_space<hbm>> -> memref<16x1024xf32, #tpu.memory_space<hbm>>
    %dma_start3A_1409 = arith.constant 0 : i32
    %dma_start3A_1410 = tpu.memref_slice %arg4[%add3A_1406, %dma_start3A_1409] : memref<16384x1024xf32, #tpu.memory_space<hbm>> -> memref<16x1024xf32, #tpu.memory_space<hbm>>
    tpu.enqueue_dma source(%arg11 : memref<16x1024xf32, #tpu.memory_space<vmem>>) target(%dma_start3A_1410 : memref<16x1024xf32, #tpu.memory_space<hbm>>) target_semaphore(%arg23 : memref<!tpu.dma_semaphore, #tpu.memory_space<semaphore_mem>>)
    %dma_wait3A_1411 = arith.constant 0 : i32
    %dma_wait3A_1412 = arith.constant 0 : i32
    %dma_wait3A_1413 = tpu.memref_slice %arg3[%dma_wait3A_1411, %dma_wait3A_1412] : memref<8192x1024xf32, #tpu.memory_space<hbm>> -> memref<8192x1024xf32, #tpu.memory_space<hbm>>
    tpu.wait_indirect_dma semaphore(%arg12 : memref<!tpu.dma_semaphore, #tpu.memory_space<semaphore_mem>>) src(%dma_wait3A_1413 : memref<8192x1024xf32, #tpu.memory_space<hbm>>) dst(%arg6 : memref<16x1024xf32, #tpu.memory_space<vmem>>)
    %add3A_1414 = arith.constant 480 : i32
    %add3A_1415 = arith.addi %mul3A_48, %add3A_1414 : i32
    %dma_start3A_1416 = arith.constant 0 : i32
    %dma_start3A_1417 = tpu.memref_slice %arg4[%add3A_1415, %dma_start3A_1416] : memref<16384x1024xf32, #tpu.memory_space<hbm>> -> memref<16x1024xf32, #tpu.memory_space<hbm>>
    %dma_start3A_1418 = arith.constant 0 : i32
    %dma_start3A_1419 = tpu.memref_slice %arg4[%add3A_1415, %dma_start3A_1418] : memref<16384x1024xf32, #tpu.memory_space<hbm>> -> memref<16x1024xf32, #tpu.memory_space<hbm>>
    tpu.enqueue_dma source(%arg6 : memref<16x1024xf32, #tpu.memory_space<vmem>>) target(%dma_start3A_1419 : memref<16x1024xf32, #tpu.memory_space<hbm>>) target_semaphore(%arg18 : memref<!tpu.dma_semaphore, #tpu.memory_space<semaphore_mem>>)
    %dma_wait3A_1420 = arith.constant 0 : i32
    %dma_wait3A_1421 = arith.constant 0 : i32
    %dma_wait3A_1422 = tpu.memref_slice %arg3[%dma_wait3A_1420, %dma_wait3A_1421] : memref<8192x1024xf32, #tpu.memory_space<hbm>> -> memref<8192x1024xf32, #tpu.memory_space<hbm>>
    tpu.wait_indirect_dma semaphore(%arg13 : memref<!tpu.dma_semaphore, #tpu.memory_space<semaphore_mem>>) src(%dma_wait3A_1422 : memref<8192x1024xf32, #tpu.memory_space<hbm>>) dst(%arg7 : memref<16x1024xf32, #tpu.memory_space<vmem>>)
    %add3A_1423 = arith.constant 496 : i32
    %add3A_1424 = arith.addi %mul3A_48, %add3A_1423 : i32
    %dma_start3A_1425 = arith.constant 0 : i32
    %dma_start3A_1426 = tpu.memref_slice %arg4[%add3A_1424, %dma_start3A_1425] : memref<16384x1024xf32, #tpu.memory_space<hbm>> -> memref<16x1024xf32, #tpu.memory_space<hbm>>
    %dma_start3A_1427 = arith.constant 0 : i32
    %dma_start3A_1428 = tpu.memref_slice %arg4[%add3A_1424, %dma_start3A_1427] : memref<16384x1024xf32, #tpu.memory_space<hbm>> -> memref<16x1024xf32, #tpu.memory_space<hbm>>
    tpu.enqueue_dma source(%arg7 : memref<16x1024xf32, #tpu.memory_space<vmem>>) target(%dma_start3A_1428 : memref<16x1024xf32, #tpu.memory_space<hbm>>) target_semaphore(%arg19 : memref<!tpu.dma_semaphore, #tpu.memory_space<semaphore_mem>>)
    %dma_wait3A_1429 = arith.constant 0 : i32
    %dma_wait3A_1430 = tpu.memref_slice %arg4[%add3A_1379, %dma_wait3A_1429] : memref<16384x1024xf32, #tpu.memory_space<hbm>> -> memref<16x1024xf32, #tpu.memory_space<hbm>>
    %dma_wait3A_1431 = arith.constant 0 : i32
    %dma_wait3A_1432 = tpu.memref_slice %arg4[%add3A_1379, %dma_wait3A_1431] : memref<16384x1024xf32, #tpu.memory_space<hbm>> -> memref<16x1024xf32, #tpu.memory_space<hbm>>
    tpu.wait_dma2 semaphore(%arg20 : memref<!tpu.dma_semaphore, #tpu.memory_space<semaphore_mem>>) src(%arg8 : memref<16x1024xf32, #tpu.memory_space<vmem>>) dst(%dma_wait3A_1432 : memref<16x1024xf32, #tpu.memory_space<hbm>>)
    %dma_wait3A_1433 = arith.constant 0 : i32
    %dma_wait3A_1434 = tpu.memref_slice %arg4[%add3A_1388, %dma_wait3A_1433] : memref<16384x1024xf32, #tpu.memory_space<hbm>> -> memref<16x1024xf32, #tpu.memory_space<hbm>>
    %dma_wait3A_1435 = arith.constant 0 : i32
    %dma_wait3A_1436 = tpu.memref_slice %arg4[%add3A_1388, %dma_wait3A_1435] : memref<16384x1024xf32, #tpu.memory_space<hbm>> -> memref<16x1024xf32, #tpu.memory_space<hbm>>
    tpu.wait_dma2 semaphore(%arg21 : memref<!tpu.dma_semaphore, #tpu.memory_space<semaphore_mem>>) src(%arg9 : memref<16x1024xf32, #tpu.memory_space<vmem>>) dst(%dma_wait3A_1436 : memref<16x1024xf32, #tpu.memory_space<hbm>>)
    %dma_wait3A_1437 = arith.constant 0 : i32
    %dma_wait3A_1438 = tpu.memref_slice %arg4[%add3A_1397, %dma_wait3A_1437] : memref<16384x1024xf32, #tpu.memory_space<hbm>> -> memref<16x1024xf32, #tpu.memory_space<hbm>>
    %dma_wait3A_1439 = arith.constant 0 : i32
    %dma_wait3A_1440 = tpu.memref_slice %arg4[%add3A_1397, %dma_wait3A_1439] : memref<16384x1024xf32, #tpu.memory_space<hbm>> -> memref<16x1024xf32, #tpu.memory_space<hbm>>
    tpu.wait_dma2 semaphore(%arg22 : memref<!tpu.dma_semaphore, #tpu.memory_space<semaphore_mem>>) src(%arg10 : memref<16x1024xf32, #tpu.memory_space<vmem>>) dst(%dma_wait3A_1440 : memref<16x1024xf32, #tpu.memory_space<hbm>>)
    %dma_wait3A_1441 = arith.constant 0 : i32
    %dma_wait3A_1442 = tpu.memref_slice %arg4[%add3A_1406, %dma_wait3A_1441] : memref<16384x1024xf32, #tpu.memory_space<hbm>> -> memref<16x1024xf32, #tpu.memory_space<hbm>>
    %dma_wait3A_1443 = arith.constant 0 : i32
    %dma_wait3A_1444 = tpu.memref_slice %arg4[%add3A_1406, %dma_wait3A_1443] : memref<16384x1024xf32, #tpu.memory_space<hbm>> -> memref<16x1024xf32, #tpu.memory_space<hbm>>
    tpu.wait_dma2 semaphore(%arg23 : memref<!tpu.dma_semaphore, #tpu.memory_space<semaphore_mem>>) src(%arg11 : memref<16x1024xf32, #tpu.memory_space<vmem>>) dst(%dma_wait3A_1444 : memref<16x1024xf32, #tpu.memory_space<hbm>>)
    %dma_wait3A_1445 = arith.constant 0 : i32
    %dma_wait3A_1446 = tpu.memref_slice %arg4[%add3A_1415, %dma_wait3A_1445] : memref<16384x1024xf32, #tpu.memory_space<hbm>> -> memref<16x1024xf32, #tpu.memory_space<hbm>>
    %dma_wait3A_1447 = arith.constant 0 : i32
    %dma_wait3A_1448 = tpu.memref_slice %arg4[%add3A_1415, %dma_wait3A_1447] : memref<16384x1024xf32, #tpu.memory_space<hbm>> -> memref<16x1024xf32, #tpu.memory_space<hbm>>
    tpu.wait_dma2 semaphore(%arg18 : memref<!tpu.dma_semaphore, #tpu.memory_space<semaphore_mem>>) src(%arg6 : memref<16x1024xf32, #tpu.memory_space<vmem>>) dst(%dma_wait3A_1448 : memref<16x1024xf32, #tpu.memory_space<hbm>>)
    %dma_wait3A_1449 = arith.constant 0 : i32
    %dma_wait3A_1450 = tpu.memref_slice %arg4[%add3A_1424, %dma_wait3A_1449] : memref<16384x1024xf32, #tpu.memory_space<hbm>> -> memref<16x1024xf32, #tpu.memory_space<hbm>>
    %dma_wait3A_1451 = arith.constant 0 : i32
    %dma_wait3A_1452 = tpu.memref_slice %arg4[%add3A_1424, %dma_wait3A_1451] : memref<16384x1024xf32, #tpu.memory_space<hbm>> -> memref<16x1024xf32, #tpu.memory_space<hbm>>
    tpu.wait_dma2 semaphore(%arg19 : memref<!tpu.dma_semaphore, #tpu.memory_space<semaphore_mem>>) src(%arg7 : memref<16x1024xf32, #tpu.memory_space<vmem>>) dst(%dma_wait3A_1452 : memref<16x1024xf32, #tpu.memory_space<hbm>>)
    return
  }
}

</mosaic_0001>

<sc_bundles>
// kernel: _sc_embed.3.cloned.1.call-start
scs
__scs_entry_jumppad:
0x0: {  	(pc) =	sbr.rel $0x88, $3  }
0x1: {  	(tag) =	ssettag $0x0;
	lr =	simm.s32 $0x1  }
0x2: {  	[smem:$0x3F9F] =	sst lr;
	_ =	strace $0xD0000000  }
0x3: {  	_ = 	snop  }
0x4: {  	_ = 	snop  }
0x5: {  	_ = 	snop  }
0x6: {  	_ = 	snop  }
0x7: {  	_ = 	snop  }
__scs_overlays_trampoline_lowered:
0x8: {  	[smem:$0x3FAE] =	sst s0  }
0x9: {  	[smem:$0x3FAF] =	sst s1  }
0xa: {  	[smem:$0x3FB0] =	sst s2  }
0xb: {  	[smem:$0x3FB1] =	sst s3  }
0xc: {  	[smem:$0x3FB2] =	sst s4  }
0xd: {  	[smem:$0x3FB3] =	sst s5  }
0xe: {  	[smem:$0x3FB4] =	sst s6  }
0xf: {  	[smem:$0x3FB5] =	sst s7  }
0x10: {  	[smem:$0x3FB6] =	sst s8  }
0x11: {  	[smem:$0x3FB7] =	sst s9;
	s0 =	simm.s32 @!p0 $0x0  }
0x12: {  	s1 =	sld [smem:$0x3F9D];
	s0 =	simm.s32 @p0 $0x1  }
0x13: {  	[smem:$0x3FB8] =	sst s0;
	s0 =	simm.s32 @!p1 $0x0  }
0x14: {  	s2 =	sld [smem:$0x3F9C];
	s0 =	simm.s32 @p1 $0x1  }
0x15: {  	[smem:$0x3FB9] =	sst s0;
	s0 =	simm.s32 @!p2 $0x0  }
0x16: {  	s3 =	sld [smem:$0x3FDB];
	s0 =	simm.s32 @p2 $0x1  }
0x17: {  	s4 =	simm.s32 $0x1BF5;
	[smem:$0x3FBB] =	sst s0  }
0x18: {  	s0 =	sld [smem:$0x3F9E];
	_ =	swait.ge [sflag:s4], $0x0  }
0x19: {  	s7 =	sld [smem:$0x3F9F]  }
0x1a: {  	s8 =	sadd.s32 $0xFFFFE003, lr  }
0x1b: {  	s9 =	sadd.s32 $0xFFFFFEF7, lr;
	s5 =	simm.s32 $0xFFFFFFFF;
	p2 =	slt.u32 s8, $0xFFFFF086  }
0x1c: {  	p1 =	slt.u32 s9, $0xF7A;
	s5 =	simm.s32 @!p2 $0x0  }
0x1d: {  	s5 =	simm.s32 @p1 $0x1;
	p0 =	seq.s32 s7, s2  }
0x1e: {  	s7 =	smul.u32 @!p0 $0xF7A, s2;
	p2 =	seq.s32 @!p0 s5, $0x0  }
0x1f: {  	s9 =	smul.u32 $0xF7A, s1;
	s8 =	simm.s32 @!p0 $0x1BF5;
	p2 =	por !p2, p0  }
0x20: {  	[sflag:s8] =	ssyncset.s32 @!p0 $0xFFFFF086;
	s6 =	sadd.s32 @!p0 s3, s7;
	s7 =	simm.s32 @!p0 $0x108  }
0x21: {  	s3 =	sadd.s32 s3, s9;
	s6 =	sadd.s32 @!p0 $0x88, s6;
	s7 =	simm.s32 @p2 $0x1082  }
0x22: {  	[simem:s7], [sflag:s8] =	dma.local @!p0 [hbm:s6], $0xF7A  }
0x23: {  	s9 =	sor.u32 $0xD0000000, s2;
	s6 =	simm.s32 $0x108;
	_ =	swait.ge @!p0 [sflag:s8], $0x0  }
0x24: {  	s3 =	sadd.s32 $0x88, s3;
	s6 =	simm.s32 @!p1 $0x1082;
	[sflag:s4] =	ssyncset.s32 $0xFFFFF086  }
0x25: {  	[simem:s6], [sflag:s4] =	dma.local [hbm:s3], $0xF7A  }
0x26: {  	[smem:$0x3F9F] =	sst s1;
	(tag) =	ssettag s2;
	_ =	strace s9  }
0x27: {  	s1 =	sld [smem:$0x3FAF]  }
0x28: {  	s2 =	sld [smem:$0x3FB0]  }
0x29: {  	s4 =	sld [smem:$0x3FB2]  }
0x2a: {  	p0 =	seq.s32 s5, $0x0;
	s5 =	sld [smem:$0x3FB3]  }
0x2b: {  	s6 =	sld [smem:$0x3FB4]  }
0x2c: {  	s7 =	sld [smem:$0x3FB5]  }
0x2d: {  	s3 =	simm.s32 $0x108;
	s8 =	sld [smem:$0x3FB6]  }
0x2e: {  	s3 =	simm.s32 @!p0 $0x1082;
	s9 =	sld [smem:$0x3FB7]  }
0x2f: {  	lr =	sadd.s32 s0, s3;
	s0 =	sld [smem:$0x3FAE]  }
0x30: {  	s3 =	sld [smem:$0x3FB1]  }
0x31: {  	[smem:$0x3FBA] =	sst s10  }
0x32: {  	s10 =	sld [smem:$0x3FB8];
	_ =	sdelay $0x3  }
0x33: {  	p0 =	seq.s32 s10, $0x1;
	s10 =	sld [smem:$0x3FBA];
	_ =	sdelay $0x3  }
0x34: {  	[smem:$0x3FBA] =	sst s10  }
0x35: {  	s10 =	sld [smem:$0x3FB9];
	_ =	sdelay $0x3  }
0x36: {  	p1 =	seq.s32 s10, $0x1;
	s10 =	sld [smem:$0x3FBA];
	_ =	sdelay $0x3  }
0x37: {  	[smem:$0x3FBA] =	sst s10  }
0x38: {  	s10 =	sld [smem:$0x3FBB]  }
0x39: {  	_ = 	snop;
	(pc) =	sbr.ind lr, $3  }
0x3a: {  	_ = 	snop  }
0x3b: {  	_ = 	snop  }
0x3c: {  	p2 =	seq.s32 s10, $0x1;
	s10 =	sld [smem:$0x3FBA]  }
0x3d: {  	_ =	shalt  }
0x3e: {  	_ =	shalt  }
0x3f: {  	_ =	shalt  }
0x40: {  	_ =	shalt  }
0x41: {  	_ =	shalt  }
0x42: {  	_ =	shalt  }
0x43: {  	_ =	shalt  }
0x44: {  	_ =	shalt  }
0x45: {  	_ =	shalt  }
0x46: {  	_ =	shalt  }
0x47: {  	_ =	shalt  }
0x48: {  	_ =	shalt  }
0x49: {  	_ =	shalt  }
0x4a: {  	_ =	shalt  }
0x4b: {  	_ =	shalt  }
0x4c: {  	_ =	shalt  }
0x4d: {  	_ =	shalt  }
0x4e: {  	_ =	shalt  }
0x4f: {  	_ =	shalt  }
0x50: {  	_ =	shalt  }
0x51: {  	_ =	shalt  }
0x52: {  	_ =	shalt  }
0x53: {  	_ =	shalt  }
0x54: {  	_ =	shalt  }
0x55: {  	_ =	shalt  }
0x56: {  	_ =	shalt  }
0x57: {  	_ =	shalt  }
0x58: {  	_ =	shalt  }
0x59: {  	_ =	shalt  }
0x5a: {  	_ =	shalt  }
0x5b: {  	_ =	shalt  }
0x5c: {  	_ =	shalt  }
0x5d: {  	_ =	shalt  }
0x5e: {  	_ =	shalt  }
0x5f: {  	_ =	shalt  }
0x60: {  	_ =	shalt  }
0x61: {  	_ =	shalt  }
0x62: {  	_ =	shalt  }
0x63: {  	_ =	shalt  }
0x64: {  	_ =	shalt  }
0x65: {  	_ =	shalt  }
0x66: {  	_ =	shalt  }
0x67: {  	_ =	shalt  }
0x68: {  	_ =	shalt  }
0x69: {  	_ =	shalt  }
0x6a: {  	_ =	shalt  }
0x6b: {  	_ =	shalt  }
0x6c: {  	_ =	shalt  }
0x6d: {  	_ =	shalt  }
0x6e: {  	_ =	shalt  }
0x6f: {  	_ =	shalt  }
0x70: {  	_ =	shalt  }
0x71: {  	_ =	shalt  }
0x72: {  	_ =	shalt  }
0x73: {  	_ =	shalt  }
0x74: {  	_ =	shalt  }
0x75: {  	_ =	shalt  }
0x76: {  	_ =	shalt  }
0x77: {  	_ =	shalt  }
0x78: {  	_ =	shalt  }
0x79: {  	_ =	shalt  }
0x7a: {  	_ =	shalt  }
0x7b: {  	_ =	shalt  }
0x7c: {  	_ =	shalt  }
0x7d: {  	_ =	shalt  }
0x7e: {  	_ =	shalt  }
0x7f: {  	_ =	shalt  }
0x80: {  	_ =	shalt  }
0x81: {  	_ =	shalt  }
0x82: {  	_ =	shalt  }
0x83: {  	_ =	shalt  }
0x84: {  	_ =	shalt  }
0x85: {  	_ =	shalt  }
0x86: {  	_ =	shalt  }
0x87: {  	_ =	shalt  }
.Lfunc_end0:
.L_simem_size_0:
called_computation_lowered:
.L_overlay_start_0:
0x88: {  	s2 =	sld [smem:$0x3FD9]  }
0x89: {  	s3 =	sld [smem:$0x3FFE];
	_ =	sdelay $0x1  }
0x8a: {  	s1 =	srdreg.scid  }
0x8b: {  	s0 =	sand.u32 $0x1, s1  }
0x8c: {  	s18 =	sshll.u32 s0, $0xA;
	s2 =	sadd.s32 s3, s2  }
0x8d: {  	s2 =	sadd.s32 s2, s18  }
0x8e: {  	[smem:$0x3FC6] =	sst s2  }
0x8f: {  	_ = 	snop  }
0x90: {  	s2 =	sld [smem:$0x3FC9]  }
0x91: {  	s19 =	sld [smem:$0x3FC8]  }
0x92: {  	s4 =	sld [smem:$0x3FD0];
	(tm) =	ssettm $0x1  }
0x93: {  	s5 =	sld [smem:$0x3FFB];
	_ =	sdelay $0x3  }
0x94: {  	_ =	strace s5  }
0x95: {  	s5 =	sld [smem:$0x3FFC];
	_ =	sdelay $0x3  }
0x96: {  	_ =	strace s5  }
0x97: {  	s5 =	sld [smem:$0x3FFD];
	_ =	sdelay $0x3  }
0x98: {  	_ =	strace s5  }
0x99: {  	_ =	strace $0x8FFFFFFF  }
0x9a: {  	s20 =	sld [smem:$0x3FDB];
	_ =	sdelay $0x1  }
0x9b: {  	s6 =	simm.s32 $_scs_section_size  }
0x9c: {  	s7 =	simm.s32 $_size__tile_overlayer_lowered;
	s8 =	simm.s32 $_tile_overlayer_lowered  }
0x9d: {  	s23 =	simm.s32 $0x1BFF;
	s22 =	sshll.u32 s8, $0x1;
	s5 =	sadd.s32 s6, s20  }
0x9e: {  	s9 =	simm.s32 $0x0;
	s21 =	sshll.u32 s7, $0x1;
	s7 =	sadd.s32 s22, s5  }
0x9f: {  	[timem:s9], [sflag:s23] =	dma.local [hbm:s7], s21  }
0xa0: {  	_ =	swait.ge [sflag:s23], s21  }
0xa1: {  	s6 =	ssub.s32 $0x0, s21;
	[sflag:s23] =	ssyncset.done $0x0  }
0xa2: {  	[sflag:s23] =	ssyncadd.s32 s6;
	_ =	sdelay $0x1  }
0xa3: {  	s24 =	simm.s32 $0x1B8B  }
0xa4: {  	_ =	swait.ge [sflag:s24], $0x1  }
0xa5: {  	[sflag:s24] =	ssyncset.done $0x0  }
0xa6: {  	s25 =	simm.s32 $0x1B8E;
	[sflag:s24] =	ssyncadd.s32 $0xFFFFFFFF  }
0xa7: {  	s26 =	simm.s32 $execute0_lowered;
	[smem:$0x3FD2] =	sst s25  }
0xa8: {  	s6 =	sshll.u32 s26, $0x1;
	_ =	strace $0x80000046;
	[dreg:$0x1] =	wrdreg $0xFFFFFFFF  }
0xa9: {  	s28 =	simm.s32 $_size_execute0_lowered;
	s5 =	sadd.s32 s5, s6;
	[dreg:$0x0] =	wrdreg $0x0  }
0xaa: {  	s6 =	sshll.u32 s28, $0x1;
	[dreg:$0x2] =	wrdreg s5  }
0xab: {  	[dreg:$0x3] =	wrdreg s6  }
0xac: {  	[dreg:$0x4] =	wrdreg $0xC0  }
0xad: {  	_ =	task [dreg:s9], $0x5FFFF  }
0xae: {  	[dreg:$0x1] =	wrdreg $0xFFFFFFFF  }
0xaf: {  	[dreg:$0x0] =	wrdreg $0x60  }
0xb0: {  	[dreg:$0x2] =	wrdreg s2  }
0xb1: {  	[dreg:$0x3] =	wrdreg s19  }
0xb2: {  	[dreg:$0x4] =	wrdreg s4  }
0xb3: {  	[dreg:$0x5] =	wrdreg $0x9  }
0xb4: {  	_ =	task.clear_ibuf [dreg:s9], $0x6FFFF;
	_ =	strace $0x90000046  }
0xb5: {  	s29 =	simm.s32 $0x9;
	_ =	strace $0x80000048  }
0xb6: {  	_ =	swait.ge [sflag:s29], $0x1  }
0xb7: {  	[sflag:s29] =	ssyncadd.s32 $0xFFFFFFFF  }
0xb8: {  	_ =	strace $0x90000048  }
0xb9: {  	_ =	sfence  }
0xba: {  	s30 =	sld [smem:$0x0];
	_ =	sdelay $0x2  }
0xbb: {  	s31 =	sshll.u32 s1, $0xD;
	s1 =	sshrl.u32 s1, $0x2  }
0xbc: {  	s3 =	sand.u32 $0x4000, s31;
	s1 =	sadd.s32 s1, s30  }
0xbd: {  	s0 =	sor.u32 s3, s0;
	s1 =	sshll.u32 s1, $0x11  }
0xbe: {  	s0 =	sor.u32 s1, s0  }
0xbf: {  	s0 =	sadd.s32 $0x8F2B, s0  }
0xc0: {  	[sflag:s0] =	ssyncadd.remote.s32 $0x1  }
0xc1: {  	_ =	sfence.sel $0xFFFF  }
0xc2: {  	[dreg:$0x0] =	wrdreg $0xFFFFFFFF;
	(pc) =	sbr.abs _section_cstart, $3  }
0xc3: {  	[dreg:$0x1] =	wrdreg $0xFFFFFFFF  }
0xc4: {  	_ =	task.clear_ibuf [dreg:s9], $0x2FFFF;
	_ =	strace $0x9FFFFFFF  }
0xc5: {  	(tm) =	ssettm $0x7FFFFFFF  }
tec
execute0_lowered:
.L_overlay_start_1:
0x0: {  	(tag) =	ssettag $0x1  }
0x1: {  	s0 =	rddreg [dreg:$0x0]  }
0x2: {  	s1 =	rddreg [dreg:$0x1]  }
0x3: {  	s2 =	rddreg [dreg:$0x2]  }
0x4: {  	s4 =	srdreg.scid;
	s12 =	stileid.u32  }
0x5: {  	s4 =	sand.u32 $0x1, s4;
	s6 =	sshll.u32 s12, $0x1;
	s8 =	sshll.u32 s12, $0x2  }
0x6: {  	s3 =	simm.s32 $0x0;
	s6 =	sor.u32 s4, s6;
	s9 =	sand.u32 $0x30, s8  }
0x7: {  	[smem:$0x7FF] =	sst s3;
	s0 =	sadd.s32 s0, s9;
	s13 =	sshll.u32 s6, $0x10  }
0x8: {  	_ =	strace $0x80000047;
	[dreg:$0x4] =	wrdreg s0;
	s8 =	sadd.s32 s2, s13  }
0x9: {  	s0 =	sadd.s32 $0x800, s8;
	[dreg:$0x5] =	wrdreg s8  }
0xa: {  	s14 =	sadd.s32 $0x1000, s8;
	[dreg:$0x6] =	wrdreg s0  }
0xb: {  	s15 =	sadd.s32 $0x1800, s8;
	[dreg:$0x7] =	wrdreg s14  }
0xc: {  	s16 =	sadd.s32 $0x2000, s8;
	[dreg:$0x8] =	wrdreg s15  }
0xd: {  	s17 =	sadd.s32 $0x2800, s8;
	[dreg:$0x9] =	wrdreg s16  }
0xe: {  	s18 =	sadd.s32 $0x3000, s8;
	[dreg:$0xa] =	wrdreg s17  }
0xf: {  	s19 =	sadd.s32 $0x3800, s8;
	[dreg:$0xb] =	wrdreg s18  }
0x10: {  	s20 =	sadd.s32 $0x4000, s8;
	[dreg:$0xc] =	wrdreg s19  }
0x11: {  	s21 =	sadd.s32 $0x4800, s8;
	[dreg:$0xd] =	wrdreg s20  }
0x12: {  	s5 =	ssub.s32 $0x2, s4;
	s22 =	sadd.s32 $0x5000, s8;
	[dreg:$0xe] =	wrdreg s21  }
0x13: {  	s24 =	sshll.u32 s4, $0x3;
	s2 =	sadd.s32 $0x5800, s8;
	[dreg:$0xf] =	wrdreg s22  }
0x14: {  	s7 =	sshrl.u32 s5, $0x1;
	s25 =	sadd.s32 $0x6000, s8;
	[dreg:$0x10] =	wrdreg s2  }
0x15: {  	s10 =	ssub.s32 s5, s7;
	s26 =	sadd.s32 $0x6800, s8;
	[dreg:$0x11] =	wrdreg s25  }
0x16: {  	s11 =	sand.u32 $0x7, s6;
	s4 =	smax.u32 s10, $0x1;
	[dreg:$0x13] =	wrdreg s26  }
0x17: {  	s5 =	sshll.u32 s11, $0x9;
	s10 =	sadd.s32 $0x7800, s8;
	[dreg:$0x15] =	wrdreg s4  }
0x18: {  	p0 =	seq.s32 s11, $0x0;
	s11 =	sadd.s32 $0x8000, s8;
	[dreg:$0x16] =	wrdreg s10  }
0x19: {  	s23 =	sand.u32 $0x3, s12;
	s12 =	sadd.s32 $0x8800, s8;
	[dreg:$0x17] =	wrdreg s11  }
0x1a: {  	s13 =	sadd.s32 $0x9000, s8;
	[dreg:$0x18] =	wrdreg s12  }
0x1b: {  	s2 =	sadd.s32 $0x7000, s8;
	[dreg:$0x19] =	wrdreg s13  }
0x1c: {  	s14 =	sadd.s32 $0x9800, s8;
	[dreg:$0x14] =	wrdreg s2  }
0x1d: {  	s15 =	sadd.s32 $0xA000, s8;
	[dreg:$0x1a] =	wrdreg s14  }
0x1e: {  	s28 =	simm.s32 $0x6;
	s16 =	sadd.s32 $0xA800, s8;
	[dreg:$0x1b] =	wrdreg s15  }
0x1f: {  	s29 =	simm.s32 $0xC;
	s17 =	sadd.s32 $0xB000, s8;
	[dreg:$0x1c] =	wrdreg s16  }
0x20: {  	s31 =	simm.s32 $0x0;
	s18 =	sadd.s32 $0xB800, s8;
	[dreg:$0x1d] =	wrdreg s17  }
0x21: {  	s30 =	simm.s32 $0x1000;
	s19 =	sadd.s32 $0xC000, s8;
	[dreg:$0x1e] =	wrdreg s18  }
0x22: {  	s6 =	sadd.s32 $0x100, s1;
	s20 =	sadd.s32 $0xC800, s8;
	[dreg:$0x1f] =	wrdreg s19  }
0x23: {  	s9 =	sadd.s32 $0x300, s1;
	s21 =	sadd.s32 $0xD000, s8;
	[smem:$0x7F7] =	sst s20  }
0x24: {  	s7 =	sadd.s32 $0x200, s1;
	s22 =	sadd.s32 $0xD800, s8;
	[smem:$0x7F8] =	sst s21  }
0x25: {  	s0 =	sshll.u32 s23, $0x4;
	s23 =	sadd.s32 $0xE000, s8;
	[smem:$0x7F9] =	sst s22  }
0x26: {  	s25 =	sadd.s32 $0xF000, s8;
	s26 =	sadd.s32 $0xF800, s8;
	[smem:$0x7FA] =	sst s23  }
0x27: {  	s0 =	sor.u32 s24, s0;
	s24 =	sadd.s32 $0xE800, s8;
	[smem:$0x7FC] =	sst s25  }
0x28: {  	[smem:$0x7FD] =	sst s26;
	s22 =	simm.s32 $0x1;
	s19 =	simm.s32 $0x7  }
.Ltmp0:
0x29: {  	s15 =	simm.s32 $0x2;
	s17 =	simm.s32 $0x8;
	(pc) =	sbr.rel .LBB2_1-.Ltmp0, $4  }
0x2a: {  	s18 =	simm.s32 $0x3;
	s21 =	simm.s32 $0x9;
	s23 =	simm.s32 $0x4  }
0x2b: {  	v3 =	vlaneseq.u32;
	s25 =	simm.s32 $0x5;
	s26 =	simm.s32 $0xB;
	s8 =	simm.s32 $0x9000  }
0x2c: {  	vm0 =	vmmov $0xffff;
	v0 =	vimm.s32 $0x0;
	v2 =	vshrl.u32 v3, $0x3;
	s14 =	simm.s32 $0xD000;
	s16 =	simm.s32 $0x11000;
	[dreg:$0x12] =	wrdreg s0  }
0x2d: {  	v1 =	vand.u32 $0x7, v3;
	v3 =	vor.u32 $0x8, v3;
	v2 =	vmul.u32 $0x8, v2;
	s20 =	simm.s32 $0x15000;
	[smem:$0x7FB] =	sst s24;
	s24 =	simm.s32 $0xA  }
.LBB2_4:
0x2e: {  	v8 =	vsel vm1, $0x1, v0;
	vm1 =	vne.s32 v6, $0x1  }
0x2f: {  	v6 =	vadd.s32 v8, v7;
	v7 =	vsel vm1, $0x1, v0;
	vm1 =	vne.s32 v5, $0x1  }
0x30: {  	v5 =	vadd.s32 v7, v6;
	v6 =	vsel vm1, $0x1, v0;
	vm1 =	vne.s32 v4, $0x1  }
0x31: {  	v4 =	vadd.s32 v6, v5;
	v5 =	vsel vm1, $0x1, v0  }
0x32: {  	v4 =	vadd.s32 v5, v4  }
.LBB2_5:
0x33: {  	v5 =	vld [tilespmem:s5+$0x0];
	_ =	sdelay $0x3  }
0x34: {  	(xrf0) =	vadd.scan.msk.s32 $0xffff, v4  }
0x35: {  	vm1 =	vne.s32 v5, $0x1  }
0x36: {  	v4 =	vsel vm1, $0x1, v0  }
0x37: {  	(xrf0) =	vadd.scan.msk.s32 $0xffff, v4;
	_ =	sdelay $0x2  }
0x38: {  	v4, _, _ =	vpop (xrf0)  }
0x39: {  	v5 =	vadd.s32 $0x1, v4  }
0x3a: {  	v5 =	vbroadcast v5, $0xF  }
0x3b: {  	v6, _, _ =	vpop (xrf0)  }
0x3c: {  	v5 =	vadd.s32 v6, v5  }
0x3d: {  	v5 =	vnsel vm1, $0x1, v5  }
0x3e: {  	v7 =	vshll.u32 v5, $0x3  }
0x3f: {  	v5 =	vand.u32 $0x7, v5;
	v7 =	vand.u32 $0xFFFFFFC0, v7  }
0x40: {  	v5 =	vor.u32 v5, v7  }
0x41: {  	v7 =	vperm.xlane v5, v1;
	_ =	sdelay $0x1  }
0x42: {  	v7 =	vadd.s32 v2, v7;
	_ =	sdelay $0x4  }
0x43: {  	[tilespmem:s30], [sflag:$0x1] =	stream.indirect_vreg.gather [hbm4b:s1+s3], $0x80, v7, vm0, $0xb8;
	[tilespmem:$0x19000] =	vst v63  }
0x44: {  	s0 =	simm.s32 $0x1800;
	v5 =	vperm.xlane v5, v3  }
0x45: {  	[tilespmem:s0], [sflag:$0x1] =	stream.indirect_vreg.gather [hbm4b:s6+s3], $0x80, v7, vm0, $0xb8;
	[tilespmem:$0x19000] =	vst v63  }
0x46: {  	s2 =	simm.s32 $0x2000;
	v5 =	vadd.s32 v2, v5  }
0x47: {  	[tilespmem:s2], [sflag:$0x1] =	stream.indirect_vreg.gather [hbm4b:s7+s3], $0x80, v7, vm0, $0xb8;
	[tilespmem:$0x19000] =	vst v63  }
0x48: {  	s4 =	simm.s32 $0x2800  }
0x49: {  	[tilespmem:s4], [sflag:$0x1] =	stream.indirect_vreg.gather [hbm4b:s9+s3], $0x80, v7, vm0, $0xb8;
	[tilespmem:$0x19000] =	vst v63  }
0x4a: {  	s10 =	simm.s32 $0x3000;
	(v2sf) =	vpush v4, $0xF  }
0x4b: {  	(v2sf) =	vpush v6, $0xF;
	[tilespmem:s10], [sflag:$0x1] =	stream.indirect_vreg.gather [hbm4b:s1+s3], $0x80, v5, vm0, $0xb8;
	[tilespmem:$0x19000] =	vst v63  }
0x4c: {  	s11 =	simm.s32 $0x3800  }
0x4d: {  	[tilespmem:s11], [sflag:$0x1] =	stream.indirect_vreg.gather [hbm4b:s6+s3], $0x80, v5, vm0, $0xb8;
	[tilespmem:$0x19000] =	vst v63  }
0x4e: {  	s12 =	simm.s32 $0x4000  }
0x4f: {  	[tilespmem:s12], [sflag:$0x1] =	stream.indirect_vreg.gather [hbm4b:s7+s3], $0x80, v5, vm0, $0xb8;
	[tilespmem:$0x19000] =	vst v63  }
0x50: {  	s2 =	simm.s32 $0x4800  }
0x51: {  	[tilespmem:s2], [sflag:$0x1] =	stream.indirect_vreg.gather [hbm4b:s9+s3], $0x80, v5, vm0, $0xb8;
	[tilespmem:$0x19000] =	vst v63  }
0x52: {  	v4 =	vld [tilespmem:s5+$0x10];
	_ =	sdelay $0x4  }
0x53: {  	vm1 =	vne.s32 v4, $0x1  }
0x54: {  	v4 =	vsel vm1, $0x1, v0  }
0x55: {  	s4 =	spop (v2sf);
	(xrf0) =	vadd.scan.msk.s32 $0xffff, v4  }
0x56: {  	s2 =	spop (v2sf)  }
0x57: {  	s0 =	sadd.s32 s4, s2  }
0x58: {  	v4 =	vmov s0  }
0x59: {  	v4 =	vadd.s32 $0x1, v4  }
0x5a: {  	v4 =	vbroadcast v4, $0x0  }
0x5b: {  	v5, _, _ =	vpop (xrf0)  }
0x5c: {  	v4 =	vadd.s32 v5, v4  }
0x5d: {  	v4 =	vnsel vm1, $0x1, v4  }
0x5e: {  	v34 =	vshll.u32 v4, $0x3  }
0x5f: {  	v4 =	vand.u32 $0x7, v4;
	v6 =	vand.u32 $0xFFFFFFC0, v34  }
0x60: {  	v4 =	vor.u32 v4, v6  }
0x61: {  	v6 =	vperm.xlane v4, v1;
	_ =	sdelay $0x1  }
0x62: {  	v6 =	vadd.s32 v2, v6;
	_ =	sdelay $0x3  }
0x63: {  	s4 =	simm.s32 $0x5000  }
0x64: {  	[tilespmem:s4], [sflag:$0x2] =	stream.indirect_vreg.gather [hbm4b:s1+s3], $0x80, v6, vm0, $0xb8;
	[tilespmem:$0x19000] =	vst v63  }
0x65: {  	s2 =	simm.s32 $0x5800;
	v4 =	vperm.xlane v4, v3  }
0x66: {  	[tilespmem:s2], [sflag:$0x2] =	stream.indirect_vreg.gather [hbm4b:s6+s3], $0x80, v6, vm0, $0xb8;
	[tilespmem:$0x19000] =	vst v63  }
0x67: {  	v4 =	vadd.s32 v2, v4;
	s2 =	simm.s32 $0x6000  }
0x68: {  	[tilespmem:s2], [sflag:$0x2] =	stream.indirect_vreg.gather [hbm4b:s7+s3], $0x80, v6, vm0, $0xb8;
	[tilespmem:$0x19000] =	vst v63  }
0x69: {  	s2 =	simm.s32 $0x6800  }
0x6a: {  	[tilespmem:s2], [sflag:$0x2] =	stream.indirect_vreg.gather [hbm4b:s9+s3], $0x80, v6, vm0, $0xb8;
	[tilespmem:$0x19000] =	vst v63  }
0x6b: {  	s2 =	simm.s32 $0x7000  }
0x6c: {  	(v2sf) =	vpush v5, $0xF;
	[tilespmem:s2], [sflag:$0x2] =	stream.indirect_vreg.gather [hbm4b:s1+s3], $0x80, v4, vm0, $0xb8;
	[tilespmem:$0x19000] =	vst v63  }
0x6d: {  	s2 =	simm.s32 $0x7800  }
0x6e: {  	[tilespmem:s2], [sflag:$0x2] =	stream.indirect_vreg.gather [hbm4b:s6+s3], $0x80, v4, vm0, $0xb8;
	[tilespmem:$0x19000] =	vst v63  }
0x6f: {  	s2 =	simm.s32 $0x8000  }
0x70: {  	[tilespmem:s2], [sflag:$0x2] =	stream.indirect_vreg.gather [hbm4b:s7+s3], $0x80, v4, vm0, $0xb8;
	[tilespmem:$0x19000] =	vst v63  }
0x71: {  	s2 =	simm.s32 $0x8800  }
0x72: {  	[tilespmem:s2], [sflag:$0x2] =	stream.indirect_vreg.gather [hbm4b:s9+s3], $0x80, v4, vm0, $0xb8;
	[tilespmem:$0x19000] =	vst v63  }
0x73: {  	v4 =	vld [tilespmem:s5+$0x20];
	_ =	sdelay $0x4  }
0x74: {  	vm1 =	vne.s32 v4, $0x1  }
0x75: {  	v4 =	vsel vm1, $0x1, v0  }
0x76: {  	(xrf0) =	vadd.scan.msk.s32 $0xffff, v4  }
0x77: {  	s2 =	spop (v2sf)  }
0x78: {  	s0 =	sadd.s32 s0, s2  }
0x79: {  	v4 =	vmov s0  }
0x7a: {  	v4 =	vadd.s32 $0x1, v4  }
0x7b: {  	v4 =	vbroadcast v4, $0x0  }
0x7c: {  	v5, _, _ =	vpop (xrf0)  }
0x7d: {  	v4 =	vadd.s32 v5, v4  }
0x7e: {  	v4 =	vnsel vm1, $0x1, v4  }
0x7f: {  	v35 =	vshll.u32 v4, $0x3  }
0x80: {  	v4 =	vand.u32 $0x7, v4;
	v6 =	vand.u32 $0xFFFFFFC0, v35  }
0x81: {  	v4 =	vor.u32 v4, v6  }
0x82: {  	v6 =	vperm.xlane v4, v1;
	_ =	sdelay $0x1  }
0x83: {  	v6 =	vadd.s32 v2, v6;
	_ =	sdelay $0x4  }
0x84: {  	[tilespmem:s8], [sflag:$0x3] =	stream.indirect_vreg.gather [hbm4b:s1+s3], $0x80, v6, vm0, $0xb8;
	[tilespmem:$0x19000] =	vst v63  }
0x85: {  	s2 =	simm.s32 $0x9800;
	v4 =	vperm.xlane v4, v3  }
0x86: {  	[tilespmem:s2], [sflag:$0x3] =	stream.indirect_vreg.gather [hbm4b:s6+s3], $0x80, v6, vm0, $0xb8;
	[tilespmem:$0x19000] =	vst v63  }
0x87: {  	v4 =	vadd.s32 v2, v4;
	s2 =	simm.s32 $0xA000  }
0x88: {  	[tilespmem:s2], [sflag:$0x3] =	stream.indirect_vreg.gather [hbm4b:s7+s3], $0x80, v6, vm0, $0xb8;
	[tilespmem:$0x19000] =	vst v63  }
0x89: {  	s2 =	simm.s32 $0xA800  }
0x8a: {  	[tilespmem:s2], [sflag:$0x3] =	stream.indirect_vreg.gather [hbm4b:s9+s3], $0x80, v6, vm0, $0xb8;
	[tilespmem:$0x19000] =	vst v63  }
0x8b: {  	s2 =	simm.s32 $0xB000  }
0x8c: {  	(v2sf) =	vpush v5, $0xF;
	[tilespmem:s2], [sflag:$0x3] =	stream.indirect_vreg.gather [hbm4b:s1+s3], $0x80, v4, vm0, $0xb8;
	[tilespmem:$0x19000] =	vst v63  }
0x8d: {  	s2 =	simm.s32 $0xB800  }
0x8e: {  	[tilespmem:s2], [sflag:$0x3] =	stream.indirect_vreg.gather [hbm4b:s6+s3], $0x80, v4, vm0, $0xb8;
	[tilespmem:$0x19000] =	vst v63  }
0x8f: {  	s2 =	simm.s32 $0xC000  }
0x90: {  	[tilespmem:s2], [sflag:$0x3] =	stream.indirect_vreg.gather [hbm4b:s7+s3], $0x80, v4, vm0, $0xb8;
	[tilespmem:$0x19000] =	vst v63  }
0x91: {  	s2 =	simm.s32 $0xC800  }
0x92: {  	[tilespmem:s2], [sflag:$0x3] =	stream.indirect_vreg.gather [hbm4b:s9+s3], $0x80, v4, vm0, $0xb8;
	[tilespmem:$0x19000] =	vst v63  }
0x93: {  	v4 =	vld [tilespmem:s5+$0x30];
	_ =	sdelay $0x4  }
0x94: {  	vm1 =	vne.s32 v4, $0x1  }
0x95: {  	v4 =	vsel vm1, $0x1, v0  }
0x96: {  	(xrf0) =	vadd.scan.msk.s32 $0xffff, v4  }
0x97: {  	s2 =	spop (v2sf)  }
0x98: {  	s0 =	sadd.s32 s0, s2  }
0x99: {  	v4 =	vmov s0  }
0x9a: {  	v4 =	vadd.s32 $0x1, v4  }
0x9b: {  	v4 =	vbroadcast v4, $0x0  }
0x9c: {  	v5, _, _ =	vpop (xrf0)  }
0x9d: {  	v4 =	vadd.s32 v5, v4  }
0x9e: {  	v4 =	vnsel vm1, $0x1, v4  }
0x9f: {  	v36 =	vshll.u32 v4, $0x3  }
0xa0: {  	v4 =	vand.u32 $0x7, v4;
	v6 =	vand.u32 $0xFFFFFFC0, v36  }
0xa1: {  	v4 =	vor.u32 v4, v6  }
0xa2: {  	v6 =	vperm.xlane v4, v1;
	_ =	sdelay $0x1  }
0xa3: {  	v6 =	vadd.s32 v2, v6;
	_ =	sdelay $0x4  }
0xa4: {  	[tilespmem:s14], [sflag:$0x4] =	stream.indirect_vreg.gather [hbm4b:s1+s3], $0x80, v6, vm0, $0xb8;
	[tilespmem:$0x19000] =	vst v63  }
0xa5: {  	s2 =	simm.s32 $0xD800;
	v4 =	vperm.xlane v4, v3  }
0xa6: {  	[tilespmem:s2], [sflag:$0x4] =	stream.indirect_vreg.gather [hbm4b:s6+s3], $0x80, v6, vm0, $0xb8;
	[tilespmem:$0x19000] =	vst v63  }
0xa7: {  	v4 =	vadd.s32 v2, v4;
	s2 =	simm.s32 $0xE000  }
0xa8: {  	[tilespmem:s2], [sflag:$0x4] =	stream.indirect_vreg.gather [hbm4b:s7+s3], $0x80, v6, vm0, $0xb8;
	[tilespmem:$0x19000] =	vst v63  }
0xa9: {  	s2 =	simm.s32 $0xE800  }
0xaa: {  	[tilespmem:s2], [sflag:$0x4] =	stream.indirect_vreg.gather [hbm4b:s9+s3], $0x80, v6, vm0, $0xb8;
	[tilespmem:$0x19000] =	vst v63  }
0xab: {  	s2 =	simm.s32 $0xF000  }
0xac: {  	(v2sf) =	vpush v5, $0xF;
	[tilespmem:s2], [sflag:$0x4] =	stream.indirect_vreg.gather [hbm4b:s1+s3], $0x80, v4, vm0, $0xb8;
	[tilespmem:$0x19000] =	vst v63  }
0xad: {  	s2 =	simm.s32 $0xF800  }
0xae: {  	[tilespmem:s2], [sflag:$0x4] =	stream.indirect_vreg.gather [hbm4b:s6+s3], $0x80, v4, vm0, $0xb8;
	[tilespmem:$0x19000] =	vst v63  }
0xaf: {  	s2 =	simm.s32 $0x10000  }
0xb0: {  	[tilespmem:s2], [sflag:$0x4] =	stream.indirect_vreg.gather [hbm4b:s7+s3], $0x80, v4, vm0, $0xb8;
	[tilespmem:$0x19000] =	vst v63  }
0xb1: {  	s2 =	simm.s32 $0x10800  }
0xb2: {  	[tilespmem:s2], [sflag:$0x4] =	stream.indirect_vreg.gather [hbm4b:s9+s3], $0x80, v4, vm0, $0xb8;
	[tilespmem:$0x19000] =	vst v63  }
0xb3: {  	v4 =	vld [tilespmem:s5+$0x40];
	_ =	sdelay $0x4  }
0xb4: {  	vm1 =	vne.s32 v4, $0x1  }
0xb5: {  	v4 =	vsel vm1, $0x1, v0  }
0xb6: {  	(xrf0) =	vadd.scan.msk.s32 $0xffff, v4  }
0xb7: {  	s2 =	spop (v2sf)  }
0xb8: {  	s0 =	sadd.s32 s0, s2  }
0xb9: {  	v4 =	vmov s0  }
0xba: {  	v4 =	vadd.s32 $0x1, v4  }
0xbb: {  	v4 =	vbroadcast v4, $0x0  }
0xbc: {  	v5, _, _ =	vpop (xrf0)  }
0xbd: {  	v4 =	vadd.s32 v5, v4  }
0xbe: {  	v4 =	vnsel vm1, $0x1, v4  }
0xbf: {  	v37 =	vshll.u32 v4, $0x3  }
0xc0: {  	v4 =	vand.u32 $0x7, v4;
	v6 =	vand.u32 $0xFFFFFFC0, v37  }
0xc1: {  	v4 =	vor.u32 v4, v6  }
0xc2: {  	v6 =	vperm.xlane v4, v1;
	_ =	sdelay $0x1  }
0xc3: {  	v6 =	vadd.s32 v2, v6;
	_ =	sdelay $0x4  }
0xc4: {  	[tilespmem:s16], [sflag:$0x5] =	stream.indirect_vreg.gather [hbm4b:s1+s3], $0x80, v6, vm0, $0xb8;
	[tilespmem:$0x19000] =	vst v63  }
0xc5: {  	s2 =	simm.s32 $0x11800;
	v4 =	vperm.xlane v4, v3  }
0xc6: {  	[tilespmem:s2], [sflag:$0x5] =	stream.indirect_vreg.gather [hbm4b:s6+s3], $0x80, v6, vm0, $0xb8;
	[tilespmem:$0x19000] =	vst v63  }
0xc7: {  	v4 =	vadd.s32 v2, v4;
	s2 =	simm.s32 $0x12000  }
0xc8: {  	[tilespmem:s2], [sflag:$0x5] =	stream.indirect_vreg.gather [hbm4b:s7+s3], $0x80, v6, vm0, $0xb8;
	[tilespmem:$0x19000] =	vst v63  }
0xc9: {  	s2 =	simm.s32 $0x12800  }
0xca: {  	[tilespmem:s2], [sflag:$0x5] =	stream.indirect_vreg.gather [hbm4b:s9+s3], $0x80, v6, vm0, $0xb8;
	[tilespmem:$0x19000] =	vst v63  }
0xcb: {  	s2 =	simm.s32 $0x13000  }
0xcc: {  	(v2sf) =	vpush v5, $0xF;
	[tilespmem:s2], [sflag:$0x5] =	stream.indirect_vreg.gather [hbm4b:s1+s3], $0x80, v4, vm0, $0xb8;
	[tilespmem:$0x19000] =	vst v63  }
0xcd: {  	s2 =	simm.s32 $0x13800  }
0xce: {  	[tilespmem:s2], [sflag:$0x5] =	stream.indirect_vreg.gather [hbm4b:s6+s3], $0x80, v4, vm0, $0xb8;
	[tilespmem:$0x19000] =	vst v63  }
0xcf: {  	s2 =	simm.s32 $0x14000  }
0xd0: {  	[tilespmem:s2], [sflag:$0x5] =	stream.indirect_vreg.gather [hbm4b:s7+s3], $0x80, v4, vm0, $0xb8;
	[tilespmem:$0x19000] =	vst v63  }
0xd1: {  	s2 =	simm.s32 $0x14800  }
0xd2: {  	[tilespmem:s2], [sflag:$0x5] =	stream.indirect_vreg.gather [hbm4b:s9+s3], $0x80, v4, vm0, $0xb8;
	[tilespmem:$0x19000] =	vst v63  }
0xd3: {  	v4 =	vld [tilespmem:s5+$0x50];
	_ =	sdelay $0x4  }
0xd4: {  	vm1 =	vne.s32 v4, $0x1  }
0xd5: {  	v4 =	vsel vm1, $0x1, v0  }
0xd6: {  	(xrf0) =	vadd.scan.msk.s32 $0xffff, v4  }
0xd7: {  	s2 =	spop (v2sf)  }
0xd8: {  	s0 =	sadd.s32 s0, s2  }
0xd9: {  	v4 =	vmov s0  }
0xda: {  	v4 =	vadd.s32 $0x1, v4  }
0xdb: {  	v4 =	vbroadcast v4, $0x0  }
0xdc: {  	v5, _, _ =	vpop (xrf0)  }
0xdd: {  	v4 =	vadd.s32 v5, v4  }
0xde: {  	v4 =	vnsel vm1, $0x1, v4  }
0xdf: {  	v38 =	vshll.u32 v4, $0x3  }
0xe0: {  	v4 =	vand.u32 $0x7, v4;
	v6 =	vand.u32 $0xFFFFFFC0, v38  }
0xe1: {  	v4 =	vor.u32 v4, v6  }
0xe2: {  	v6 =	vperm.xlane v4, v1;
	_ =	sdelay $0x1  }
0xe3: {  	v6 =	vadd.s32 v2, v6;
	_ =	sdelay $0x4  }
0xe4: {  	[tilespmem:s20], [sflag:$0x6] =	stream.indirect_vreg.gather [hbm4b:s1+s3], $0x80, v6, vm0, $0xb8;
	[tilespmem:$0x19000] =	vst v63  }
0xe5: {  	s2 =	simm.s32 $0x15800;
	v4 =	vperm.xlane v4, v3  }
0xe6: {  	[tilespmem:s2], [sflag:$0x6] =	stream.indirect_vreg.gather [hbm4b:s6+s3], $0x80, v6, vm0, $0xb8;
	[tilespmem:$0x19000] =	vst v63  }
0xe7: {  	v4 =	vadd.s32 v2, v4;
	s2 =	simm.s32 $0x16000  }
0xe8: {  	[tilespmem:s2], [sflag:$0x6] =	stream.indirect_vreg.gather [hbm4b:s7+s3], $0x80, v6, vm0, $0xb8;
	[tilespmem:$0x19000] =	vst v63  }
0xe9: {  	s2 =	simm.s32 $0x16800  }
0xea: {  	[tilespmem:s2], [sflag:$0x6] =	stream.indirect_vreg.gather [hbm4b:s9+s3], $0x80, v6, vm0, $0xb8;
	[tilespmem:$0x19000] =	vst v63  }
0xeb: {  	s2 =	simm.s32 $0x17000  }
0xec: {  	[tilespmem:s2], [sflag:$0x6] =	stream.indirect_vreg.gather [hbm4b:s1+s3], $0x80, v4, vm0, $0xb8;
	[tilespmem:$0x19000] =	vst v63  }
0xed: {  	s2 =	simm.s32 $0x17800  }
0xee: {  	[tilespmem:s2], [sflag:$0x6] =	stream.indirect_vreg.gather [hbm4b:s6+s3], $0x80, v4, vm0, $0xb8;
	[tilespmem:$0x19000] =	vst v63  }
0xef: {  	s2 =	simm.s32 $0x18000  }
0xf0: {  	[tilespmem:s2], [sflag:$0x6] =	stream.indirect_vreg.gather [hbm4b:s7+s3], $0x80, v4, vm0, $0xb8;
	[tilespmem:$0x19000] =	vst v63  }
0xf1: {  	s2 =	simm.s32 $0x18800  }
0xf2: {  	[tilespmem:s2], [sflag:$0x6] =	stream.indirect_vreg.gather [hbm4b:s9+s3], $0x80, v4, vm0, $0xb8;
	[tilespmem:$0x19000] =	vst v63  }
0xf3: {  	_ =	swait.ge [sflag:s22], $0x4000  }
0xf4: {  	(v2sf) =	vpush v5, $0xF;
	_ =	sdelay $0x3  }
0xf5: {  	[sflag:s22] =	ssyncset.done $0x0  }
0xf6: {  	s2 =	rddreg [dreg:$0x5];
	[sflag:s22] =	ssyncadd.s32 $0xFFFFC000  }
0xf7: {  	[hbm4b:s2+s3] =	stream.linear.scatter [tilespmem:s30], [sflag:$0x7], $0x4000, $0x38;
	[tilespmem:$0x19000] =	vst v63  }
0xf8: {  	v4 =	vld [tilespmem:s5+$0x60];
	_ =	sdelay $0x4  }
0xf9: {  	vm1 =	vne.s32 v4, $0x1  }
0xfa: {  	v4 =	vsel vm1, $0x1, v0  }
0xfb: {  	(xrf0) =	vadd.scan.msk.s32 $0xffff, v4  }
0xfc: {  	s2 =	spop (v2sf)  }
0xfd: {  	s0 =	sadd.s32 s0, s2  }
0xfe: {  	v4 =	vmov s0  }
0xff: {  	v4 =	vadd.s32 $0x1, v4  }
0x100: {  	v4 =	vbroadcast v4, $0x0  }
0x101: {  	v5, _, _ =	vpop (xrf0)  }
0x102: {  	v4 =	vadd.s32 v5, v4  }
0x103: {  	v4 =	vnsel vm1, $0x1, v4  }
0x104: {  	v39 =	vshll.u32 v4, $0x3  }
0x105: {  	v4 =	vand.u32 $0x7, v4;
	v6 =	vand.u32 $0xFFFFFFC0, v39  }
0x106: {  	v4 =	vor.u32 v4, v6  }
0x107: {  	v6 =	vperm.xlane v4, v1;
	_ =	sdelay $0x1  }
0x108: {  	v6 =	vadd.s32 v2, v6;
	_ =	sdelay $0x1  }
0x109: {  	_ =	swait.ge [sflag:s19], $0x4000  }
0x10a: {  	[sflag:s19] =	ssyncset.done $0x0  }
0x10b: {  	[sflag:s19] =	ssyncadd.s32 $0xFFFFC000  }
0x10c: {  	[tilespmem:s30], [sflag:$0x1] =	stream.indirect_vreg.gather [hbm4b:s1+s3], $0x80, v6, vm0, $0xb8;
	[tilespmem:$0x19000] =	vst v63  }
0x10d: {  	s2 =	simm.s32 $0x1800;
	v4 =	vperm.xlane v4, v3  }
0x10e: {  	[tilespmem:s2], [sflag:$0x1] =	stream.indirect_vreg.gather [hbm4b:s6+s3], $0x80, v6, vm0, $0xb8;
	[tilespmem:$0x19000] =	vst v63  }
0x10f: {  	v4 =	vadd.s32 v2, v4;
	s2 =	simm.s32 $0x2000  }
0x110: {  	[tilespmem:s2], [sflag:$0x1] =	stream.indirect_vreg.gather [hbm4b:s7+s3], $0x80, v6, vm0, $0xb8;
	[tilespmem:$0x19000] =	vst v63  }
0x111: {  	s2 =	simm.s32 $0x2800  }
0x112: {  	[tilespmem:s2], [sflag:$0x1] =	stream.indirect_vreg.gather [hbm4b:s9+s3], $0x80, v6, vm0, $0xb8;
	[tilespmem:$0x19000] =	vst v63  }
0x113: {  	s13 =	simm.s32 $0x3000  }
0x114: {  	[tilespmem:s13], [sflag:$0x1] =	stream.indirect_vreg.gather [hbm4b:s1+s3], $0x80, v4, vm0, $0xb8;
	[tilespmem:$0x19000] =	vst v63  }
0x115: {  	s11 =	simm.s32 $0x3800  }
0x116: {  	[tilespmem:s11], [sflag:$0x1] =	stream.indirect_vreg.gather [hbm4b:s6+s3], $0x80, v4, vm0, $0xb8;
	[tilespmem:$0x19000] =	vst v63  }
0x117: {  	s12 =	simm.s32 $0x4000  }
0x118: {  	[tilespmem:s12], [sflag:$0x1] =	stream.indirect_vreg.gather [hbm4b:s7+s3], $0x80, v4, vm0, $0xb8;
	[tilespmem:$0x19000] =	vst v63  }
0x119: {  	s10 =	simm.s32 $0x4800  }
0x11a: {  	[tilespmem:s10], [sflag:$0x1] =	stream.indirect_vreg.gather [hbm4b:s9+s3], $0x80, v4, vm0, $0xb8;
	[tilespmem:$0x19000] =	vst v63  }
0x11b: {  	_ =	swait.ge [sflag:s15], $0x4000  }
0x11c: {  	(v2sf) =	vpush v5, $0xF;
	_ =	sdelay $0x3  }
0x11d: {  	[sflag:s15] =	ssyncset.done $0x0  }
0x11e: {  	s11 =	rddreg [dreg:$0x6];
	[sflag:s15] =	ssyncadd.s32 $0xFFFFC000  }
0x11f: {  	[hbm4b:s11+s3] =	stream.linear.scatter [tilespmem:s4], [sflag:$0x8], $0x4000, $0x38;
	[tilespmem:$0x19000] =	vst v63  }
0x120: {  	v4 =	vld [tilespmem:s5+$0x70];
	_ =	sdelay $0x4  }
0x121: {  	vm1 =	vne.s32 v4, $0x1  }
0x122: {  	v4 =	vsel vm1, $0x1, v0  }
0x123: {  	(xrf0) =	vadd.scan.msk.s32 $0xffff, v4  }
0x124: {  	s12 =	spop (v2sf)  }
0x125: {  	s0 =	sadd.s32 s0, s12  }
0x126: {  	v4 =	vmov s0  }
0x127: {  	v4 =	vadd.s32 $0x1, v4  }
0x128: {  	v4 =	vbroadcast v4, $0x0  }
0x129: {  	v5, _, _ =	vpop (xrf0)  }
0x12a: {  	v4 =	vadd.s32 v5, v4  }
0x12b: {  	v4 =	vnsel vm1, $0x1, v4  }
0x12c: {  	v40 =	vshll.u32 v4, $0x3  }
0x12d: {  	v4 =	vand.u32 $0x7, v4;
	v6 =	vand.u32 $0xFFFFFFC0, v40  }
0x12e: {  	v4 =	vor.u32 v4, v6  }
0x12f: {  	v6 =	vperm.xlane v4, v1;
	_ =	sdelay $0x1  }
0x130: {  	v6 =	vadd.s32 v2, v6;
	_ =	sdelay $0x1  }
0x131: {  	_ =	swait.ge [sflag:s17], $0x4000  }
0x132: {  	[sflag:s17] =	ssyncset.done $0x0  }
0x133: {  	[sflag:s17] =	ssyncadd.s32 $0xFFFFC000  }
0x134: {  	[tilespmem:s4], [sflag:$0x2] =	stream.indirect_vreg.gather [hbm4b:s1+s3], $0x80, v6, vm0, $0xb8;
	[tilespmem:$0x19000] =	vst v63  }
0x135: {  	s13 =	simm.s32 $0x5800;
	v4 =	vperm.xlane v4, v3  }
0x136: {  	[tilespmem:s13], [sflag:$0x2] =	stream.indirect_vreg.gather [hbm4b:s6+s3], $0x80, v6, vm0, $0xb8;
	[tilespmem:$0x19000] =	vst v63  }
0x137: {  	s10 =	simm.s32 $0x6000;
	v4 =	vadd.s32 v2, v4  }
0x138: {  	[tilespmem:s10], [sflag:$0x2] =	stream.indirect_vreg.gather [hbm4b:s7+s3], $0x80, v6, vm0, $0xb8;
	[tilespmem:$0x19000] =	vst v63  }
0x139: {  	s12 =	simm.s32 $0x6800  }
0x13a: {  	[tilespmem:s12], [sflag:$0x2] =	stream.indirect_vreg.gather [hbm4b:s9+s3], $0x80, v6, vm0, $0xb8;
	[tilespmem:$0x19000] =	vst v63  }
0x13b: {  	s13 =	simm.s32 $0x7000  }
0x13c: {  	[tilespmem:s13], [sflag:$0x2] =	stream.indirect_vreg.gather [hbm4b:s1+s3], $0x80, v4, vm0, $0xb8;
	[tilespmem:$0x19000] =	vst v63  }
0x13d: {  	s2 =	simm.s32 $0x7800  }
0x13e: {  	[tilespmem:s2], [sflag:$0x2] =	stream.indirect_vreg.gather [hbm4b:s6+s3], $0x80, v4, vm0, $0xb8;
	[tilespmem:$0x19000] =	vst v63  }
0x13f: {  	s2 =	simm.s32 $0x8000  }
0x140: {  	[tilespmem:s2], [sflag:$0x2] =	stream.indirect_vreg.gather [hbm4b:s7+s3], $0x80, v4, vm0, $0xb8;
	[tilespmem:$0x19000] =	vst v63  }
0x141: {  	s2 =	simm.s32 $0x8800  }
0x142: {  	[tilespmem:s2], [sflag:$0x2] =	stream.indirect_vreg.gather [hbm4b:s9+s3], $0x80, v4, vm0, $0xb8;
	[tilespmem:$0x19000] =	vst v63  }
0x143: {  	_ =	swait.ge [sflag:s18], $0x4000  }
0x144: {  	(v2sf) =	vpush v5, $0xF;
	_ =	sdelay $0x3  }
0x145: {  	[sflag:s18] =	ssyncset.done $0x0  }
0x146: {  	s2 =	rddreg [dreg:$0x7];
	[sflag:s18] =	ssyncadd.s32 $0xFFFFC000  }
0x147: {  	[hbm4b:s2+s3] =	stream.linear.scatter [tilespmem:s8], [sflag:$0x9], $0x4000, $0x38;
	[tilespmem:$0x19000] =	vst v63  }
0x148: {  	v4 =	vld [tilespmem:s5+$0x80];
	_ =	sdelay $0x4  }
0x149: {  	vm1 =	vne.s32 v4, $0x1  }
0x14a: {  	v4 =	vsel vm1, $0x1, v0  }
0x14b: {  	(xrf0) =	vadd.scan.msk.s32 $0xffff, v4  }
0x14c: {  	s2 =	spop (v2sf)  }
0x14d: {  	s0 =	sadd.s32 s0, s2  }
0x14e: {  	v4 =	vmov s0  }
0x14f: {  	v4 =	vadd.s32 $0x1, v4  }
0x150: {  	v4 =	vbroadcast v4, $0x0  }
0x151: {  	v5, _, _ =	vpop (xrf0)  }
0x152: {  	v4 =	vadd.s32 v5, v4  }
0x153: {  	v4 =	vnsel vm1, $0x1, v4  }
0x154: {  	v41 =	vshll.u32 v4, $0x3  }
0x155: {  	v4 =	vand.u32 $0x7, v4;
	v6 =	vand.u32 $0xFFFFFFC0, v41  }
0x156: {  	v4 =	vor.u32 v4, v6  }
0x157: {  	v6 =	vperm.xlane v4, v1;
	_ =	sdelay $0x1  }
0x158: {  	v6 =	vadd.s32 v2, v6;
	_ =	sdelay $0x1  }
0x159: {  	_ =	swait.ge [sflag:s21], $0x4000  }
0x15a: {  	[sflag:s21] =	ssyncset.done $0x0  }
0x15b: {  	[sflag:s21] =	ssyncadd.s32 $0xFFFFC000  }
0x15c: {  	[tilespmem:s8], [sflag:$0x3] =	stream.indirect_vreg.gather [hbm4b:s1+s3], $0x80, v6, vm0, $0xb8;
	[tilespmem:$0x19000] =	vst v63  }
0x15d: {  	s2 =	simm.s32 $0x9800;
	v4 =	vperm.xlane v4, v3  }
0x15e: {  	[tilespmem:s2], [sflag:$0x3] =	stream.indirect_vreg.gather [hbm4b:s6+s3], $0x80, v6, vm0, $0xb8;
	[tilespmem:$0x19000] =	vst v63  }
0x15f: {  	v4 =	vadd.s32 v2, v4;
	s2 =	simm.s32 $0xA000  }
0x160: {  	[tilespmem:s2], [sflag:$0x3] =	stream.indirect_vreg.gather [hbm4b:s7+s3], $0x80, v6, vm0, $0xb8;
	[tilespmem:$0x19000] =	vst v63  }
0x161: {  	s2 =	simm.s32 $0xA800  }
0x162: {  	[tilespmem:s2], [sflag:$0x3] =	stream.indirect_vreg.gather [hbm4b:s9+s3], $0x80, v6, vm0, $0xb8;
	[tilespmem:$0x19000] =	vst v63  }
0x163: {  	s2 =	simm.s32 $0xB000  }
0x164: {  	[tilespmem:s2], [sflag:$0x3] =	stream.indirect_vreg.gather [hbm4b:s1+s3], $0x80, v4, vm0, $0xb8;
	[tilespmem:$0x19000] =	vst v63  }
0x165: {  	s2 =	simm.s32 $0xB800  }
0x166: {  	[tilespmem:s2], [sflag:$0x3] =	stream.indirect_vreg.gather [hbm4b:s6+s3], $0x80, v4, vm0, $0xb8;
	[tilespmem:$0x19000] =	vst v63  }
0x167: {  	s2 =	simm.s32 $0xC000  }
0x168: {  	[tilespmem:s2], [sflag:$0x3] =	stream.indirect_vreg.gather [hbm4b:s7+s3], $0x80, v4, vm0, $0xb8;
	[tilespmem:$0x19000] =	vst v63  }
0x169: {  	s2 =	simm.s32 $0xC800  }
0x16a: {  	[tilespmem:s2], [sflag:$0x3] =	stream.indirect_vreg.gather [hbm4b:s9+s3], $0x80, v4, vm0, $0xb8;
	[tilespmem:$0x19000] =	vst v63  }
0x16b: {  	_ =	swait.ge [sflag:s23], $0x4000  }
0x16c: {  	(v2sf) =	vpush v5, $0xF;
	_ =	sdelay $0x3  }
0x16d: {  	[sflag:s23] =	ssyncset.done $0x0  }
0x16e: {  	s2 =	rddreg [dreg:$0x8];
	[sflag:s23] =	ssyncadd.s32 $0xFFFFC000  }
0x16f: {  	[hbm4b:s2+s3] =	stream.linear.scatter [tilespmem:s14], [sflag:$0xA], $0x4000, $0x38;
	[tilespmem:$0x19000] =	vst v63  }
0x170: {  	v4 =	vld [tilespmem:s5+$0x90];
	_ =	sdelay $0x4  }
0x171: {  	vm1 =	vne.s32 v4, $0x1  }
0x172: {  	v4 =	vsel vm1, $0x1, v0  }
0x173: {  	(xrf0) =	vadd.scan.msk.s32 $0xffff, v4  }
0x174: {  	s2 =	spop (v2sf)  }
0x175: {  	s0 =	sadd.s32 s0, s2  }
0x176: {  	v4 =	vmov s0  }
0x177: {  	v4 =	vadd.s32 $0x1, v4  }
0x178: {  	v4 =	vbroadcast v4, $0x0  }
0x179: {  	v5, _, _ =	vpop (xrf0)  }
0x17a: {  	v4 =	vadd.s32 v5, v4  }
0x17b: {  	v4 =	vnsel vm1, $0x1, v4  }
0x17c: {  	v42 =	vshll.u32 v4, $0x3  }
0x17d: {  	v4 =	vand.u32 $0x7, v4;
	v6 =	vand.u32 $0xFFFFFFC0, v42  }
0x17e: {  	v4 =	vor.u32 v4, v6  }
0x17f: {  	v6 =	vperm.xlane v4, v1;
	_ =	sdelay $0x1  }
0x180: {  	v6 =	vadd.s32 v2, v6;
	_ =	sdelay $0x1  }
0x181: {  	_ =	swait.ge [sflag:s24], $0x4000  }
0x182: {  	[sflag:s24] =	ssyncset.done $0x0  }
0x183: {  	[sflag:s24] =	ssyncadd.s32 $0xFFFFC000  }
0x184: {  	[tilespmem:s14], [sflag:$0x4] =	stream.indirect_vreg.gather [hbm4b:s1+s3], $0x80, v6, vm0, $0xb8;
	[tilespmem:$0x19000] =	vst v63  }
0x185: {  	s2 =	simm.s32 $0xD800;
	v4 =	vperm.xlane v4, v3  }
0x186: {  	[tilespmem:s2], [sflag:$0x4] =	stream.indirect_vreg.gather [hbm4b:s6+s3], $0x80, v6, vm0, $0xb8;
	[tilespmem:$0x19000] =	vst v63  }
0x187: {  	v4 =	vadd.s32 v2, v4;
	s2 =	simm.s32 $0xE000  }
0x188: {  	[tilespmem:s2], [sflag:$0x4] =	stream.indirect_vreg.gather [hbm4b:s7+s3], $0x80, v6, vm0, $0xb8;
	[tilespmem:$0x19000] =	vst v63  }
0x189: {  	s2 =	simm.s32 $0xE800  }
0x18a: {  	[tilespmem:s2], [sflag:$0x4] =	stream.indirect_vreg.gather [hbm4b:s9+s3], $0x80, v6, vm0, $0xb8;
	[tilespmem:$0x19000] =	vst v63  }
0x18b: {  	s2 =	simm.s32 $0xF000  }
0x18c: {  	[tilespmem:s2], [sflag:$0x4] =	stream.indirect_vreg.gather [hbm4b:s1+s3], $0x80, v4, vm0, $0xb8;
	[tilespmem:$0x19000] =	vst v63  }
0x18d: {  	s2 =	simm.s32 $0xF800  }
0x18e: {  	[tilespmem:s2], [sflag:$0x4] =	stream.indirect_vreg.gather [hbm4b:s6+s3], $0x80, v4, vm0, $0xb8;
	[tilespmem:$0x19000] =	vst v63  }
0x18f: {  	s2 =	simm.s32 $0x10000  }
0x190: {  	[tilespmem:s2], [sflag:$0x4] =	stream.indirect_vreg.gather [hbm4b:s7+s3], $0x80, v4, vm0, $0xb8;
	[tilespmem:$0x19000] =	vst v63  }
0x191: {  	s2 =	simm.s32 $0x10800  }
0x192: {  	[tilespmem:s2], [sflag:$0x4] =	stream.indirect_vreg.gather [hbm4b:s9+s3], $0x80, v4, vm0, $0xb8;
	[tilespmem:$0x19000] =	vst v63  }
0x193: {  	_ =	swait.ge [sflag:s25], $0x4000  }
0x194: {  	(v2sf) =	vpush v5, $0xF;
	_ =	sdelay $0x3  }
0x195: {  	[sflag:s25] =	ssyncset.done $0x0  }
0x196: {  	s2 =	rddreg [dreg:$0x9];
	[sflag:s25] =	ssyncadd.s32 $0xFFFFC000  }
0x197: {  	[hbm4b:s2+s3] =	stream.linear.scatter [tilespmem:s16], [sflag:$0xB], $0x4000, $0x38;
	[tilespmem:$0x19000] =	vst v63  }
0x198: {  	v4 =	vld [tilespmem:s5+$0xA0];
	_ =	sdelay $0x4  }
0x199: {  	vm1 =	vne.s32 v4, $0x1  }
0x19a: {  	v4 =	vsel vm1, $0x1, v0  }
0x19b: {  	(xrf0) =	vadd.scan.msk.s32 $0xffff, v4  }
0x19c: {  	s2 =	spop (v2sf)  }
0x19d: {  	s0 =	sadd.s32 s0, s2  }
0x19e: {  	v4 =	vmov s0  }
0x19f: {  	v4 =	vadd.s32 $0x1, v4  }
0x1a0: {  	v4 =	vbroadcast v4, $0x0  }
0x1a1: {  	v5, _, _ =	vpop (xrf0)  }
0x1a2: {  	v4 =	vadd.s32 v5, v4  }
0x1a3: {  	v4 =	vnsel vm1, $0x1, v4  }
0x1a4: {  	v43 =	vshll.u32 v4, $0x3  }
0x1a5: {  	v4 =	vand.u32 $0x7, v4;
	v6 =	vand.u32 $0xFFFFFFC0, v43  }
0x1a6: {  	v4 =	vor.u32 v4, v6  }
0x1a7: {  	v6 =	vperm.xlane v4, v1;
	_ =	sdelay $0x1  }
0x1a8: {  	v6 =	vadd.s32 v2, v6;
	_ =	sdelay $0x1  }
0x1a9: {  	_ =	swait.ge [sflag:s26], $0x4000  }
0x1aa: {  	[sflag:s26] =	ssyncset.done $0x0  }
0x1ab: {  	[sflag:s26] =	ssyncadd.s32 $0xFFFFC000  }
0x1ac: {  	[tilespmem:s16], [sflag:$0x5] =	stream.indirect_vreg.gather [hbm4b:s1+s3], $0x80, v6, vm0, $0xb8;
	[tilespmem:$0x19000] =	vst v63  }
0x1ad: {  	s2 =	simm.s32 $0x11800;
	v4 =	vperm.xlane v4, v3  }
0x1ae: {  	[tilespmem:s2], [sflag:$0x5] =	stream.indirect_vreg.gather [hbm4b:s6+s3], $0x80, v6, vm0, $0xb8;
	[tilespmem:$0x19000] =	vst v63  }
0x1af: {  	v4 =	vadd.s32 v2, v4;
	s2 =	simm.s32 $0x12000  }
0x1b0: {  	[tilespmem:s2], [sflag:$0x5] =	stream.indirect_vreg.gather [hbm4b:s7+s3], $0x80, v6, vm0, $0xb8;
	[tilespmem:$0x19000] =	vst v63  }
0x1b1: {  	s2 =	simm.s32 $0x12800  }
0x1b2: {  	[tilespmem:s2], [sflag:$0x5] =	stream.indirect_vreg.gather [hbm4b:s9+s3], $0x80, v6, vm0, $0xb8;
	[tilespmem:$0x19000] =	vst v63  }
0x1b3: {  	s2 =	simm.s32 $0x13000  }
0x1b4: {  	[tilespmem:s2], [sflag:$0x5] =	stream.indirect_vreg.gather [hbm4b:s1+s3], $0x80, v4, vm0, $0xb8;
	[tilespmem:$0x19000] =	vst v63  }
0x1b5: {  	s2 =	simm.s32 $0x13800  }
0x1b6: {  	[tilespmem:s2], [sflag:$0x5] =	stream.indirect_vreg.gather [hbm4b:s6+s3], $0x80, v4, vm0, $0xb8;
	[tilespmem:$0x19000] =	vst v63  }
0x1b7: {  	s2 =	simm.s32 $0x14000  }
0x1b8: {  	[tilespmem:s2], [sflag:$0x5] =	stream.indirect_vreg.gather [hbm4b:s7+s3], $0x80, v4, vm0, $0xb8;
	[tilespmem:$0x19000] =	vst v63  }
0x1b9: {  	s2 =	simm.s32 $0x14800  }
0x1ba: {  	[tilespmem:s2], [sflag:$0x5] =	stream.indirect_vreg.gather [hbm4b:s9+s3], $0x80, v4, vm0, $0xb8;
	[tilespmem:$0x19000] =	vst v63  }
0x1bb: {  	_ =	swait.ge [sflag:s28], $0x4000  }
0x1bc: {  	(v2sf) =	vpush v5, $0xF;
	_ =	sdelay $0x3  }
0x1bd: {  	[sflag:s28] =	ssyncset.done $0x0  }
0x1be: {  	s2 =	rddreg [dreg:$0xa];
	[sflag:s28] =	ssyncadd.s32 $0xFFFFC000  }
0x1bf: {  	[hbm4b:s2+s3] =	stream.linear.scatter [tilespmem:s20], [sflag:$0xC], $0x4000, $0x38;
	[tilespmem:$0x19000] =	vst v63  }
0x1c0: {  	v4 =	vld [tilespmem:s5+$0xB0];
	_ =	sdelay $0x4  }
0x1c1: {  	vm1 =	vne.s32 v4, $0x1  }
0x1c2: {  	v4 =	vsel vm1, $0x1, v0  }
0x1c3: {  	(xrf0) =	vadd.scan.msk.s32 $0xffff, v4  }
0x1c4: {  	s2 =	spop (v2sf)  }
0x1c5: {  	s0 =	sadd.s32 s0, s2  }
0x1c6: {  	v4 =	vmov s0  }
0x1c7: {  	v4 =	vadd.s32 $0x1, v4  }
0x1c8: {  	v4 =	vbroadcast v4, $0x0  }
0x1c9: {  	v5, _, _ =	vpop (xrf0)  }
0x1ca: {  	v4 =	vadd.s32 v5, v4  }
0x1cb: {  	v4 =	vnsel vm1, $0x1, v4  }
0x1cc: {  	v44 =	vshll.u32 v4, $0x3  }
0x1cd: {  	v4 =	vand.u32 $0x7, v4;
	v6 =	vand.u32 $0xFFFFFFC0, v44  }
0x1ce: {  	v4 =	vor.u32 v4, v6  }
0x1cf: {  	v6 =	vperm.xlane v4, v1;
	_ =	sdelay $0x1  }
0x1d0: {  	v6 =	vadd.s32 v2, v6;
	_ =	sdelay $0x1  }
0x1d1: {  	_ =	swait.ge [sflag:s29], $0x4000  }
0x1d2: {  	[sflag:s29] =	ssyncset.done $0x0  }
0x1d3: {  	[sflag:s29] =	ssyncadd.s32 $0xFFFFC000  }
0x1d4: {  	[tilespmem:s20], [sflag:$0x6] =	stream.indirect_vreg.gather [hbm4b:s1+s3], $0x80, v6, vm0, $0xb8;
	[tilespmem:$0x19000] =	vst v63  }
0x1d5: {  	s2 =	simm.s32 $0x15800;
	v4 =	vperm.xlane v4, v3  }
0x1d6: {  	[tilespmem:s2], [sflag:$0x6] =	stream.indirect_vreg.gather [hbm4b:s6+s3], $0x80, v6, vm0, $0xb8;
	[tilespmem:$0x19000] =	vst v63  }
0x1d7: {  	v4 =	vadd.s32 v2, v4;
	s2 =	simm.s32 $0x16000  }
0x1d8: {  	[tilespmem:s2], [sflag:$0x6] =	stream.indirect_vreg.gather [hbm4b:s7+s3], $0x80, v6, vm0, $0xb8;
	[tilespmem:$0x19000] =	vst v63  }
0x1d9: {  	s2 =	simm.s32 $0x16800  }
0x1da: {  	[tilespmem:s2], [sflag:$0x6] =	stream.indirect_vreg.gather [hbm4b:s9+s3], $0x80, v6, vm0, $0xb8;
	[tilespmem:$0x19000] =	vst v63  }
0x1db: {  	s2 =	simm.s32 $0x17000  }
0x1dc: {  	[tilespmem:s2], [sflag:$0x6] =	stream.indirect_vreg.gather [hbm4b:s1+s3], $0x80, v4, vm0, $0xb8;
	[tilespmem:$0x19000] =	vst v63  }
0x1dd: {  	s2 =	simm.s32 $0x17800  }
0x1de: {  	[tilespmem:s2], [sflag:$0x6] =	stream.indirect_vreg.gather [hbm4b:s6+s3], $0x80, v4, vm0, $0xb8;
	[tilespmem:$0x19000] =	vst v63  }
0x1df: {  	s2 =	simm.s32 $0x18000  }
0x1e0: {  	[tilespmem:s2], [sflag:$0x6] =	stream.indirect_vreg.gather [hbm4b:s7+s3], $0x80, v4, vm0, $0xb8;
	[tilespmem:$0x19000] =	vst v63  }
0x1e1: {  	s2 =	simm.s32 $0x18800  }
0x1e2: {  	[tilespmem:s2], [sflag:$0x6] =	stream.indirect_vreg.gather [hbm4b:s9+s3], $0x80, v4, vm0, $0xb8;
	[tilespmem:$0x19000] =	vst v63  }
0x1e3: {  	_ =	swait.ge [sflag:s22], $0x4000  }
0x1e4: {  	(v2sf) =	vpush v5, $0xF;
	_ =	sdelay $0x3  }
0x1e5: {  	[sflag:s22] =	ssyncset.done $0x0  }
0x1e6: {  	s2 =	rddreg [dreg:$0xb];
	[sflag:s22] =	ssyncadd.s32 $0xFFFFC000  }
0x1e7: {  	[hbm4b:s2+s3] =	stream.linear.scatter [tilespmem:s30], [sflag:$0x7], $0x4000, $0x38;
	[tilespmem:$0x19000] =	vst v63  }
0x1e8: {  	v4 =	vld [tilespmem:s5+$0xC0];
	_ =	sdelay $0x4  }
0x1e9: {  	vm1 =	vne.s32 v4, $0x1  }
0x1ea: {  	v4 =	vsel vm1, $0x1, v0  }
0x1eb: {  	(xrf0) =	vadd.scan.msk.s32 $0xffff, v4  }
0x1ec: {  	s2 =	spop (v2sf)  }
0x1ed: {  	s0 =	sadd.s32 s0, s2  }
0x1ee: {  	v4 =	vmov s0  }
0x1ef: {  	v4 =	vadd.s32 $0x1, v4  }
0x1f0: {  	v4 =	vbroadcast v4, $0x0  }
0x1f1: {  	v5, _, _ =	vpop (xrf0)  }
0x1f2: {  	v4 =	vadd.s32 v5, v4  }
0x1f3: {  	v4 =	vnsel vm1, $0x1, v4  }
0x1f4: {  	v45 =	vshll.u32 v4, $0x3  }
0x1f5: {  	v4 =	vand.u32 $0x7, v4;
	v6 =	vand.u32 $0xFFFFFFC0, v45  }
0x1f6: {  	v4 =	vor.u32 v4, v6  }
0x1f7: {  	v6 =	vperm.xlane v4, v1;
	_ =	sdelay $0x1  }
0x1f8: {  	v6 =	vadd.s32 v2, v6;
	_ =	sdelay $0x1  }
0x1f9: {  	_ =	swait.ge [sflag:s19], $0x4000  }
0x1fa: {  	[sflag:s19] =	ssyncset.done $0x0  }
0x1fb: {  	[sflag:s19] =	ssyncadd.s32 $0xFFFFC000  }
0x1fc: {  	[tilespmem:s30], [sflag:$0x1] =	stream.indirect_vreg.gather [hbm4b:s1+s3], $0x80, v6, vm0, $0xb8;
	[tilespmem:$0x19000] =	vst v63  }
0x1fd: {  	s2 =	simm.s32 $0x1800;
	v4 =	vperm.xlane v4, v3  }
0x1fe: {  	[tilespmem:s2], [sflag:$0x1] =	stream.indirect_vreg.gather [hbm4b:s6+s3], $0x80, v6, vm0, $0xb8;
	[tilespmem:$0x19000] =	vst v63  }
0x1ff: {  	v4 =	vadd.s32 v2, v4;
	s2 =	simm.s32 $0x2000  }
0x200: {  	[tilespmem:s2], [sflag:$0x1] =	stream.indirect_vreg.gather [hbm4b:s7+s3], $0x80, v6, vm0, $0xb8;
	[tilespmem:$0x19000] =	vst v63  }
0x201: {  	s2 =	simm.s32 $0x2800  }
0x202: {  	[tilespmem:s2], [sflag:$0x1] =	stream.indirect_vreg.gather [hbm4b:s9+s3], $0x80, v6, vm0, $0xb8;
	[tilespmem:$0x19000] =	vst v63  }
0x203: {  	s2 =	simm.s32 $0x3000  }
0x204: {  	[tilespmem:s2], [sflag:$0x1] =	stream.indirect_vreg.gather [hbm4b:s1+s3], $0x80, v4, vm0, $0xb8;
	[tilespmem:$0x19000] =	vst v63  }
0x205: {  	s2 =	simm.s32 $0x3800  }
0x206: {  	[tilespmem:s2], [sflag:$0x1] =	stream.indirect_vreg.gather [hbm4b:s6+s3], $0x80, v4, vm0, $0xb8;
	[tilespmem:$0x19000] =	vst v63  }
0x207: {  	s2 =	simm.s32 $0x4000  }
0x208: {  	[tilespmem:s2], [sflag:$0x1] =	stream.indirect_vreg.gather [hbm4b:s7+s3], $0x80, v4, vm0, $0xb8;
	[tilespmem:$0x19000] =	vst v63  }
0x209: {  	s2 =	simm.s32 $0x4800  }
0x20a: {  	[tilespmem:s2], [sflag:$0x1] =	stream.indirect_vreg.gather [hbm4b:s9+s3], $0x80, v4, vm0, $0xb8;
	[tilespmem:$0x19000] =	vst v63  }
0x20b: {  	_ =	swait.ge [sflag:s15], $0x4000  }
0x20c: {  	(v2sf) =	vpush v5, $0xF;
	_ =	sdelay $0x3  }
0x20d: {  	[sflag:s15] =	ssyncset.done $0x0  }
0x20e: {  	s2 =	rddreg [dreg:$0xc];
	[sflag:s15] =	ssyncadd.s32 $0xFFFFC000  }
0x20f: {  	[hbm4b:s2+s3] =	stream.linear.scatter [tilespmem:s4], [sflag:$0x8], $0x4000, $0x38;
	[tilespmem:$0x19000] =	vst v63  }
0x210: {  	v4 =	vld [tilespmem:s5+$0xD0];
	_ =	sdelay $0x4  }
0x211: {  	vm1 =	vne.s32 v4, $0x1  }
0x212: {  	v4 =	vsel vm1, $0x1, v0  }
0x213: {  	(xrf0) =	vadd.scan.msk.s32 $0xffff, v4  }
0x214: {  	s2 =	spop (v2sf)  }
0x215: {  	s0 =	sadd.s32 s0, s2  }
0x216: {  	v4 =	vmov s0  }
0x217: {  	v4 =	vadd.s32 $0x1, v4  }
0x218: {  	v4 =	vbroadcast v4, $0x0  }
0x219: {  	v5, _, _ =	vpop (xrf0)  }
0x21a: {  	v4 =	vadd.s32 v5, v4  }
0x21b: {  	v4 =	vnsel vm1, $0x1, v4  }
0x21c: {  	v46 =	vshll.u32 v4, $0x3  }
0x21d: {  	v4 =	vand.u32 $0x7, v4;
	v6 =	vand.u32 $0xFFFFFFC0, v46  }
0x21e: {  	v4 =	vor.u32 v4, v6  }
0x21f: {  	v6 =	vperm.xlane v4, v1;
	_ =	sdelay $0x1  }
0x220: {  	v6 =	vadd.s32 v2, v6;
	_ =	sdelay $0x1  }
0x221: {  	_ =	swait.ge [sflag:s17], $0x4000  }
0x222: {  	[sflag:s17] =	ssyncset.done $0x0  }
0x223: {  	[sflag:s17] =	ssyncadd.s32 $0xFFFFC000  }
0x224: {  	[tilespmem:s4], [sflag:$0x2] =	stream.indirect_vreg.gather [hbm4b:s1+s3], $0x80, v6, vm0, $0xb8;
	[tilespmem:$0x19000] =	vst v63  }
0x225: {  	s11 =	simm.s32 $0x5800;
	v4 =	vperm.xlane v4, v3  }
0x226: {  	[tilespmem:s11], [sflag:$0x2] =	stream.indirect_vreg.gather [hbm4b:s6+s3], $0x80, v6, vm0, $0xb8;
	[tilespmem:$0x19000] =	vst v63  }
0x227: {  	s10 =	simm.s32 $0x6000;
	v4 =	vadd.s32 v2, v4  }
0x228: {  	[tilespmem:s10], [sflag:$0x2] =	stream.indirect_vreg.gather [hbm4b:s7+s3], $0x80, v6, vm0, $0xb8;
	[tilespmem:$0x19000] =	vst v63  }
0x229: {  	s12 =	simm.s32 $0x6800  }
0x22a: {  	[tilespmem:s12], [sflag:$0x2] =	stream.indirect_vreg.gather [hbm4b:s9+s3], $0x80, v6, vm0, $0xb8;
	[tilespmem:$0x19000] =	vst v63  }
0x22b: {  	s13 =	simm.s32 $0x7000  }
0x22c: {  	[tilespmem:s13], [sflag:$0x2] =	stream.indirect_vreg.gather [hbm4b:s1+s3], $0x80, v4, vm0, $0xb8;
	[tilespmem:$0x19000] =	vst v63  }
0x22d: {  	s2 =	simm.s32 $0x7800  }
0x22e: {  	[tilespmem:s2], [sflag:$0x2] =	stream.indirect_vreg.gather [hbm4b:s6+s3], $0x80, v4, vm0, $0xb8;
	[tilespmem:$0x19000] =	vst v63  }
0x22f: {  	s2 =	simm.s32 $0x8000  }
0x230: {  	[tilespmem:s2], [sflag:$0x2] =	stream.indirect_vreg.gather [hbm4b:s7+s3], $0x80, v4, vm0, $0xb8;
	[tilespmem:$0x19000] =	vst v63  }
0x231: {  	s2 =	simm.s32 $0x8800  }
0x232: {  	[tilespmem:s2], [sflag:$0x2] =	stream.indirect_vreg.gather [hbm4b:s9+s3], $0x80, v4, vm0, $0xb8;
	[tilespmem:$0x19000] =	vst v63  }
0x233: {  	_ =	swait.ge [sflag:s18], $0x4000  }
0x234: {  	(v2sf) =	vpush v5, $0xF;
	_ =	sdelay $0x3  }
0x235: {  	[sflag:s18] =	ssyncset.done $0x0  }
0x236: {  	s2 =	rddreg [dreg:$0xd];
	[sflag:s18] =	ssyncadd.s32 $0xFFFFC000  }
0x237: {  	[hbm4b:s2+s3] =	stream.linear.scatter [tilespmem:s8], [sflag:$0x9], $0x4000, $0x38;
	[tilespmem:$0x19000] =	vst v63  }
0x238: {  	v4 =	vld [tilespmem:s5+$0xE0];
	_ =	sdelay $0x4  }
0x239: {  	vm1 =	vne.s32 v4, $0x1  }
0x23a: {  	v4 =	vsel vm1, $0x1, v0  }
0x23b: {  	(xrf0) =	vadd.scan.msk.s32 $0xffff, v4  }
0x23c: {  	s2 =	spop (v2sf)  }
0x23d: {  	s0 =	sadd.s32 s0, s2  }
0x23e: {  	v4 =	vmov s0  }
0x23f: {  	v4 =	vadd.s32 $0x1, v4  }
0x240: {  	v4 =	vbroadcast v4, $0x0  }
0x241: {  	v5, _, _ =	vpop (xrf0)  }
0x242: {  	v4 =	vadd.s32 v5, v4  }
0x243: {  	v4 =	vnsel vm1, $0x1, v4  }
0x244: {  	v47 =	vshll.u32 v4, $0x3  }
0x245: {  	v4 =	vand.u32 $0x7, v4;
	v6 =	vand.u32 $0xFFFFFFC0, v47  }
0x246: {  	v4 =	vor.u32 v4, v6  }
0x247: {  	v6 =	vperm.xlane v4, v1;
	_ =	sdelay $0x1  }
0x248: {  	v6 =	vadd.s32 v2, v6;
	_ =	sdelay $0x1  }
0x249: {  	_ =	swait.ge [sflag:s21], $0x4000  }
0x24a: {  	[sflag:s21] =	ssyncset.done $0x0  }
0x24b: {  	[sflag:s21] =	ssyncadd.s32 $0xFFFFC000  }
0x24c: {  	[tilespmem:s8], [sflag:$0x3] =	stream.indirect_vreg.gather [hbm4b:s1+s3], $0x80, v6, vm0, $0xb8;
	[tilespmem:$0x19000] =	vst v63  }
0x24d: {  	s2 =	simm.s32 $0x9800;
	v4 =	vperm.xlane v4, v3  }
0x24e: {  	[tilespmem:s2], [sflag:$0x3] =	stream.indirect_vreg.gather [hbm4b:s6+s3], $0x80, v6, vm0, $0xb8;
	[tilespmem:$0x19000] =	vst v63  }
0x24f: {  	v4 =	vadd.s32 v2, v4;
	s2 =	simm.s32 $0xA000  }
0x250: {  	[tilespmem:s2], [sflag:$0x3] =	stream.indirect_vreg.gather [hbm4b:s7+s3], $0x80, v6, vm0, $0xb8;
	[tilespmem:$0x19000] =	vst v63  }
0x251: {  	s2 =	simm.s32 $0xA800  }
0x252: {  	[tilespmem:s2], [sflag:$0x3] =	stream.indirect_vreg.gather [hbm4b:s9+s3], $0x80, v6, vm0, $0xb8;
	[tilespmem:$0x19000] =	vst v63  }
0x253: {  	s2 =	simm.s32 $0xB000  }
0x254: {  	[tilespmem:s2], [sflag:$0x3] =	stream.indirect_vreg.gather [hbm4b:s1+s3], $0x80, v4, vm0, $0xb8;
	[tilespmem:$0x19000] =	vst v63  }
0x255: {  	s2 =	simm.s32 $0xB800  }
0x256: {  	[tilespmem:s2], [sflag:$0x3] =	stream.indirect_vreg.gather [hbm4b:s6+s3], $0x80, v4, vm0, $0xb8;
	[tilespmem:$0x19000] =	vst v63  }
0x257: {  	s2 =	simm.s32 $0xC000  }
0x258: {  	[tilespmem:s2], [sflag:$0x3] =	stream.indirect_vreg.gather [hbm4b:s7+s3], $0x80, v4, vm0, $0xb8;
	[tilespmem:$0x19000] =	vst v63  }
0x259: {  	s2 =	simm.s32 $0xC800  }
0x25a: {  	[tilespmem:s2], [sflag:$0x3] =	stream.indirect_vreg.gather [hbm4b:s9+s3], $0x80, v4, vm0, $0xb8;
	[tilespmem:$0x19000] =	vst v63  }
0x25b: {  	_ =	swait.ge [sflag:s23], $0x4000  }
0x25c: {  	(v2sf) =	vpush v5, $0xF;
	_ =	sdelay $0x3  }
0x25d: {  	[sflag:s23] =	ssyncset.done $0x0  }
0x25e: {  	s2 =	rddreg [dreg:$0xe];
	[sflag:s23] =	ssyncadd.s32 $0xFFFFC000  }
0x25f: {  	[hbm4b:s2+s3] =	stream.linear.scatter [tilespmem:s14], [sflag:$0xA], $0x4000, $0x38;
	[tilespmem:$0x19000] =	vst v63  }
0x260: {  	v4 =	vld [tilespmem:s5+$0xF0];
	_ =	sdelay $0x4  }
0x261: {  	vm1 =	vne.s32 v4, $0x1  }
0x262: {  	v4 =	vsel vm1, $0x1, v0  }
0x263: {  	(xrf0) =	vadd.scan.msk.s32 $0xffff, v4  }
0x264: {  	s2 =	spop (v2sf)  }
0x265: {  	s0 =	sadd.s32 s0, s2  }
0x266: {  	v4 =	vmov s0  }
0x267: {  	v4 =	vadd.s32 $0x1, v4  }
0x268: {  	v4 =	vbroadcast v4, $0x0  }
0x269: {  	v5, _, _ =	vpop (xrf0)  }
0x26a: {  	v4 =	vadd.s32 v5, v4  }
0x26b: {  	v4 =	vnsel vm1, $0x1, v4  }
0x26c: {  	v48 =	vshll.u32 v4, $0x3  }
0x26d: {  	v4 =	vand.u32 $0x7, v4;
	v6 =	vand.u32 $0xFFFFFFC0, v48  }
0x26e: {  	v4 =	vor.u32 v4, v6  }
0x26f: {  	v6 =	vperm.xlane v4, v1;
	_ =	sdelay $0x1  }
0x270: {  	v6 =	vadd.s32 v2, v6;
	_ =	sdelay $0x1  }
0x271: {  	_ =	swait.ge [sflag:s24], $0x4000  }
0x272: {  	[sflag:s24] =	ssyncset.done $0x0  }
0x273: {  	[sflag:s24] =	ssyncadd.s32 $0xFFFFC000  }
0x274: {  	[tilespmem:s14], [sflag:$0x4] =	stream.indirect_vreg.gather [hbm4b:s1+s3], $0x80, v6, vm0, $0xb8;
	[tilespmem:$0x19000] =	vst v63  }
0x275: {  	s2 =	simm.s32 $0xD800;
	v4 =	vperm.xlane v4, v3  }
0x276: {  	[tilespmem:s2], [sflag:$0x4] =	stream.indirect_vreg.gather [hbm4b:s6+s3], $0x80, v6, vm0, $0xb8;
	[tilespmem:$0x19000] =	vst v63  }
0x277: {  	v4 =	vadd.s32 v2, v4;
	s2 =	simm.s32 $0xE000  }
0x278: {  	[tilespmem:s2], [sflag:$0x4] =	stream.indirect_vreg.gather [hbm4b:s7+s3], $0x80, v6, vm0, $0xb8;
	[tilespmem:$0x19000] =	vst v63  }
0x279: {  	s2 =	simm.s32 $0xE800  }
0x27a: {  	[tilespmem:s2], [sflag:$0x4] =	stream.indirect_vreg.gather [hbm4b:s9+s3], $0x80, v6, vm0, $0xb8;
	[tilespmem:$0x19000] =	vst v63  }
0x27b: {  	s2 =	simm.s32 $0xF000  }
0x27c: {  	[tilespmem:s2], [sflag:$0x4] =	stream.indirect_vreg.gather [hbm4b:s1+s3], $0x80, v4, vm0, $0xb8;
	[tilespmem:$0x19000] =	vst v63  }
0x27d: {  	s2 =	simm.s32 $0xF800  }
0x27e: {  	[tilespmem:s2], [sflag:$0x4] =	stream.indirect_vreg.gather [hbm4b:s6+s3], $0x80, v4, vm0, $0xb8;
	[tilespmem:$0x19000] =	vst v63  }
0x27f: {  	s2 =	simm.s32 $0x10000  }
0x280: {  	[tilespmem:s2], [sflag:$0x4] =	stream.indirect_vreg.gather [hbm4b:s7+s3], $0x80, v4, vm0, $0xb8;
	[tilespmem:$0x19000] =	vst v63  }
0x281: {  	s2 =	simm.s32 $0x10800  }
0x282: {  	[tilespmem:s2], [sflag:$0x4] =	stream.indirect_vreg.gather [hbm4b:s9+s3], $0x80, v4, vm0, $0xb8;
	[tilespmem:$0x19000] =	vst v63  }
0x283: {  	_ =	swait.ge [sflag:s25], $0x4000  }
0x284: {  	(v2sf) =	vpush v5, $0xF;
	_ =	sdelay $0x3  }
0x285: {  	[sflag:s25] =	ssyncset.done $0x0  }
0x286: {  	s2 =	rddreg [dreg:$0xf];
	[sflag:s25] =	ssyncadd.s32 $0xFFFFC000  }
0x287: {  	[hbm4b:s2+s3] =	stream.linear.scatter [tilespmem:s16], [sflag:$0xB], $0x4000, $0x38;
	[tilespmem:$0x19000] =	vst v63  }
0x288: {  	v4 =	vld [tilespmem:s5+$0x100];
	_ =	sdelay $0x4  }
0x289: {  	vm1 =	vne.s32 v4, $0x1  }
0x28a: {  	v4 =	vsel vm1, $0x1, v0  }
0x28b: {  	(xrf0) =	vadd.scan.msk.s32 $0xffff, v4  }
0x28c: {  	s2 =	spop (v2sf)  }
0x28d: {  	s0 =	sadd.s32 s0, s2  }
0x28e: {  	v4 =	vmov s0  }
0x28f: {  	v4 =	vadd.s32 $0x1, v4  }
0x290: {  	v4 =	vbroadcast v4, $0x0  }
0x291: {  	v5, _, _ =	vpop (xrf0)  }
0x292: {  	v4 =	vadd.s32 v5, v4  }
0x293: {  	v4 =	vnsel vm1, $0x1, v4  }
0x294: {  	v49 =	vshll.u32 v4, $0x3  }
0x295: {  	v4 =	vand.u32 $0x7, v4;
	v6 =	vand.u32 $0xFFFFFFC0, v49  }
0x296: {  	v4 =	vor.u32 v4, v6  }
0x297: {  	v6 =	vperm.xlane v4, v1;
	_ =	sdelay $0x1  }
0x298: {  	v6 =	vadd.s32 v2, v6;
	_ =	sdelay $0x1  }
0x299: {  	_ =	swait.ge [sflag:s26], $0x4000  }
0x29a: {  	[sflag:s26] =	ssyncset.done $0x0  }
0x29b: {  	[sflag:s26] =	ssyncadd.s32 $0xFFFFC000  }
0x29c: {  	[tilespmem:s16], [sflag:$0x5] =	stream.indirect_vreg.gather [hbm4b:s1+s3], $0x80, v6, vm0, $0xb8;
	[tilespmem:$0x19000] =	vst v63  }
0x29d: {  	s2 =	simm.s32 $0x11800;
	v4 =	vperm.xlane v4, v3  }
0x29e: {  	[tilespmem:s2], [sflag:$0x5] =	stream.indirect_vreg.gather [hbm4b:s6+s3], $0x80, v6, vm0, $0xb8;
	[tilespmem:$0x19000] =	vst v63  }
0x29f: {  	v4 =	vadd.s32 v2, v4;
	s2 =	simm.s32 $0x12000  }
0x2a0: {  	[tilespmem:s2], [sflag:$0x5] =	stream.indirect_vreg.gather [hbm4b:s7+s3], $0x80, v6, vm0, $0xb8;
	[tilespmem:$0x19000] =	vst v63  }
0x2a1: {  	s2 =	simm.s32 $0x12800  }
0x2a2: {  	[tilespmem:s2], [sflag:$0x5] =	stream.indirect_vreg.gather [hbm4b:s9+s3], $0x80, v6, vm0, $0xb8;
	[tilespmem:$0x19000] =	vst v63  }
0x2a3: {  	s2 =	simm.s32 $0x13000  }
0x2a4: {  	[tilespmem:s2], [sflag:$0x5] =	stream.indirect_vreg.gather [hbm4b:s1+s3], $0x80, v4, vm0, $0xb8;
	[tilespmem:$0x19000] =	vst v63  }
0x2a5: {  	s2 =	simm.s32 $0x13800  }
0x2a6: {  	[tilespmem:s2], [sflag:$0x5] =	stream.indirect_vreg.gather [hbm4b:s6+s3], $0x80, v4, vm0, $0xb8;
	[tilespmem:$0x19000] =	vst v63  }
0x2a7: {  	s2 =	simm.s32 $0x14000  }
0x2a8: {  	[tilespmem:s2], [sflag:$0x5] =	stream.indirect_vreg.gather [hbm4b:s7+s3], $0x80, v4, vm0, $0xb8;
	[tilespmem:$0x19000] =	vst v63  }
0x2a9: {  	s2 =	simm.s32 $0x14800  }
0x2aa: {  	[tilespmem:s2], [sflag:$0x5] =	stream.indirect_vreg.gather [hbm4b:s9+s3], $0x80, v4, vm0, $0xb8;
	[tilespmem:$0x19000] =	vst v63  }
0x2ab: {  	_ =	swait.ge [sflag:s28], $0x4000  }
0x2ac: {  	(v2sf) =	vpush v5, $0xF;
	_ =	sdelay $0x3  }
0x2ad: {  	[sflag:s28] =	ssyncset.done $0x0  }
0x2ae: {  	s2 =	rddreg [dreg:$0x10];
	[sflag:s28] =	ssyncadd.s32 $0xFFFFC000  }
0x2af: {  	[hbm4b:s2+s3] =	stream.linear.scatter [tilespmem:s20], [sflag:$0xC], $0x4000, $0x38;
	[tilespmem:$0x19000] =	vst v63  }
0x2b0: {  	v4 =	vld [tilespmem:s5+$0x110];
	_ =	sdelay $0x4  }
0x2b1: {  	vm1 =	vne.s32 v4, $0x1  }
0x2b2: {  	v4 =	vsel vm1, $0x1, v0  }
0x2b3: {  	(xrf0) =	vadd.scan.msk.s32 $0xffff, v4  }
0x2b4: {  	s2 =	spop (v2sf)  }
0x2b5: {  	s0 =	sadd.s32 s0, s2  }
0x2b6: {  	v4 =	vmov s0  }
0x2b7: {  	v4 =	vadd.s32 $0x1, v4  }
0x2b8: {  	v4 =	vbroadcast v4, $0x0  }
0x2b9: {  	v5, _, _ =	vpop (xrf0)  }
0x2ba: {  	v4 =	vadd.s32 v5, v4  }
0x2bb: {  	v4 =	vnsel vm1, $0x1, v4  }
0x2bc: {  	v50 =	vshll.u32 v4, $0x3  }
0x2bd: {  	v4 =	vand.u32 $0x7, v4;
	v6 =	vand.u32 $0xFFFFFFC0, v50  }
0x2be: {  	v4 =	vor.u32 v4, v6  }
0x2bf: {  	v6 =	vperm.xlane v4, v1;
	_ =	sdelay $0x1  }
0x2c0: {  	v6 =	vadd.s32 v2, v6;
	_ =	sdelay $0x1  }
0x2c1: {  	_ =	swait.ge [sflag:s29], $0x4000  }
0x2c2: {  	[sflag:s29] =	ssyncset.done $0x0  }
0x2c3: {  	[sflag:s29] =	ssyncadd.s32 $0xFFFFC000  }
0x2c4: {  	[tilespmem:s20], [sflag:$0x6] =	stream.indirect_vreg.gather [hbm4b:s1+s3], $0x80, v6, vm0, $0xb8;
	[tilespmem:$0x19000] =	vst v63  }
0x2c5: {  	s2 =	simm.s32 $0x15800;
	v4 =	vperm.xlane v4, v3  }
0x2c6: {  	[tilespmem:s2], [sflag:$0x6] =	stream.indirect_vreg.gather [hbm4b:s6+s3], $0x80, v6, vm0, $0xb8;
	[tilespmem:$0x19000] =	vst v63  }
0x2c7: {  	v4 =	vadd.s32 v2, v4;
	s2 =	simm.s32 $0x16000  }
0x2c8: {  	[tilespmem:s2], [sflag:$0x6] =	stream.indirect_vreg.gather [hbm4b:s7+s3], $0x80, v6, vm0, $0xb8;
	[tilespmem:$0x19000] =	vst v63  }
0x2c9: {  	s2 =	simm.s32 $0x16800  }
0x2ca: {  	[tilespmem:s2], [sflag:$0x6] =	stream.indirect_vreg.gather [hbm4b:s9+s3], $0x80, v6, vm0, $0xb8;
	[tilespmem:$0x19000] =	vst v63  }
0x2cb: {  	s2 =	simm.s32 $0x17000  }
0x2cc: {  	[tilespmem:s2], [sflag:$0x6] =	stream.indirect_vreg.gather [hbm4b:s1+s3], $0x80, v4, vm0, $0xb8;
	[tilespmem:$0x19000] =	vst v63  }
0x2cd: {  	s2 =	simm.s32 $0x17800  }
0x2ce: {  	[tilespmem:s2], [sflag:$0x6] =	stream.indirect_vreg.gather [hbm4b:s6+s3], $0x80, v4, vm0, $0xb8;
	[tilespmem:$0x19000] =	vst v63  }
0x2cf: {  	s2 =	simm.s32 $0x18000  }
0x2d0: {  	[tilespmem:s2], [sflag:$0x6] =	stream.indirect_vreg.gather [hbm4b:s7+s3], $0x80, v4, vm0, $0xb8;
	[tilespmem:$0x19000] =	vst v63  }
0x2d1: {  	s2 =	simm.s32 $0x18800  }
0x2d2: {  	[tilespmem:s2], [sflag:$0x6] =	stream.indirect_vreg.gather [hbm4b:s9+s3], $0x80, v4, vm0, $0xb8;
	[tilespmem:$0x19000] =	vst v63  }
0x2d3: {  	_ =	swait.ge [sflag:s22], $0x4000  }
0x2d4: {  	(v2sf) =	vpush v5, $0xF;
	_ =	sdelay $0x3  }
0x2d5: {  	[sflag:s22] =	ssyncset.done $0x0  }
0x2d6: {  	s2 =	rddreg [dreg:$0x11];
	[sflag:s22] =	ssyncadd.s32 $0xFFFFC000  }
0x2d7: {  	[hbm4b:s2+s3] =	stream.linear.scatter [tilespmem:s30], [sflag:$0x7], $0x4000, $0x38;
	[tilespmem:$0x19000] =	vst v63  }
0x2d8: {  	v4 =	vld [tilespmem:s5+$0x120];
	_ =	sdelay $0x4  }
0x2d9: {  	vm1 =	vne.s32 v4, $0x1  }
0x2da: {  	v4 =	vsel vm1, $0x1, v0  }
0x2db: {  	(xrf0) =	vadd.scan.msk.s32 $0xffff, v4  }
0x2dc: {  	s2 =	spop (v2sf)  }
0x2dd: {  	s0 =	sadd.s32 s0, s2  }
0x2de: {  	v4 =	vmov s0  }
0x2df: {  	v4 =	vadd.s32 $0x1, v4  }
0x2e0: {  	v4 =	vbroadcast v4, $0x0  }
0x2e1: {  	v5, _, _ =	vpop (xrf0)  }
0x2e2: {  	v4 =	vadd.s32 v5, v4  }
0x2e3: {  	v4 =	vnsel vm1, $0x1, v4  }
0x2e4: {  	v51 =	vshll.u32 v4, $0x3  }
0x2e5: {  	v4 =	vand.u32 $0x7, v4;
	v6 =	vand.u32 $0xFFFFFFC0, v51  }
0x2e6: {  	v4 =	vor.u32 v4, v6  }
0x2e7: {  	v6 =	vperm.xlane v4, v1;
	_ =	sdelay $0x1  }
0x2e8: {  	v6 =	vadd.s32 v2, v6;
	_ =	sdelay $0x1  }
0x2e9: {  	_ =	swait.ge [sflag:s19], $0x4000  }
0x2ea: {  	[sflag:s19] =	ssyncset.done $0x0  }
0x2eb: {  	[sflag:s19] =	ssyncadd.s32 $0xFFFFC000  }
0x2ec: {  	[tilespmem:s30], [sflag:$0x1] =	stream.indirect_vreg.gather [hbm4b:s1+s3], $0x80, v6, vm0, $0xb8;
	[tilespmem:$0x19000] =	vst v63  }
0x2ed: {  	s2 =	simm.s32 $0x1800;
	v4 =	vperm.xlane v4, v3  }
0x2ee: {  	[tilespmem:s2], [sflag:$0x1] =	stream.indirect_vreg.gather [hbm4b:s6+s3], $0x80, v6, vm0, $0xb8;
	[tilespmem:$0x19000] =	vst v63  }
0x2ef: {  	v4 =	vadd.s32 v2, v4;
	s2 =	simm.s32 $0x2000  }
0x2f0: {  	[tilespmem:s2], [sflag:$0x1] =	stream.indirect_vreg.gather [hbm4b:s7+s3], $0x80, v6, vm0, $0xb8;
	[tilespmem:$0x19000] =	vst v63  }
0x2f1: {  	s2 =	simm.s32 $0x2800  }
0x2f2: {  	[tilespmem:s2], [sflag:$0x1] =	stream.indirect_vreg.gather [hbm4b:s9+s3], $0x80, v6, vm0, $0xb8;
	[tilespmem:$0x19000] =	vst v63  }
0x2f3: {  	s2 =	simm.s32 $0x3000  }
0x2f4: {  	[tilespmem:s2], [sflag:$0x1] =	stream.indirect_vreg.gather [hbm4b:s1+s3], $0x80, v4, vm0, $0xb8;
	[tilespmem:$0x19000] =	vst v63  }
0x2f5: {  	s2 =	simm.s32 $0x3800  }
0x2f6: {  	[tilespmem:s2], [sflag:$0x1] =	stream.indirect_vreg.gather [hbm4b:s6+s3], $0x80, v4, vm0, $0xb8;
	[tilespmem:$0x19000] =	vst v63  }
0x2f7: {  	s2 =	simm.s32 $0x4000  }
0x2f8: {  	[tilespmem:s2], [sflag:$0x1] =	stream.indirect_vreg.gather [hbm4b:s7+s3], $0x80, v4, vm0, $0xb8;
	[tilespmem:$0x19000] =	vst v63  }
0x2f9: {  	s2 =	simm.s32 $0x4800  }
0x2fa: {  	[tilespmem:s2], [sflag:$0x1] =	stream.indirect_vreg.gather [hbm4b:s9+s3], $0x80, v4, vm0, $0xb8;
	[tilespmem:$0x19000] =	vst v63  }
0x2fb: {  	_ =	swait.ge [sflag:s15], $0x4000  }
0x2fc: {  	(v2sf) =	vpush v5, $0xF;
	_ =	sdelay $0x3  }
0x2fd: {  	[sflag:s15] =	ssyncset.done $0x0  }
0x2fe: {  	s2 =	rddreg [dreg:$0x13];
	[sflag:s15] =	ssyncadd.s32 $0xFFFFC000  }
0x2ff: {  	[hbm4b:s2+s3] =	stream.linear.scatter [tilespmem:s4], [sflag:$0x8], $0x4000, $0x38;
	[tilespmem:$0x19000] =	vst v63  }
0x300: {  	v4 =	vld [tilespmem:s5+$0x130];
	_ =	sdelay $0x4  }
0x301: {  	vm1 =	vne.s32 v4, $0x1  }
0x302: {  	v4 =	vsel vm1, $0x1, v0  }
0x303: {  	(xrf0) =	vadd.scan.msk.s32 $0xffff, v4  }
0x304: {  	s2 =	spop (v2sf)  }
0x305: {  	s0 =	sadd.s32 s0, s2  }
0x306: {  	v4 =	vmov s0  }
0x307: {  	v4 =	vadd.s32 $0x1, v4  }
0x308: {  	v4 =	vbroadcast v4, $0x0  }
0x309: {  	v5, _, _ =	vpop (xrf0)  }
0x30a: {  	v4 =	vadd.s32 v5, v4  }
0x30b: {  	v4 =	vnsel vm1, $0x1, v4  }
0x30c: {  	v52 =	vshll.u32 v4, $0x3  }
0x30d: {  	v4 =	vand.u32 $0x7, v4;
	v6 =	vand.u32 $0xFFFFFFC0, v52  }
0x30e: {  	v4 =	vor.u32 v4, v6  }
0x30f: {  	v6 =	vperm.xlane v4, v1;
	_ =	sdelay $0x1  }
0x310: {  	v6 =	vadd.s32 v2, v6;
	_ =	sdelay $0x1  }
0x311: {  	_ =	swait.ge [sflag:s17], $0x4000  }
0x312: {  	[sflag:s17] =	ssyncset.done $0x0  }
0x313: {  	[sflag:s17] =	ssyncadd.s32 $0xFFFFC000  }
0x314: {  	[tilespmem:s4], [sflag:$0x2] =	stream.indirect_vreg.gather [hbm4b:s1+s3], $0x80, v6, vm0, $0xb8;
	[tilespmem:$0x19000] =	vst v63  }
0x315: {  	s11 =	simm.s32 $0x5800;
	v4 =	vperm.xlane v4, v3  }
0x316: {  	[tilespmem:s11], [sflag:$0x2] =	stream.indirect_vreg.gather [hbm4b:s6+s3], $0x80, v6, vm0, $0xb8;
	[tilespmem:$0x19000] =	vst v63  }
0x317: {  	s10 =	simm.s32 $0x6000;
	v4 =	vadd.s32 v2, v4  }
0x318: {  	[tilespmem:s10], [sflag:$0x2] =	stream.indirect_vreg.gather [hbm4b:s7+s3], $0x80, v6, vm0, $0xb8;
	[tilespmem:$0x19000] =	vst v63  }
0x319: {  	s12 =	simm.s32 $0x6800  }
0x31a: {  	[tilespmem:s12], [sflag:$0x2] =	stream.indirect_vreg.gather [hbm4b:s9+s3], $0x80, v6, vm0, $0xb8;
	[tilespmem:$0x19000] =	vst v63  }
0x31b: {  	s13 =	simm.s32 $0x7000  }
0x31c: {  	[tilespmem:s13], [sflag:$0x2] =	stream.indirect_vreg.gather [hbm4b:s1+s3], $0x80, v4, vm0, $0xb8;
	[tilespmem:$0x19000] =	vst v63  }
0x31d: {  	s13 =	simm.s32 $0x7800  }
0x31e: {  	[tilespmem:s13], [sflag:$0x2] =	stream.indirect_vreg.gather [hbm4b:s6+s3], $0x80, v4, vm0, $0xb8;
	[tilespmem:$0x19000] =	vst v63  }
0x31f: {  	s10 =	simm.s32 $0x8000  }
0x320: {  	[tilespmem:s10], [sflag:$0x2] =	stream.indirect_vreg.gather [hbm4b:s7+s3], $0x80, v4, vm0, $0xb8;
	[tilespmem:$0x19000] =	vst v63  }
0x321: {  	s11 =	simm.s32 $0x8800  }
0x322: {  	[tilespmem:s11], [sflag:$0x2] =	stream.indirect_vreg.gather [hbm4b:s9+s3], $0x80, v4, vm0, $0xb8;
	[tilespmem:$0x19000] =	vst v63  }
0x323: {  	_ =	swait.ge [sflag:s18], $0x4000  }
0x324: {  	(v2sf) =	vpush v5, $0xF;
	_ =	sdelay $0x3  }
0x325: {  	[sflag:s18] =	ssyncset.done $0x0  }
0x326: {  	s12 =	rddreg [dreg:$0x14];
	[sflag:s18] =	ssyncadd.s32 $0xFFFFC000  }
0x327: {  	[hbm4b:s12+s3] =	stream.linear.scatter [tilespmem:s8], [sflag:$0x9], $0x4000, $0x38;
	[tilespmem:$0x19000] =	vst v63  }
0x328: {  	v4 =	vld [tilespmem:s5+$0x140];
	_ =	sdelay $0x4  }
0x329: {  	vm1 =	vne.s32 v4, $0x1  }
0x32a: {  	v4 =	vsel vm1, $0x1, v0  }
0x32b: {  	(xrf0) =	vadd.scan.msk.s32 $0xffff, v4  }
0x32c: {  	s13 =	spop (v2sf)  }
0x32d: {  	s0 =	sadd.s32 s0, s13  }
0x32e: {  	v4 =	vmov s0  }
0x32f: {  	v4 =	vadd.s32 $0x1, v4  }
0x330: {  	v4 =	vbroadcast v4, $0x0  }
0x331: {  	v5, _, _ =	vpop (xrf0)  }
0x332: {  	v4 =	vadd.s32 v5, v4  }
0x333: {  	v4 =	vnsel vm1, $0x1, v4  }
0x334: {  	v53 =	vshll.u32 v4, $0x3  }
0x335: {  	v4 =	vand.u32 $0x7, v4;
	v6 =	vand.u32 $0xFFFFFFC0, v53  }
0x336: {  	v4 =	vor.u32 v4, v6  }
0x337: {  	v6 =	vperm.xlane v4, v1;
	_ =	sdelay $0x1  }
0x338: {  	v6 =	vadd.s32 v2, v6;
	_ =	sdelay $0x1  }
0x339: {  	_ =	swait.ge [sflag:s21], $0x4000  }
0x33a: {  	[sflag:s21] =	ssyncset.done $0x0  }
0x33b: {  	[sflag:s21] =	ssyncadd.s32 $0xFFFFC000  }
0x33c: {  	[tilespmem:s8], [sflag:$0x3] =	stream.indirect_vreg.gather [hbm4b:s1+s3], $0x80, v6, vm0, $0xb8;
	[tilespmem:$0x19000] =	vst v63  }
0x33d: {  	s10 =	simm.s32 $0x9800;
	v4 =	vperm.xlane v4, v3  }
0x33e: {  	[tilespmem:s10], [sflag:$0x3] =	stream.indirect_vreg.gather [hbm4b:s6+s3], $0x80, v6, vm0, $0xb8;
	[tilespmem:$0x19000] =	vst v63  }
0x33f: {  	s11 =	simm.s32 $0xA000;
	v4 =	vadd.s32 v2, v4  }
0x340: {  	[tilespmem:s11], [sflag:$0x3] =	stream.indirect_vreg.gather [hbm4b:s7+s3], $0x80, v6, vm0, $0xb8;
	[tilespmem:$0x19000] =	vst v63  }
0x341: {  	s12 =	simm.s32 $0xA800  }
0x342: {  	[tilespmem:s12], [sflag:$0x3] =	stream.indirect_vreg.gather [hbm4b:s9+s3], $0x80, v6, vm0, $0xb8;
	[tilespmem:$0x19000] =	vst v63  }
0x343: {  	s13 =	simm.s32 $0xB000  }
0x344: {  	[tilespmem:s13], [sflag:$0x3] =	stream.indirect_vreg.gather [hbm4b:s1+s3], $0x80, v4, vm0, $0xb8;
	[tilespmem:$0x19000] =	vst v63  }
0x345: {  	s10 =	simm.s32 $0xB800  }
0x346: {  	[tilespmem:s10], [sflag:$0x3] =	stream.indirect_vreg.gather [hbm4b:s6+s3], $0x80, v4, vm0, $0xb8;
	[tilespmem:$0x19000] =	vst v63  }
0x347: {  	s11 =	simm.s32 $0xC000  }
0x348: {  	[tilespmem:s11], [sflag:$0x3] =	stream.indirect_vreg.gather [hbm4b:s7+s3], $0x80, v4, vm0, $0xb8;
	[tilespmem:$0x19000] =	vst v63  }
0x349: {  	s12 =	simm.s32 $0xC800  }
0x34a: {  	[tilespmem:s12], [sflag:$0x3] =	stream.indirect_vreg.gather [hbm4b:s9+s3], $0x80, v4, vm0, $0xb8;
	[tilespmem:$0x19000] =	vst v63  }
0x34b: {  	_ =	swait.ge [sflag:s23], $0x4000  }
0x34c: {  	(v2sf) =	vpush v5, $0xF;
	_ =	sdelay $0x3  }
0x34d: {  	[sflag:s23] =	ssyncset.done $0x0  }
0x34e: {  	s13 =	rddreg [dreg:$0x16];
	[sflag:s23] =	ssyncadd.s32 $0xFFFFC000  }
0x34f: {  	[hbm4b:s13+s3] =	stream.linear.scatter [tilespmem:s14], [sflag:$0xA], $0x4000, $0x38;
	[tilespmem:$0x19000] =	vst v63  }
0x350: {  	v4 =	vld [tilespmem:s5+$0x150];
	_ =	sdelay $0x4  }
0x351: {  	vm1 =	vne.s32 v4, $0x1  }
0x352: {  	v4 =	vsel vm1, $0x1, v0  }
0x353: {  	(xrf0) =	vadd.scan.msk.s32 $0xffff, v4  }
0x354: {  	s10 =	spop (v2sf)  }
0x355: {  	s0 =	sadd.s32 s0, s10  }
0x356: {  	v4 =	vmov s0  }
0x357: {  	v4 =	vadd.s32 $0x1, v4  }
0x358: {  	v4 =	vbroadcast v4, $0x0  }
0x359: {  	v5, _, _ =	vpop (xrf0)  }
0x35a: {  	v4 =	vadd.s32 v5, v4  }
0x35b: {  	v4 =	vnsel vm1, $0x1, v4  }
0x35c: {  	v54 =	vshll.u32 v4, $0x3  }
0x35d: {  	v4 =	vand.u32 $0x7, v4;
	v6 =	vand.u32 $0xFFFFFFC0, v54  }
0x35e: {  	v4 =	vor.u32 v4, v6  }
0x35f: {  	v6 =	vperm.xlane v4, v1;
	_ =	sdelay $0x1  }
0x360: {  	v6 =	vadd.s32 v2, v6;
	_ =	sdelay $0x1  }
0x361: {  	_ =	swait.ge [sflag:s24], $0x4000  }
0x362: {  	[sflag:s24] =	ssyncset.done $0x0  }
0x363: {  	[sflag:s24] =	ssyncadd.s32 $0xFFFFC000  }
0x364: {  	[tilespmem:s14], [sflag:$0x4] =	stream.indirect_vreg.gather [hbm4b:s1+s3], $0x80, v6, vm0, $0xb8;
	[tilespmem:$0x19000] =	vst v63  }
0x365: {  	s11 =	simm.s32 $0xD800;
	v4 =	vperm.xlane v4, v3  }
0x366: {  	[tilespmem:s11], [sflag:$0x4] =	stream.indirect_vreg.gather [hbm4b:s6+s3], $0x80, v6, vm0, $0xb8;
	[tilespmem:$0x19000] =	vst v63  }
0x367: {  	s12 =	simm.s32 $0xE000;
	v4 =	vadd.s32 v2, v4  }
0x368: {  	[tilespmem:s12], [sflag:$0x4] =	stream.indirect_vreg.gather [hbm4b:s7+s3], $0x80, v6, vm0, $0xb8;
	[tilespmem:$0x19000] =	vst v63  }
0x369: {  	s13 =	simm.s32 $0xE800  }
0x36a: {  	[tilespmem:s13], [sflag:$0x4] =	stream.indirect_vreg.gather [hbm4b:s9+s3], $0x80, v6, vm0, $0xb8;
	[tilespmem:$0x19000] =	vst v63  }
0x36b: {  	s10 =	simm.s32 $0xF000  }
0x36c: {  	[tilespmem:s10], [sflag:$0x4] =	stream.indirect_vreg.gather [hbm4b:s1+s3], $0x80, v4, vm0, $0xb8;
	[tilespmem:$0x19000] =	vst v63  }
0x36d: {  	s11 =	simm.s32 $0xF800  }
0x36e: {  	[tilespmem:s11], [sflag:$0x4] =	stream.indirect_vreg.gather [hbm4b:s6+s3], $0x80, v4, vm0, $0xb8;
	[tilespmem:$0x19000] =	vst v63  }
0x36f: {  	s12 =	simm.s32 $0x10000  }
0x370: {  	[tilespmem:s12], [sflag:$0x4] =	stream.indirect_vreg.gather [hbm4b:s7+s3], $0x80, v4, vm0, $0xb8;
	[tilespmem:$0x19000] =	vst v63  }
0x371: {  	s13 =	simm.s32 $0x10800  }
0x372: {  	[tilespmem:s13], [sflag:$0x4] =	stream.indirect_vreg.gather [hbm4b:s9+s3], $0x80, v4, vm0, $0xb8;
	[tilespmem:$0x19000] =	vst v63  }
0x373: {  	_ =	swait.ge [sflag:s25], $0x4000  }
0x374: {  	(v2sf) =	vpush v5, $0xF;
	_ =	sdelay $0x3  }
0x375: {  	[sflag:s25] =	ssyncset.done $0x0  }
0x376: {  	s10 =	rddreg [dreg:$0x17];
	[sflag:s25] =	ssyncadd.s32 $0xFFFFC000  }
0x377: {  	[hbm4b:s10+s3] =	stream.linear.scatter [tilespmem:s16], [sflag:$0xB], $0x4000, $0x38;
	[tilespmem:$0x19000] =	vst v63  }
0x378: {  	v4 =	vld [tilespmem:s5+$0x160];
	_ =	sdelay $0x4  }
0x379: {  	vm1 =	vne.s32 v4, $0x1  }
0x37a: {  	v4 =	vsel vm1, $0x1, v0  }
0x37b: {  	(xrf0) =	vadd.scan.msk.s32 $0xffff, v4  }
0x37c: {  	s11 =	spop (v2sf)  }
0x37d: {  	s0 =	sadd.s32 s0, s11  }
0x37e: {  	v4 =	vmov s0  }
0x37f: {  	v4 =	vadd.s32 $0x1, v4  }
0x380: {  	v4 =	vbroadcast v4, $0x0  }
0x381: {  	v5, _, _ =	vpop (xrf0)  }
0x382: {  	v4 =	vadd.s32 v5, v4  }
0x383: {  	v4 =	vnsel vm1, $0x1, v4  }
0x384: {  	v55 =	vshll.u32 v4, $0x3  }
0x385: {  	v4 =	vand.u32 $0x7, v4;
	v6 =	vand.u32 $0xFFFFFFC0, v55  }
0x386: {  	v4 =	vor.u32 v4, v6  }
0x387: {  	v6 =	vperm.xlane v4, v1;
	_ =	sdelay $0x1  }
0x388: {  	v6 =	vadd.s32 v2, v6;
	_ =	sdelay $0x1  }
0x389: {  	_ =	swait.ge [sflag:s26], $0x4000  }
0x38a: {  	[sflag:s26] =	ssyncset.done $0x0  }
0x38b: {  	[sflag:s26] =	ssyncadd.s32 $0xFFFFC000  }
0x38c: {  	[tilespmem:s16], [sflag:$0x5] =	stream.indirect_vreg.gather [hbm4b:s1+s3], $0x80, v6, vm0, $0xb8;
	[tilespmem:$0x19000] =	vst v63  }
0x38d: {  	s12 =	simm.s32 $0x11800;
	v4 =	vperm.xlane v4, v3  }
0x38e: {  	[tilespmem:s12], [sflag:$0x5] =	stream.indirect_vreg.gather [hbm4b:s6+s3], $0x80, v6, vm0, $0xb8;
	[tilespmem:$0x19000] =	vst v63  }
0x38f: {  	s13 =	simm.s32 $0x12000;
	v4 =	vadd.s32 v2, v4  }
0x390: {  	[tilespmem:s13], [sflag:$0x5] =	stream.indirect_vreg.gather [hbm4b:s7+s3], $0x80, v6, vm0, $0xb8;
	[tilespmem:$0x19000] =	vst v63  }
0x391: {  	s10 =	simm.s32 $0x12800  }
0x392: {  	[tilespmem:s10], [sflag:$0x5] =	stream.indirect_vreg.gather [hbm4b:s9+s3], $0x80, v6, vm0, $0xb8;
	[tilespmem:$0x19000] =	vst v63  }
0x393: {  	s11 =	simm.s32 $0x13000  }
0x394: {  	[tilespmem:s11], [sflag:$0x5] =	stream.indirect_vreg.gather [hbm4b:s1+s3], $0x80, v4, vm0, $0xb8;
	[tilespmem:$0x19000] =	vst v63  }
0x395: {  	s12 =	simm.s32 $0x13800  }
0x396: {  	[tilespmem:s12], [sflag:$0x5] =	stream.indirect_vreg.gather [hbm4b:s6+s3], $0x80, v4, vm0, $0xb8;
	[tilespmem:$0x19000] =	vst v63  }
0x397: {  	s13 =	simm.s32 $0x14000  }
0x398: {  	[tilespmem:s13], [sflag:$0x5] =	stream.indirect_vreg.gather [hbm4b:s7+s3], $0x80, v4, vm0, $0xb8;
	[tilespmem:$0x19000] =	vst v63  }
0x399: {  	s10 =	simm.s32 $0x14800  }
0x39a: {  	[tilespmem:s10], [sflag:$0x5] =	stream.indirect_vreg.gather [hbm4b:s9+s3], $0x80, v4, vm0, $0xb8;
	[tilespmem:$0x19000] =	vst v63  }
0x39b: {  	_ =	swait.ge [sflag:s28], $0x4000  }
0x39c: {  	(v2sf) =	vpush v5, $0xF;
	_ =	sdelay $0x3  }
0x39d: {  	[sflag:s28] =	ssyncset.done $0x0  }
0x39e: {  	s11 =	rddreg [dreg:$0x18];
	[sflag:s28] =	ssyncadd.s32 $0xFFFFC000  }
0x39f: {  	[hbm4b:s11+s3] =	stream.linear.scatter [tilespmem:s20], [sflag:$0xC], $0x4000, $0x38;
	[tilespmem:$0x19000] =	vst v63  }
0x3a0: {  	v4 =	vld [tilespmem:s5+$0x170];
	_ =	sdelay $0x4  }
0x3a1: {  	vm1 =	vne.s32 v4, $0x1  }
0x3a2: {  	v4 =	vsel vm1, $0x1, v0  }
0x3a3: {  	(xrf0) =	vadd.scan.msk.s32 $0xffff, v4  }
0x3a4: {  	s12 =	spop (v2sf)  }
0x3a5: {  	s0 =	sadd.s32 s0, s12  }
0x3a6: {  	v4 =	vmov s0  }
0x3a7: {  	v4 =	vadd.s32 $0x1, v4  }
0x3a8: {  	v4 =	vbroadcast v4, $0x0  }
0x3a9: {  	v5, _, _ =	vpop (xrf0)  }
0x3aa: {  	v4 =	vadd.s32 v5, v4  }
0x3ab: {  	v4 =	vnsel vm1, $0x1, v4  }
0x3ac: {  	v56 =	vshll.u32 v4, $0x3  }
0x3ad: {  	v4 =	vand.u32 $0x7, v4;
	v6 =	vand.u32 $0xFFFFFFC0, v56  }
0x3ae: {  	v4 =	vor.u32 v4, v6  }
0x3af: {  	v6 =	vperm.xlane v4, v1;
	_ =	sdelay $0x1  }
0x3b0: {  	v6 =	vadd.s32 v2, v6;
	_ =	sdelay $0x1  }
0x3b1: {  	_ =	swait.ge [sflag:s29], $0x4000  }
0x3b2: {  	[sflag:s29] =	ssyncset.done $0x0  }
0x3b3: {  	[sflag:s29] =	ssyncadd.s32 $0xFFFFC000  }
0x3b4: {  	[tilespmem:s20], [sflag:$0x6] =	stream.indirect_vreg.gather [hbm4b:s1+s3], $0x80, v6, vm0, $0xb8;
	[tilespmem:$0x19000] =	vst v63  }
0x3b5: {  	s13 =	simm.s32 $0x15800;
	v4 =	vperm.xlane v4, v3  }
0x3b6: {  	[tilespmem:s13], [sflag:$0x6] =	stream.indirect_vreg.gather [hbm4b:s6+s3], $0x80, v6, vm0, $0xb8;
	[tilespmem:$0x19000] =	vst v63  }
0x3b7: {  	s10 =	simm.s32 $0x16000;
	v4 =	vadd.s32 v2, v4  }
0x3b8: {  	[tilespmem:s10], [sflag:$0x6] =	stream.indirect_vreg.gather [hbm4b:s7+s3], $0x80, v6, vm0, $0xb8;
	[tilespmem:$0x19000] =	vst v63  }
0x3b9: {  	s11 =	simm.s32 $0x16800  }
0x3ba: {  	[tilespmem:s11], [sflag:$0x6] =	stream.indirect_vreg.gather [hbm4b:s9+s3], $0x80, v6, vm0, $0xb8;
	[tilespmem:$0x19000] =	vst v63  }
0x3bb: {  	s12 =	simm.s32 $0x17000  }
0x3bc: {  	[tilespmem:s12], [sflag:$0x6] =	stream.indirect_vreg.gather [hbm4b:s1+s3], $0x80, v4, vm0, $0xb8;
	[tilespmem:$0x19000] =	vst v63  }
0x3bd: {  	s13 =	simm.s32 $0x17800  }
0x3be: {  	[tilespmem:s13], [sflag:$0x6] =	stream.indirect_vreg.gather [hbm4b:s6+s3], $0x80, v4, vm0, $0xb8;
	[tilespmem:$0x19000] =	vst v63  }
0x3bf: {  	s2 =	simm.s32 $0x18000  }
0x3c0: {  	[tilespmem:s2], [sflag:$0x6] =	stream.indirect_vreg.gather [hbm4b:s7+s3], $0x80, v4, vm0, $0xb8;
	[tilespmem:$0x19000] =	vst v63  }
0x3c1: {  	s2 =	simm.s32 $0x18800  }
0x3c2: {  	[tilespmem:s2], [sflag:$0x6] =	stream.indirect_vreg.gather [hbm4b:s9+s3], $0x80, v4, vm0, $0xb8;
	[tilespmem:$0x19000] =	vst v63  }
0x3c3: {  	_ =	swait.ge [sflag:s22], $0x4000  }
0x3c4: {  	(v2sf) =	vpush v5, $0xF;
	_ =	sdelay $0x3  }
0x3c5: {  	[sflag:s22] =	ssyncset.done $0x0  }
0x3c6: {  	s2 =	rddreg [dreg:$0x19];
	[sflag:s22] =	ssyncadd.s32 $0xFFFFC000  }
0x3c7: {  	[hbm4b:s2+s3] =	stream.linear.scatter [tilespmem:s30], [sflag:$0x7], $0x4000, $0x38;
	[tilespmem:$0x19000] =	vst v63  }
0x3c8: {  	v4 =	vld [tilespmem:s5+$0x180];
	_ =	sdelay $0x4  }
0x3c9: {  	vm1 =	vne.s32 v4, $0x1  }
0x3ca: {  	v4 =	vsel vm1, $0x1, v0  }
0x3cb: {  	(xrf0) =	vadd.scan.msk.s32 $0xffff, v4  }
0x3cc: {  	s2 =	spop (v2sf)  }
0x3cd: {  	s0 =	sadd.s32 s0, s2  }
0x3ce: {  	v4 =	vmov s0  }
0x3cf: {  	v4 =	vadd.s32 $0x1, v4  }
0x3d0: {  	v4 =	vbroadcast v4, $0x0  }
0x3d1: {  	v5, _, _ =	vpop (xrf0)  }
0x3d2: {  	v4 =	vadd.s32 v5, v4  }
0x3d3: {  	v4 =	vnsel vm1, $0x1, v4  }
0x3d4: {  	v57 =	vshll.u32 v4, $0x3  }
0x3d5: {  	v4 =	vand.u32 $0x7, v4;
	v6 =	vand.u32 $0xFFFFFFC0, v57  }
0x3d6: {  	v4 =	vor.u32 v4, v6  }
0x3d7: {  	v6 =	vperm.xlane v4, v1;
	_ =	sdelay $0x1  }
0x3d8: {  	v6 =	vadd.s32 v2, v6;
	_ =	sdelay $0x1  }
0x3d9: {  	_ =	swait.ge [sflag:s19], $0x4000  }
0x3da: {  	[sflag:s19] =	ssyncset.done $0x0  }
0x3db: {  	[sflag:s19] =	ssyncadd.s32 $0xFFFFC000  }
0x3dc: {  	[tilespmem:s30], [sflag:$0x1] =	stream.indirect_vreg.gather [hbm4b:s1+s3], $0x80, v6, vm0, $0xb8;
	[tilespmem:$0x19000] =	vst v63  }
0x3dd: {  	s2 =	simm.s32 $0x1800;
	v4 =	vperm.xlane v4, v3  }
0x3de: {  	[tilespmem:s2], [sflag:$0x1] =	stream.indirect_vreg.gather [hbm4b:s6+s3], $0x80, v6, vm0, $0xb8;
	[tilespmem:$0x19000] =	vst v63  }
0x3df: {  	v4 =	vadd.s32 v2, v4;
	s2 =	simm.s32 $0x2000  }
0x3e0: {  	[tilespmem:s2], [sflag:$0x1] =	stream.indirect_vreg.gather [hbm4b:s7+s3], $0x80, v6, vm0, $0xb8;
	[tilespmem:$0x19000] =	vst v63  }
0x3e1: {  	s2 =	simm.s32 $0x2800  }
0x3e2: {  	[tilespmem:s2], [sflag:$0x1] =	stream.indirect_vreg.gather [hbm4b:s9+s3], $0x80, v6, vm0, $0xb8;
	[tilespmem:$0x19000] =	vst v63  }
0x3e3: {  	s2 =	simm.s32 $0x3000  }
0x3e4: {  	[tilespmem:s2], [sflag:$0x1] =	stream.indirect_vreg.gather [hbm4b:s1+s3], $0x80, v4, vm0, $0xb8;
	[tilespmem:$0x19000] =	vst v63  }
0x3e5: {  	s2 =	simm.s32 $0x3800  }
0x3e6: {  	[tilespmem:s2], [sflag:$0x1] =	stream.indirect_vreg.gather [hbm4b:s6+s3], $0x80, v4, vm0, $0xb8;
	[tilespmem:$0x19000] =	vst v63  }
0x3e7: {  	s2 =	simm.s32 $0x4000  }
0x3e8: {  	[tilespmem:s2], [sflag:$0x1] =	stream.indirect_vreg.gather [hbm4b:s7+s3], $0x80, v4, vm0, $0xb8;
	[tilespmem:$0x19000] =	vst v63  }
0x3e9: {  	s2 =	simm.s32 $0x4800  }
0x3ea: {  	[tilespmem:s2], [sflag:$0x1] =	stream.indirect_vreg.gather [hbm4b:s9+s3], $0x80, v4, vm0, $0xb8;
	[tilespmem:$0x19000] =	vst v63  }
0x3eb: {  	_ =	swait.ge [sflag:s15], $0x4000  }
0x3ec: {  	(v2sf) =	vpush v5, $0xF;
	_ =	sdelay $0x3  }
0x3ed: {  	[sflag:s15] =	ssyncset.done $0x0  }
0x3ee: {  	s2 =	rddreg [dreg:$0x1a];
	[sflag:s15] =	ssyncadd.s32 $0xFFFFC000  }
0x3ef: {  	[hbm4b:s2+s3] =	stream.linear.scatter [tilespmem:s4], [sflag:$0x8], $0x4000, $0x38;
	[tilespmem:$0x19000] =	vst v63  }
0x3f0: {  	v4 =	vld [tilespmem:s5+$0x190];
	_ =	sdelay $0x4  }
0x3f1: {  	vm1 =	vne.s32 v4, $0x1  }
0x3f2: {  	v4 =	vsel vm1, $0x1, v0  }
0x3f3: {  	(xrf0) =	vadd.scan.msk.s32 $0xffff, v4  }
0x3f4: {  	s2 =	spop (v2sf)  }
0x3f5: {  	s0 =	sadd.s32 s0, s2  }
0x3f6: {  	v4 =	vmov s0  }
0x3f7: {  	v4 =	vadd.s32 $0x1, v4  }
0x3f8: {  	v4 =	vbroadcast v4, $0x0  }
0x3f9: {  	v5, _, _ =	vpop (xrf0)  }
0x3fa: {  	v4 =	vadd.s32 v5, v4  }
0x3fb: {  	v4 =	vnsel vm1, $0x1, v4  }
0x3fc: {  	v58 =	vshll.u32 v4, $0x3  }
0x3fd: {  	v4 =	vand.u32 $0x7, v4;
	v6 =	vand.u32 $0xFFFFFFC0, v58  }
0x3fe: {  	v4 =	vor.u32 v4, v6  }
0x3ff: {  	v6 =	vperm.xlane v4, v1;
	_ =	sdelay $0x1  }
0x400: {  	v6 =	vadd.s32 v2, v6;
	_ =	sdelay $0x1  }
0x401: {  	_ =	swait.ge [sflag:s17], $0x4000  }
0x402: {  	[sflag:s17] =	ssyncset.done $0x0  }
0x403: {  	[sflag:s17] =	ssyncadd.s32 $0xFFFFC000  }
0x404: {  	[tilespmem:s4], [sflag:$0x2] =	stream.indirect_vreg.gather [hbm4b:s1+s3], $0x80, v6, vm0, $0xb8;
	[tilespmem:$0x19000] =	vst v63  }
0x405: {  	s2 =	simm.s32 $0x5800;
	v4 =	vperm.xlane v4, v3  }
0x406: {  	[tilespmem:s2], [sflag:$0x2] =	stream.indirect_vreg.gather [hbm4b:s6+s3], $0x80, v6, vm0, $0xb8;
	[tilespmem:$0x19000] =	vst v63  }
0x407: {  	v4 =	vadd.s32 v2, v4;
	s2 =	simm.s32 $0x6000  }
0x408: {  	[tilespmem:s2], [sflag:$0x2] =	stream.indirect_vreg.gather [hbm4b:s7+s3], $0x80, v6, vm0, $0xb8;
	[tilespmem:$0x19000] =	vst v63  }
0x409: {  	s2 =	simm.s32 $0x6800  }
0x40a: {  	[tilespmem:s2], [sflag:$0x2] =	stream.indirect_vreg.gather [hbm4b:s9+s3], $0x80, v6, vm0, $0xb8;
	[tilespmem:$0x19000] =	vst v63  }
0x40b: {  	s2 =	simm.s32 $0x7000  }
0x40c: {  	[tilespmem:s2], [sflag:$0x2] =	stream.indirect_vreg.gather [hbm4b:s1+s3], $0x80, v4, vm0, $0xb8;
	[tilespmem:$0x19000] =	vst v63  }
0x40d: {  	s2 =	simm.s32 $0x7800  }
0x40e: {  	[tilespmem:s2], [sflag:$0x2] =	stream.indirect_vreg.gather [hbm4b:s6+s3], $0x80, v4, vm0, $0xb8;
	[tilespmem:$0x19000] =	vst v63  }
0x40f: {  	s2 =	simm.s32 $0x8000  }
0x410: {  	[tilespmem:s2], [sflag:$0x2] =	stream.indirect_vreg.gather [hbm4b:s7+s3], $0x80, v4, vm0, $0xb8;
	[tilespmem:$0x19000] =	vst v63  }
0x411: {  	s2 =	simm.s32 $0x8800  }
0x412: {  	[tilespmem:s2], [sflag:$0x2] =	stream.indirect_vreg.gather [hbm4b:s9+s3], $0x80, v4, vm0, $0xb8;
	[tilespmem:$0x19000] =	vst v63  }
0x413: {  	_ =	swait.ge [sflag:s18], $0x4000  }
0x414: {  	(v2sf) =	vpush v5, $0xF;
	_ =	sdelay $0x3  }
0x415: {  	[sflag:s18] =	ssyncset.done $0x0  }
0x416: {  	s2 =	rddreg [dreg:$0x1b];
	[sflag:s18] =	ssyncadd.s32 $0xFFFFC000  }
0x417: {  	[hbm4b:s2+s3] =	stream.linear.scatter [tilespmem:s8], [sflag:$0x9], $0x4000, $0x38;
	[tilespmem:$0x19000] =	vst v63  }
0x418: {  	v4 =	vld [tilespmem:s5+$0x1A0];
	_ =	sdelay $0x4  }
0x419: {  	vm1 =	vne.s32 v4, $0x1  }
0x41a: {  	v4 =	vsel vm1, $0x1, v0  }
0x41b: {  	(xrf0) =	vadd.scan.msk.s32 $0xffff, v4  }
0x41c: {  	s2 =	spop (v2sf)  }
0x41d: {  	s0 =	sadd.s32 s0, s2  }
0x41e: {  	v4 =	vmov s0  }
0x41f: {  	v4 =	vadd.s32 $0x1, v4  }
0x420: {  	v4 =	vbroadcast v4, $0x0  }
0x421: {  	v5, _, _ =	vpop (xrf0)  }
0x422: {  	v4 =	vadd.s32 v5, v4  }
0x423: {  	v4 =	vnsel vm1, $0x1, v4  }
0x424: {  	v59 =	vshll.u32 v4, $0x3  }
0x425: {  	v4 =	vand.u32 $0x7, v4;
	v6 =	vand.u32 $0xFFFFFFC0, v59  }
0x426: {  	v4 =	vor.u32 v4, v6  }
0x427: {  	v6 =	vperm.xlane v4, v1;
	_ =	sdelay $0x1  }
0x428: {  	v6 =	vadd.s32 v2, v6;
	_ =	sdelay $0x1  }
0x429: {  	_ =	swait.ge [sflag:s21], $0x4000  }
0x42a: {  	[sflag:s21] =	ssyncset.done $0x0  }
0x42b: {  	[sflag:s21] =	ssyncadd.s32 $0xFFFFC000  }
0x42c: {  	[tilespmem:s8], [sflag:$0x3] =	stream.indirect_vreg.gather [hbm4b:s1+s3], $0x80, v6, vm0, $0xb8;
	[tilespmem:$0x19000] =	vst v63  }
0x42d: {  	s2 =	simm.s32 $0x9800;
	v4 =	vperm.xlane v4, v3  }
0x42e: {  	[tilespmem:s2], [sflag:$0x3] =	stream.indirect_vreg.gather [hbm4b:s6+s3], $0x80, v6, vm0, $0xb8;
	[tilespmem:$0x19000] =	vst v63  }
0x42f: {  	v4 =	vadd.s32 v2, v4;
	s2 =	simm.s32 $0xA000  }
0x430: {  	[tilespmem:s2], [sflag:$0x3] =	stream.indirect_vreg.gather [hbm4b:s7+s3], $0x80, v6, vm0, $0xb8;
	[tilespmem:$0x19000] =	vst v63  }
0x431: {  	s2 =	simm.s32 $0xA800  }
0x432: {  	[tilespmem:s2], [sflag:$0x3] =	stream.indirect_vreg.gather [hbm4b:s9+s3], $0x80, v6, vm0, $0xb8;
	[tilespmem:$0x19000] =	vst v63  }
0x433: {  	s2 =	simm.s32 $0xB000  }
0x434: {  	[tilespmem:s2], [sflag:$0x3] =	stream.indirect_vreg.gather [hbm4b:s1+s3], $0x80, v4, vm0, $0xb8;
	[tilespmem:$0x19000] =	vst v63  }
0x435: {  	s2 =	simm.s32 $0xB800  }
0x436: {  	[tilespmem:s2], [sflag:$0x3] =	stream.indirect_vreg.gather [hbm4b:s6+s3], $0x80, v4, vm0, $0xb8;
	[tilespmem:$0x19000] =	vst v63  }
0x437: {  	s2 =	simm.s32 $0xC000  }
0x438: {  	[tilespmem:s2], [sflag:$0x3] =	stream.indirect_vreg.gather [hbm4b:s7+s3], $0x80, v4, vm0, $0xb8;
	[tilespmem:$0x19000] =	vst v63  }
0x439: {  	s2 =	simm.s32 $0xC800  }
0x43a: {  	[tilespmem:s2], [sflag:$0x3] =	stream.indirect_vreg.gather [hbm4b:s9+s3], $0x80, v4, vm0, $0xb8;
	[tilespmem:$0x19000] =	vst v63  }
0x43b: {  	_ =	swait.ge [sflag:s23], $0x4000  }
0x43c: {  	(v2sf) =	vpush v5, $0xF;
	_ =	sdelay $0x3  }
0x43d: {  	[sflag:s23] =	ssyncset.done $0x0  }
0x43e: {  	s2 =	rddreg [dreg:$0x1c];
	[sflag:s23] =	ssyncadd.s32 $0xFFFFC000  }
0x43f: {  	[hbm4b:s2+s3] =	stream.linear.scatter [tilespmem:s14], [sflag:$0xA], $0x4000, $0x38;
	[tilespmem:$0x19000] =	vst v63  }
0x440: {  	v4 =	vld [tilespmem:s5+$0x1B0];
	_ =	sdelay $0x4  }
0x441: {  	vm1 =	vne.s32 v4, $0x1  }
0x442: {  	v4 =	vsel vm1, $0x1, v0  }
0x443: {  	(xrf0) =	vadd.scan.msk.s32 $0xffff, v4  }
0x444: {  	s2 =	spop (v2sf)  }
0x445: {  	s0 =	sadd.s32 s0, s2  }
0x446: {  	v4 =	vmov s0  }
0x447: {  	v4 =	vadd.s32 $0x1, v4  }
0x448: {  	v4 =	vbroadcast v4, $0x0  }
0x449: {  	v5, _, _ =	vpop (xrf0)  }
0x44a: {  	v4 =	vadd.s32 v5, v4  }
0x44b: {  	v4 =	vnsel vm1, $0x1, v4  }
0x44c: {  	v60 =	vshll.u32 v4, $0x3  }
0x44d: {  	v4 =	vand.u32 $0x7, v4;
	v6 =	vand.u32 $0xFFFFFFC0, v60  }
0x44e: {  	v4 =	vor.u32 v4, v6  }
0x44f: {  	v6 =	vperm.xlane v4, v1;
	_ =	sdelay $0x1  }
0x450: {  	v6 =	vadd.s32 v2, v6;
	_ =	sdelay $0x1  }
0x451: {  	_ =	swait.ge [sflag:s24], $0x4000  }
0x452: {  	[sflag:s24] =	ssyncset.done $0x0  }
0x453: {  	[sflag:s24] =	ssyncadd.s32 $0xFFFFC000  }
0x454: {  	[tilespmem:s14], [sflag:$0x4] =	stream.indirect_vreg.gather [hbm4b:s1+s3], $0x80, v6, vm0, $0xb8;
	[tilespmem:$0x19000] =	vst v63  }
0x455: {  	s2 =	simm.s32 $0xD800;
	v4 =	vperm.xlane v4, v3  }
0x456: {  	[tilespmem:s2], [sflag:$0x4] =	stream.indirect_vreg.gather [hbm4b:s6+s3], $0x80, v6, vm0, $0xb8;
	[tilespmem:$0x19000] =	vst v63  }
0x457: {  	v4 =	vadd.s32 v2, v4;
	s2 =	simm.s32 $0xE000  }
0x458: {  	[tilespmem:s2], [sflag:$0x4] =	stream.indirect_vreg.gather [hbm4b:s7+s3], $0x80, v6, vm0, $0xb8;
	[tilespmem:$0x19000] =	vst v63  }
0x459: {  	s2 =	simm.s32 $0xE800  }
0x45a: {  	[tilespmem:s2], [sflag:$0x4] =	stream.indirect_vreg.gather [hbm4b:s9+s3], $0x80, v6, vm0, $0xb8;
	[tilespmem:$0x19000] =	vst v63  }
0x45b: {  	s2 =	simm.s32 $0xF000  }
0x45c: {  	[tilespmem:s2], [sflag:$0x4] =	stream.indirect_vreg.gather [hbm4b:s1+s3], $0x80, v4, vm0, $0xb8;
	[tilespmem:$0x19000] =	vst v63  }
0x45d: {  	s2 =	simm.s32 $0xF800  }
0x45e: {  	[tilespmem:s2], [sflag:$0x4] =	stream.indirect_vreg.gather [hbm4b:s6+s3], $0x80, v4, vm0, $0xb8;
	[tilespmem:$0x19000] =	vst v63  }
0x45f: {  	s2 =	simm.s32 $0x10000  }
0x460: {  	[tilespmem:s2], [sflag:$0x4] =	stream.indirect_vreg.gather [hbm4b:s7+s3], $0x80, v4, vm0, $0xb8;
	[tilespmem:$0x19000] =	vst v63  }
0x461: {  	s2 =	simm.s32 $0x10800  }
0x462: {  	[tilespmem:s2], [sflag:$0x4] =	stream.indirect_vreg.gather [hbm4b:s9+s3], $0x80, v4, vm0, $0xb8;
	[tilespmem:$0x19000] =	vst v63  }
0x463: {  	_ =	swait.ge [sflag:s25], $0x4000  }
0x464: {  	(v2sf) =	vpush v5, $0xF;
	_ =	sdelay $0x3  }
0x465: {  	[sflag:s25] =	ssyncset.done $0x0  }
0x466: {  	s2 =	rddreg [dreg:$0x1d];
	[sflag:s25] =	ssyncadd.s32 $0xFFFFC000  }
0x467: {  	[hbm4b:s2+s3] =	stream.linear.scatter [tilespmem:s16], [sflag:$0xB], $0x4000, $0x38;
	[tilespmem:$0x19000] =	vst v63  }
0x468: {  	v4 =	vld [tilespmem:s5+$0x1C0];
	_ =	sdelay $0x4  }
0x469: {  	vm1 =	vne.s32 v4, $0x1  }
0x46a: {  	v4 =	vsel vm1, $0x1, v0  }
0x46b: {  	(xrf0) =	vadd.scan.msk.s32 $0xffff, v4  }
0x46c: {  	s2 =	spop (v2sf)  }
0x46d: {  	s0 =	sadd.s32 s0, s2  }
0x46e: {  	v4 =	vmov s0  }
0x46f: {  	v4 =	vadd.s32 $0x1, v4  }
0x470: {  	v4 =	vbroadcast v4, $0x0  }
0x471: {  	v5, _, _ =	vpop (xrf0)  }
0x472: {  	v4 =	vadd.s32 v5, v4  }
0x473: {  	v4 =	vnsel vm1, $0x1, v4  }
0x474: {  	v61 =	vshll.u32 v4, $0x3  }
0x475: {  	v4 =	vand.u32 $0x7, v4;
	v6 =	vand.u32 $0xFFFFFFC0, v61  }
0x476: {  	v4 =	vor.u32 v4, v6  }
0x477: {  	v6 =	vperm.xlane v4, v1;
	_ =	sdelay $0x1  }
0x478: {  	v6 =	vadd.s32 v2, v6;
	_ =	sdelay $0x1  }
0x479: {  	_ =	swait.ge [sflag:s26], $0x4000  }
0x47a: {  	[sflag:s26] =	ssyncset.done $0x0  }
0x47b: {  	[sflag:s26] =	ssyncadd.s32 $0xFFFFC000  }
0x47c: {  	[tilespmem:s16], [sflag:$0x5] =	stream.indirect_vreg.gather [hbm4b:s1+s3], $0x80, v6, vm0, $0xb8;
	[tilespmem:$0x19000] =	vst v63  }
0x47d: {  	s2 =	simm.s32 $0x11800;
	v4 =	vperm.xlane v4, v3  }
0x47e: {  	[tilespmem:s2], [sflag:$0x5] =	stream.indirect_vreg.gather [hbm4b:s6+s3], $0x80, v6, vm0, $0xb8;
	[tilespmem:$0x19000] =	vst v63  }
0x47f: {  	v4 =	vadd.s32 v2, v4;
	s2 =	simm.s32 $0x12000  }
0x480: {  	[tilespmem:s2], [sflag:$0x5] =	stream.indirect_vreg.gather [hbm4b:s7+s3], $0x80, v6, vm0, $0xb8;
	[tilespmem:$0x19000] =	vst v63  }
0x481: {  	s2 =	simm.s32 $0x12800  }
0x482: {  	[tilespmem:s2], [sflag:$0x5] =	stream.indirect_vreg.gather [hbm4b:s9+s3], $0x80, v6, vm0, $0xb8;
	[tilespmem:$0x19000] =	vst v63  }
0x483: {  	s2 =	simm.s32 $0x13000  }
0x484: {  	[tilespmem:s2], [sflag:$0x5] =	stream.indirect_vreg.gather [hbm4b:s1+s3], $0x80, v4, vm0, $0xb8;
	[tilespmem:$0x19000] =	vst v63  }
0x485: {  	s2 =	simm.s32 $0x13800  }
0x486: {  	[tilespmem:s2], [sflag:$0x5] =	stream.indirect_vreg.gather [hbm4b:s6+s3], $0x80, v4, vm0, $0xb8;
	[tilespmem:$0x19000] =	vst v63  }
0x487: {  	s2 =	simm.s32 $0x14000  }
0x488: {  	[tilespmem:s2], [sflag:$0x5] =	stream.indirect_vreg.gather [hbm4b:s7+s3], $0x80, v4, vm0, $0xb8;
	[tilespmem:$0x19000] =	vst v63  }
0x489: {  	s2 =	simm.s32 $0x14800  }
0x48a: {  	[tilespmem:s2], [sflag:$0x5] =	stream.indirect_vreg.gather [hbm4b:s9+s3], $0x80, v4, vm0, $0xb8;
	[tilespmem:$0x19000] =	vst v63  }
0x48b: {  	_ =	swait.ge [sflag:s28], $0x4000  }
0x48c: {  	(v2sf) =	vpush v5, $0xF;
	_ =	sdelay $0x3  }
0x48d: {  	[sflag:s28] =	ssyncset.done $0x0  }
0x48e: {  	s2 =	rddreg [dreg:$0x1e];
	[sflag:s28] =	ssyncadd.s32 $0xFFFFC000  }
0x48f: {  	[hbm4b:s2+s3] =	stream.linear.scatter [tilespmem:s20], [sflag:$0xC], $0x4000, $0x38;
	[tilespmem:$0x19000] =	vst v63  }
0x490: {  	v4 =	vld [tilespmem:s5+$0x1D0];
	_ =	sdelay $0x4  }
0x491: {  	vm1 =	vne.s32 v4, $0x1  }
0x492: {  	v4 =	vsel vm1, $0x1, v0  }
0x493: {  	(xrf0) =	vadd.scan.msk.s32 $0xffff, v4  }
0x494: {  	s2 =	spop (v2sf)  }
0x495: {  	s0 =	sadd.s32 s0, s2  }
0x496: {  	v4 =	vmov s0  }
0x497: {  	v4 =	vadd.s32 $0x1, v4  }
0x498: {  	v4 =	vbroadcast v4, $0x0  }
0x499: {  	v5, _, _ =	vpop (xrf0)  }
0x49a: {  	v4 =	vadd.s32 v5, v4  }
0x49b: {  	v4 =	vnsel vm1, $0x1, v4  }
0x49c: {  	v62 =	vshll.u32 v4, $0x3  }
0x49d: {  	v4 =	vand.u32 $0x7, v4;
	v6 =	vand.u32 $0xFFFFFFC0, v62  }
0x49e: {  	v4 =	vor.u32 v4, v6  }
0x49f: {  	v6 =	vperm.xlane v4, v1;
	_ =	sdelay $0x1  }
0x4a0: {  	v6 =	vadd.s32 v2, v6;
	_ =	sdelay $0x1  }
0x4a1: {  	_ =	swait.ge [sflag:s29], $0x4000  }
0x4a2: {  	[sflag:s29] =	ssyncset.done $0x0  }
0x4a3: {  	[sflag:s29] =	ssyncadd.s32 $0xFFFFC000  }
0x4a4: {  	[tilespmem:s20], [sflag:$0x6] =	stream.indirect_vreg.gather [hbm4b:s1+s3], $0x80, v6, vm0, $0xb8;
	[tilespmem:$0x19000] =	vst v63  }
0x4a5: {  	s2 =	simm.s32 $0x15800;
	v4 =	vperm.xlane v4, v3  }
0x4a6: {  	[tilespmem:s2], [sflag:$0x6] =	stream.indirect_vreg.gather [hbm4b:s6+s3], $0x80, v6, vm0, $0xb8;
	[tilespmem:$0x19000] =	vst v63  }
0x4a7: {  	s10 =	simm.s32 $0x16000;
	v4 =	vadd.s32 v2, v4  }
0x4a8: {  	[tilespmem:s10], [sflag:$0x6] =	stream.indirect_vreg.gather [hbm4b:s7+s3], $0x80, v6, vm0, $0xb8;
	[tilespmem:$0x19000] =	vst v63  }
0x4a9: {  	s11 =	simm.s32 $0x16800  }
0x4aa: {  	[tilespmem:s11], [sflag:$0x6] =	stream.indirect_vreg.gather [hbm4b:s9+s3], $0x80, v6, vm0, $0xb8;
	[tilespmem:$0x19000] =	vst v63  }
0x4ab: {  	s12 =	simm.s32 $0x17000  }
0x4ac: {  	[tilespmem:s12], [sflag:$0x6] =	stream.indirect_vreg.gather [hbm4b:s1+s3], $0x80, v4, vm0, $0xb8;
	[tilespmem:$0x19000] =	vst v63  }
0x4ad: {  	s13 =	simm.s32 $0x17800  }
0x4ae: {  	[tilespmem:s13], [sflag:$0x6] =	stream.indirect_vreg.gather [hbm4b:s6+s3], $0x80, v4, vm0, $0xb8;
	[tilespmem:$0x19000] =	vst v63  }
0x4af: {  	s13 =	simm.s32 $0x18000  }
0x4b0: {  	[tilespmem:s13], [sflag:$0x6] =	stream.indirect_vreg.gather [hbm4b:s7+s3], $0x80, v4, vm0, $0xb8;
	[tilespmem:$0x19000] =	vst v63  }
0x4b1: {  	s10 =	simm.s32 $0x18800  }
0x4b2: {  	[tilespmem:s10], [sflag:$0x6] =	stream.indirect_vreg.gather [hbm4b:s9+s3], $0x80, v4, vm0, $0xb8;
	[tilespmem:$0x19000] =	vst v63  }
0x4b3: {  	_ =	swait.ge [sflag:s22], $0x4000  }
0x4b4: {  	(v2sf) =	vpush v5, $0xF;
	_ =	sdelay $0x3  }
0x4b5: {  	[sflag:s22] =	ssyncset.done $0x0  }
0x4b6: {  	s11 =	rddreg [dreg:$0x1f];
	[sflag:s22] =	ssyncadd.s32 $0xFFFFC000  }
0x4b7: {  	[hbm4b:s11+s3] =	stream.linear.scatter [tilespmem:s30], [sflag:$0x7], $0x4000, $0x38;
	[tilespmem:$0x19000] =	vst v63  }
0x4b8: {  	v4 =	vld [tilespmem:s5+$0x1E0];
	_ =	sdelay $0x4  }
0x4b9: {  	vm1 =	vne.s32 v4, $0x1  }
0x4ba: {  	v4 =	vsel vm1, $0x1, v0  }
0x4bb: {  	(xrf0) =	vadd.scan.msk.s32 $0xffff, v4  }
0x4bc: {  	s12 =	spop (v2sf)  }
0x4bd: {  	s0 =	sadd.s32 s0, s12  }
0x4be: {  	v4 =	vmov s0  }
0x4bf: {  	v4 =	vadd.s32 $0x1, v4  }
0x4c0: {  	v4 =	vbroadcast v4, $0x0  }
0x4c1: {  	v5, _, _ =	vpop (xrf0)  }
0x4c2: {  	v4 =	vadd.s32 v5, v4  }
0x4c3: {  	v4 =	vnsel vm1, $0x1, v4  }
0x4c4: {  	v63 =	vshll.u32 v4, $0x3  }
0x4c5: {  	v4 =	vand.u32 $0x7, v4;
	v6 =	vand.u32 $0xFFFFFFC0, v63  }
0x4c6: {  	v4 =	vor.u32 v4, v6  }
0x4c7: {  	v6 =	vperm.xlane v4, v1;
	_ =	sdelay $0x1  }
0x4c8: {  	v6 =	vadd.s32 v2, v6;
	_ =	sdelay $0x1  }
0x4c9: {  	_ =	swait.ge [sflag:s19], $0x4000  }
0x4ca: {  	[sflag:s19] =	ssyncset.done $0x0  }
0x4cb: {  	[sflag:s19] =	ssyncadd.s32 $0xFFFFC000  }
0x4cc: {  	[tilespmem:s30], [sflag:$0x1] =	stream.indirect_vreg.gather [hbm4b:s1+s3], $0x80, v6, vm0, $0xb8;
	[tilespmem:$0x19000] =	vst v63  }
0x4cd: {  	s13 =	simm.s32 $0x1800;
	v4 =	vperm.xlane v4, v3  }
0x4ce: {  	[tilespmem:s13], [sflag:$0x1] =	stream.indirect_vreg.gather [hbm4b:s6+s3], $0x80, v6, vm0, $0xb8;
	[tilespmem:$0x19000] =	vst v63  }
0x4cf: {  	s10 =	simm.s32 $0x2000;
	v4 =	vadd.s32 v2, v4  }
0x4d0: {  	[tilespmem:s10], [sflag:$0x1] =	stream.indirect_vreg.gather [hbm4b:s7+s3], $0x80, v6, vm0, $0xb8;
	[tilespmem:$0x19000] =	vst v63  }
0x4d1: {  	s11 =	simm.s32 $0x2800  }
0x4d2: {  	[tilespmem:s11], [sflag:$0x1] =	stream.indirect_vreg.gather [hbm4b:s9+s3], $0x80, v6, vm0, $0xb8;
	[tilespmem:$0x19000] =	vst v63  }
0x4d3: {  	s12 =	simm.s32 $0x3000  }
0x4d4: {  	[tilespmem:s12], [sflag:$0x1] =	stream.indirect_vreg.gather [hbm4b:s1+s3], $0x80, v4, vm0, $0xb8;
	[tilespmem:$0x19000] =	vst v63  }
0x4d5: {  	s13 =	simm.s32 $0x3800  }
0x4d6: {  	[tilespmem:s13], [sflag:$0x1] =	stream.indirect_vreg.gather [hbm4b:s6+s3], $0x80, v4, vm0, $0xb8;
	[tilespmem:$0x19000] =	vst v63  }
0x4d7: {  	s10 =	simm.s32 $0x4000  }
0x4d8: {  	[tilespmem:s10], [sflag:$0x1] =	stream.indirect_vreg.gather [hbm4b:s7+s3], $0x80, v4, vm0, $0xb8;
	[tilespmem:$0x19000] =	vst v63  }
0x4d9: {  	s11 =	simm.s32 $0x4800  }
0x4da: {  	[tilespmem:s11], [sflag:$0x1] =	stream.indirect_vreg.gather [hbm4b:s9+s3], $0x80, v4, vm0, $0xb8;
	[tilespmem:$0x19000] =	vst v63  }
0x4db: {  	_ =	swait.ge [sflag:s15], $0x4000  }
0x4dc: {  	(v2sf) =	vpush v5, $0xF;
	_ =	sdelay $0x2  }
0x4dd: {  	s12 =	sld [smem:$0x7F7]  }
0x4de: {  	[sflag:s15] =	ssyncset.done $0x0  }
0x4df: {  	[sflag:s15] =	ssyncadd.s32 $0xFFFFC000  }
0x4e0: {  	[hbm4b:s12+s3] =	stream.linear.scatter [tilespmem:s4], [sflag:$0x8], $0x4000, $0x38;
	[tilespmem:$0x19000] =	vst v63  }
0x4e1: {  	v4 =	vld [tilespmem:s5+$0x1F0];
	_ =	sdelay $0x4  }
0x4e2: {  	vm1 =	vne.s32 v4, $0x1  }
0x4e3: {  	v4 =	vsel vm1, $0x1, v0  }
0x4e4: {  	(xrf0) =	vadd.scan.msk.s32 $0xffff, v4  }
0x4e5: {  	s13 =	spop (v2sf)  }
0x4e6: {  	s0 =	sadd.s32 s0, s13  }
0x4e7: {  	v4 =	vmov s0  }
0x4e8: {  	v4 =	vadd.s32 $0x1, v4  }
0x4e9: {  	v4 =	vbroadcast v4, $0x0  }
0x4ea: {  	v5, _, _ =	vpop (xrf0)  }
0x4eb: {  	v4 =	vadd.s32 v5, v4  }
0x4ec: {  	v4 =	vnsel vm1, $0x1, v4  }
0x4ed: {  	v5 =	vshll.u32 v4, $0x3  }
0x4ee: {  	v4 =	vand.u32 $0x7, v4;
	v5 =	vand.u32 $0xFFFFFFC0, v5  }
0x4ef: {  	v4 =	vor.u32 v4, v5  }
0x4f0: {  	v5 =	vperm.xlane v4, v1;
	_ =	sdelay $0x1  }
0x4f1: {  	v5 =	vadd.s32 v2, v5;
	_ =	sdelay $0x1  }
0x4f2: {  	_ =	swait.ge [sflag:s17], $0x4000  }
0x4f3: {  	[sflag:s17] =	ssyncset.done $0x0  }
0x4f4: {  	[sflag:s17] =	ssyncadd.s32 $0xFFFFC000  }
0x4f5: {  	[tilespmem:s4], [sflag:$0x2] =	stream.indirect_vreg.gather [hbm4b:s1+s3], $0x80, v5, vm0, $0xb8;
	[tilespmem:$0x19000] =	vst v63  }
0x4f6: {  	s10 =	simm.s32 $0x5800;
	v4 =	vperm.xlane v4, v3  }
0x4f7: {  	[tilespmem:s10], [sflag:$0x2] =	stream.indirect_vreg.gather [hbm4b:s6+s3], $0x80, v5, vm0, $0xb8;
	[tilespmem:$0x19000] =	vst v63  }
0x4f8: {  	s11 =	simm.s32 $0x6000;
	v4 =	vadd.s32 v2, v4  }
0x4f9: {  	[tilespmem:s11], [sflag:$0x2] =	stream.indirect_vreg.gather [hbm4b:s7+s3], $0x80, v5, vm0, $0xb8;
	[tilespmem:$0x19000] =	vst v63  }
0x4fa: {  	s12 =	simm.s32 $0x6800  }
0x4fb: {  	[tilespmem:s12], [sflag:$0x2] =	stream.indirect_vreg.gather [hbm4b:s9+s3], $0x80, v5, vm0, $0xb8;
	[tilespmem:$0x19000] =	vst v63  }
0x4fc: {  	s13 =	simm.s32 $0x7000  }
0x4fd: {  	[tilespmem:s13], [sflag:$0x2] =	stream.indirect_vreg.gather [hbm4b:s1+s3], $0x80, v4, vm0, $0xb8;
	[tilespmem:$0x19000] =	vst v63  }
0x4fe: {  	s2 =	simm.s32 $0x7800  }
0x4ff: {  	[tilespmem:s2], [sflag:$0x2] =	stream.indirect_vreg.gather [hbm4b:s6+s3], $0x80, v4, vm0, $0xb8;
	[tilespmem:$0x19000] =	vst v63  }
0x500: {  	s10 =	simm.s32 $0x8000  }
0x501: {  	[tilespmem:s10], [sflag:$0x2] =	stream.indirect_vreg.gather [hbm4b:s7+s3], $0x80, v4, vm0, $0xb8;
	[tilespmem:$0x19000] =	vst v63  }
0x502: {  	s11 =	simm.s32 $0x8800  }
0x503: {  	[tilespmem:s11], [sflag:$0x2] =	stream.indirect_vreg.gather [hbm4b:s9+s3], $0x80, v4, vm0, $0xb8;
	[tilespmem:$0x19000] =	vst v63  }
0x504: {  	_ =	swait.ge [sflag:s18], $0x4000  }
0x505: {  	s12 =	sld [smem:$0x7F8]  }
0x506: {  	[sflag:s18] =	ssyncset.done $0x0  }
0x507: {  	[sflag:s18] =	ssyncadd.s32 $0xFFFFC000  }
0x508: {  	[hbm4b:s12+s3] =	stream.linear.scatter [tilespmem:s8], [sflag:$0x9], $0x4000, $0x38;
	[tilespmem:$0x19000] =	vst v63  }
0x509: {  	_ =	swait.ge [sflag:s23], $0x4000  }
0x50a: {  	s13 =	sld [smem:$0x7F9]  }
0x50b: {  	[sflag:s23] =	ssyncset.done $0x0  }
0x50c: {  	[sflag:s23] =	ssyncadd.s32 $0xFFFFC000  }
0x50d: {  	[hbm4b:s13+s3] =	stream.linear.scatter [tilespmem:s14], [sflag:$0xA], $0x4000, $0x38;
	[tilespmem:$0x19000] =	vst v63  }
0x50e: {  	_ =	swait.ge [sflag:s25], $0x4000  }
0x50f: {  	s2 =	sld [smem:$0x7FA]  }
0x510: {  	[sflag:s25] =	ssyncset.done $0x0  }
0x511: {  	[sflag:s25] =	ssyncadd.s32 $0xFFFFC000  }
0x512: {  	[hbm4b:s2+s3] =	stream.linear.scatter [tilespmem:s16], [sflag:$0xB], $0x4000, $0x38;
	[tilespmem:$0x19000] =	vst v63  }
0x513: {  	_ =	swait.ge [sflag:s28], $0x4000  }
0x514: {  	s10 =	sld [smem:$0x7FB]  }
0x515: {  	[sflag:s28] =	ssyncset.done $0x0  }
0x516: {  	[sflag:s28] =	ssyncadd.s32 $0xFFFFC000  }
0x517: {  	[hbm4b:s10+s3] =	stream.linear.scatter [tilespmem:s20], [sflag:$0xC], $0x4000, $0x38;
	[tilespmem:$0x19000] =	vst v63  }
0x518: {  	_ =	swait.ge [sflag:s22], $0x4000  }
0x519: {  	s11 =	sld [smem:$0x7FC]  }
0x51a: {  	[sflag:s22] =	ssyncset.done $0x0  }
0x51b: {  	[sflag:s22] =	ssyncadd.s32 $0xFFFFC000  }
0x51c: {  	[hbm4b:s11+s3] =	stream.linear.scatter [tilespmem:s30], [sflag:$0x7], $0x4000, $0x38;
	[tilespmem:$0x19000] =	vst v63  }
0x51d: {  	_ =	swait.ge [sflag:s15], $0x4000  }
0x51e: {  	s12 =	sld [smem:$0x7FD]  }
0x51f: {  	[sflag:s15] =	ssyncset.done $0x0  }
0x520: {  	[sflag:s15] =	ssyncadd.s32 $0xFFFFC000  }
0x521: {  	[hbm4b:s12+s3] =	stream.linear.scatter [tilespmem:s4], [sflag:$0x8], $0x4000, $0x38;
	[tilespmem:$0x19000] =	vst v63  }
0x522: {  	_ =	swait.ge [sflag:s21], $0x4000  }
0x523: {  	[sflag:s21] =	ssyncset.done $0x0  }
0x524: {  	[sflag:s21] =	ssyncadd.s32 $0xFFFFC000  }
0x525: {  	_ =	swait.ge [sflag:s24], $0x4000  }
0x526: {  	[sflag:s24] =	ssyncset.done $0x0  }
0x527: {  	[sflag:s24] =	ssyncadd.s32 $0xFFFFC000  }
0x528: {  	_ =	swait.ge [sflag:s26], $0x4000  }
0x529: {  	[sflag:s26] =	ssyncset.done $0x0  }
0x52a: {  	[sflag:s26] =	ssyncadd.s32 $0xFFFFC000  }
0x52b: {  	_ =	swait.ge [sflag:s29], $0x4000  }
0x52c: {  	[sflag:s29] =	ssyncset.done $0x0  }
0x52d: {  	[sflag:s29] =	ssyncadd.s32 $0xFFFFC000  }
0x52e: {  	_ =	swait.ge [sflag:s19], $0x4000  }
0x52f: {  	[sflag:s19] =	ssyncset.done $0x0  }
0x530: {  	[sflag:s19] =	ssyncadd.s32 $0xFFFFC000  }
0x531: {  	_ =	swait.ge [sflag:s17], $0x4000  }
0x532: {  	s31 =	sadd.s32 $0x1, s31;
	s13 =	rddreg [dreg:$0x15]  }
0x533: {  	p1 =	sne.s32 s31, s13  }
.Ltmp1:
0x534: {  	_ = 	snop;
	(pc) =	sbr.rel @!p1 .LBB2_6-.Ltmp1, $3  }
0x535: {  	_ =	sdelay $0x1  }
0x536: {  	[sflag:s17] =	ssyncset.done $0x0  }
0x537: {  	[sflag:s17] =	ssyncadd.s32 $0xFFFFC000  }
.LBB2_1:
0x538: {  	s0 =	rddreg [dreg:$0x4];
	s2 =	simm.s32 $0x80  }
.Ltmp2:
0x539: {  	s4 =	simm.s32 $0x200;
	s13 =	simm.s32 $0xD;
	(pc) =	sbr.rel @p0 .LBB2_5-.Ltmp2, $4  }
0x53a: {  	[tilespmem:s3], [sflag:$0xD] =	stream.strided.gather [hbm4b:s0+s2], $0x1000, s4, s2, $0x38;
	[tilespmem:$0x19000] =	vst v63  }
0x53b: {  	_ =	swait.ge [sflag:s13], $0x1000  }
0x53c: {  	[sflag:s13] =	ssyncset.done $0x0  }
0x53d: {  	v4 =	vimm.s32 $0x0;
	s2 =	simm.s32 $0x20;
	[sflag:s13] =	ssyncadd.s32 $0xFFFFF000  }
0x53e: {  	s0 =	rddreg [dreg:$0x12]  }
0x53f: {  	v7 =	vld [tilespmem:s2+$0xFFFFFFE0];
	p1 =	sne.s32 s0, $0x1  }
.Ltmp3:
0x540: {  	v6 =	vld [tilespmem:s2+$0xFFFFFFF0];
	(pc) =	sbr.rel @!p1 .LBB2_4-.Ltmp3, $3  }
0x541: {  	v5 =	vld [tilespmem:s2+$0x0]  }
0x542: {  	v4 =	vld [tilespmem:s2+$0x10];
	_ =	sdelay $0x1  }
0x543: {  	s2 =	sadd.s32 $0x40, s2;
	s0 =	sadd.s32 $0xFFFFFFFF, s0;
	vm1 =	vne.s32 v7, $0x1;
	v7 =	vimm.s32 $0x0  }
.LBB2_3:
0x544: {  	v8 =	vld [tilespmem:s2+$0xFFFFFFE0];
	p1 =	sne.s32 s0, $0x1;
	s0 =	sadd.s32 $0xFFFFFFFF, s0;
	v9 =	vsel vm1, $0x1, v0;
	vm1 =	vne.s32 v6, $0x1  }
.Ltmp4:
0x545: {  	v6 =	vld [tilespmem:s2+$0xFFFFFFF0];
	v7 =	vadd.s32 v9, v7;
	v9 =	vsel vm1, $0x1, v0;
	vm1 =	vne.s32 v5, $0x1;
	(pc) =	sbr.rel @p1 .LBB2_3-.Ltmp4, $4  }
0x546: {  	v5 =	vld [tilespmem:s2+$0x0];
	v7 =	vadd.s32 v9, v7;
	v9 =	vsel vm1, $0x1, v0;
	vm1 =	vne.s32 v4, $0x1  }
0x547: {  	v4 =	vld [tilespmem:s2+$0x10];
	v7 =	vadd.s32 v9, v7;
	v9 =	vsel vm1, $0x1, v0  }
0x548: {  	v7 =	vadd.s32 v9, v7  }
0x549: {  	s2 =	sadd.s32 $0x40, s2;
	vm1 =	vne.s32 v8, $0x1  }
.Ltmp5:
0x54a: {  	_ = 	snop;
	(pc) =	sbr.rel .LBB2_4-.Ltmp5, $1  }
0x54b: {  	_ =	sdelay $0x3  }
.LBB2_6:
0x54c: {  	_ =	sfence.sel $0x180000  }
0x54d: {  	[bflag:$0x0] =	sbarrier.arrive $0xFFFF  }
0x54e: {  	_ =	strace $0x90000047  }
0x54f: {  	s0 =	stileid.u32;
	[bflag:$0x2] =	sbarrier.arrive $0xFFFF  }
0x550: {  	p0 =	sne.s32 s0, $0x0;
	s0 =	rddreg [dreg:$0x3]  }
0x551: {  	s0 =	sadd.s32 @!p0 $0x100000, s0  }
0x552: {  	[sflag:s0] =	ssyncadd.tile.s32 @!p0 $0x1;
	_ =	shalt  }
.Lfunc_end2:
_tile_overlayer_lowered:
.L_overlay_start_2:
0x553: {  	(tag) =	ssettag $0x2  }
0x554: {  	s0 =	rddreg [dreg:$0x0];
	s2 =	stileid.u32  }
0x555: {  	s1 =	rddreg [dreg:$0x1];
	p0 =	sne.s32 s2, $0x0  }
0x556: {  	s3 =	rddreg [dreg:$0x2];
	[bflag:$0x3] =	sbarrier.arrive $0xFFFF;
	s2 =	simm.s32 @!p0 $0x1C0D  }
0x557: {  	[timem:s3], [sflag:s2] =	dma.local @!p0 [hbm:s0], s1  }
0x558: {  	s0 =	simm.s32 @!p0 $0xD  }
0x559: {  	_ =	swait.ge @!p0 [sflag:s0], s1  }
0x55a: {  	s1 =	ssub.s32 @!p0 $0x0, s1;
	[sflag:s0] =	ssyncset.done @!p0 $0x0  }
0x55b: {  	[sflag:s0] =	ssyncadd.s32 @!p0 s1  }
0x55c: {  	[bflag:$0x3] =	sbarrier.arrive $0xFFFF  }
0x55d: {  	_ =	shalt  }

</sc_bundles>
